<compile_context>
chip_gen: v7x
topology: tpu7x:2x2x1
jax: 0.10.2.dev20260603
libtpu: 0.0.44.dev20260713+nightly
codegen_flags: <defaults>
</compile_context>

<pallas_src>
import functools

import jax
import jax.numpy as jnp
from jax import lax
from jax.experimental import pallas as pl
from jax.experimental.pallas import tpu as pltpu
from jax.experimental.pallas import tpu_sc as plsc

NS = 16
NC = 2
CHUNK = 80

_HIGH = jax.lax.Precision.HIGHEST


def _sc_mesh():
    return plsc.VectorSubcoreMesh(core_axis_name="c", subcore_axis_name="s",
                                  num_cores=NC, num_subcores=NS)


def _make_deg_kernel(n_nodes, n_chunks, nacc, rows_per_tile, half):
    w_chunks = n_chunks // 2

    @functools.partial(
        pl.kernel,
        out_type=jax.ShapeDtypeStruct((2 * n_nodes, half), jnp.float32),
        mesh=_sc_mesh(),
        scratch_types=[
            pltpu.VMEM((w_chunks, CHUNK), jnp.int32),
            pltpu.VMEM((CHUNK, half), jnp.float32),
            [pltpu.SemaphoreType.DMA for _ in range(3)],
            pltpu.VMEM_SHARED((nacc, half), jnp.float32),
        ],
    )
    def deg_kernel(ones_hbm, dst_hbm, out_hbm, dst_v, ones_v, sems, acc):
        c = lax.axis_index("c")
        s = lax.axis_index("s")
        pltpu.sync_copy(dst_hbm.at[s, c], dst_v)
        pltpu.sync_copy(ones_hbm.at[pl.ds(0, CHUNK)], ones_v)
        row0 = s * rows_per_tile
        pltpu.sync_copy(ones_hbm, acc.at[pl.ds(row0, rows_per_tile)])
        plsc.subcore_barrier()

        def body(i, _):
            b = 3 * i
            for t in range(3):
                pltpu.async_copy(ones_v, acc.at[dst_v.at[b + t]], sems[t],
                                 add=True)
            for t in range(3):
                pltpu.make_async_copy(ones_v, acc.at[dst_v.at[b + t]],
                                      sems[t]).wait()
            return 0

        lax.fori_loop(0, w_chunks // 3, body, 0)
        plsc.subcore_barrier()
        pltpu.sync_copy(
            acc.at[pl.ds(row0, rows_per_tile)],
            out_hbm.at[pl.ds(c * n_nodes + row0, rows_per_tile)],
        )

    return deg_kernel


def _make_agg_kernel(n_nodes, n_chunks, nacc, rows_per_tile, half):

    W = n_chunks // 2

    @functools.partial(
        pl.kernel,
        out_type=jax.ShapeDtypeStruct((2 * n_nodes, half), jnp.float32),
        mesh=_sc_mesh(),
        scratch_types=[
            pltpu.VMEM((W, CHUNK), jnp.int32),
            pltpu.VMEM((W, CHUNK), jnp.int32),
            [pltpu.VMEM((CHUNK, half), jnp.float32) for _ in range(3)],
            [pltpu.SemaphoreType.DMA for _ in range(3)],
            [pltpu.SemaphoreType.DMA for _ in range(3)],
            pltpu.VMEM_SHARED((nacc, half), jnp.float32),
        ],
    )
    def agg_kernel(y_hbm, src_hbm, dst_hbm, out_hbm,
                   src_v, dst_v, bufs, gsem, ssem, acc):
        c = lax.axis_index("c")
        s = lax.axis_index("s")
        row0 = c * n_nodes + s * rows_per_tile
        pltpu.sync_copy(
            y_hbm.at[pl.ds(row0, rows_per_tile)],
            acc.at[pl.ds(s * rows_per_tile, rows_per_tile)],
        )
        plsc.subcore_barrier()

        def g_fire(j, t):
            pltpu.async_copy(y_hbm.at[src_v.at[j]], bufs[t], gsem[t])

        def g_wait(j, t):
            pltpu.make_async_copy(y_hbm.at[src_v.at[j]], bufs[t],
                                  gsem[t]).wait()

        def sc_fire(j, t):
            pltpu.async_copy(bufs[t], acc.at[dst_v.at[j]], ssem[t], add=True)

        def sc_wait(j, t):
            pltpu.make_async_copy(bufs[t], acc.at[dst_v.at[j]],
                                  ssem[t]).wait()

        def body(k, _):
            j = 3 * k
            sc_wait(j - 1, 2); g_fire(j + 2, 2)
            g_wait(j, 0); sc_fire(j, 0)
            sc_wait(j, 0); g_fire(j + 3, 0)
            g_wait(j + 1, 1); sc_fire(j + 1, 1)
            sc_wait(j + 1, 1); g_fire(j + 4, 1)
            g_wait(j + 2, 2); sc_fire(j + 2, 2)
            return 0

        for w in range(2):
            pltpu.sync_copy(src_hbm.at[c, s, w], src_v)
            pltpu.sync_copy(dst_hbm.at[s, w], dst_v)
            g_fire(0, 0); g_fire(1, 1); g_fire(2, 2)
            g_wait(0, 0); sc_fire(0, 0); sc_wait(0, 0); g_fire(3, 0)
            g_wait(1, 1); sc_fire(1, 1); sc_wait(1, 1); g_fire(4, 1)
            g_wait(2, 2); sc_fire(2, 2)
            lax.fori_loop(1, W // 3 - 1, body, 0)
            e = W - 3
            sc_wait(e - 1, 2); g_fire(e + 2, 2)
            g_wait(e, 0); sc_fire(e, 0); sc_wait(e, 0)
            g_wait(e + 1, 1); sc_fire(e + 1, 1); sc_wait(e + 1, 1)
            g_wait(e + 2, 2); sc_fire(e + 2, 2); sc_wait(e + 2, 2)
        plsc.subcore_barrier()
        pltpu.sync_copy(
            acc.at[pl.ds(s * rows_per_tile, rows_per_tile)],
            out_hbm.at[pl.ds(row0, rows_per_tile)],
        )

    return agg_kernel


def _scale_kernel(n_nodes, n_pad, in_ch, half, acc_w, blk):

    def body(deg_ref, x_ref, dinv_ref, y_ref):
        degp1 = deg_ref[0][:, 0:1] + deg_ref[1][:, 0:1] - 1.0
        dinv = lax.rsqrt(degp1)
        dinv_ref[...] = jnp.broadcast_to(dinv, (blk, acc_w))
        y = x_ref[...] * dinv
        y_ref[0] = y[:, :half]
        y_ref[1] = y[:, half:]

    grid = n_nodes // blk
    return pl.pallas_call(
        body,
        grid=(grid,),
        in_specs=[
            pl.BlockSpec((2, blk, half), lambda i: (0, i, 0)),
            pl.BlockSpec((blk, in_ch), lambda i: (i, 0)),
        ],
        out_specs=[
            pl.BlockSpec((blk, acc_w), lambda i: (i, 0)),
            pl.BlockSpec((2, blk, half), lambda i: (0, i, 0)),
        ],
        out_shape=[
            jax.ShapeDtypeStruct((n_pad, acc_w), jnp.float32),
            jax.ShapeDtypeStruct((2, n_pad, half), jnp.float32),
        ],
    )


def _mlp_kernel(n_nodes, n_pad, in_ch, hid_ch, out_ch, half, acc_w, blk):

    def body(agg_ref, dinv_ref, w1_ref, b1_ref, w2_ref, z_ref):
        a = jnp.concatenate([agg_ref[0], agg_ref[1]], axis=1)
        dinv = dinv_ref[...][:, 0:1]
        a = a * dinv
        h = jnp.dot(a, w1_ref[...], preferred_element_type=jnp.float32,
                    precision=None)
        h = jnp.maximum(h + b1_ref[...], 0.0)
        z = jnp.dot(h, w2_ref[...], preferred_element_type=jnp.float32,
                    precision=None)
        z = z * dinv
        z_ref[0] = z[:, :half]
        z_ref[1] = z[:, half:]

    grid = n_nodes // blk
    return pl.pallas_call(
        body,
        grid=(grid,),
        in_specs=[
            pl.BlockSpec((2, blk, half), lambda i: (0, i, 0)),
            pl.BlockSpec((blk, acc_w), lambda i: (i, 0)),
            pl.BlockSpec((in_ch, hid_ch), lambda i: (0, 0)),
            pl.BlockSpec((1, hid_ch), lambda i: (0, 0)),
            pl.BlockSpec((hid_ch, out_ch), lambda i: (0, 0)),
        ],
        out_specs=pl.BlockSpec((2, blk, half), lambda i: (0, i, 0)),
        out_shape=jax.ShapeDtypeStruct((2, n_pad, half), jnp.float32),
    )


def _final_kernel(n_nodes, out_ch, half, acc_w, blk):

    def body(agg_ref, dinv_ref, b2_ref, out_ref):
        a = jnp.concatenate([agg_ref[0], agg_ref[1]], axis=1)
        dinv = dinv_ref[...][:, 0:1]
        out_ref[...] = a * dinv + b2_ref[...]

    grid = n_nodes // blk
    return pl.pallas_call(
        body,
        grid=(grid,),
        in_specs=[
            pl.BlockSpec((2, blk, half), lambda i: (0, i, 0)),
            pl.BlockSpec((blk, acc_w), lambda i: (i, 0)),
            pl.BlockSpec((1, out_ch), lambda i: (0, 0)),
        ],
        out_specs=pl.BlockSpec((blk, out_ch), lambda i: (i, 0)),
        out_shape=jax.ShapeDtypeStruct((n_nodes, out_ch), jnp.float32),
    )


def kernel(x, edge_index, W1, b1, W2, b2):
    n_nodes, in_ch = x.shape
    hid_ch = W1.shape[1]
    out_ch = W2.shape[1]
    n_edges = edge_index.shape[1]
    half = in_ch // 2
    acc_w = 8
    blk = 2000

    n_pad = -(-n_nodes // (NS * 8)) * (NS * 8)
    rows_per_tile = n_pad // NS
    per_tile = -(-n_edges // NS)
    n_chunks = -(-per_tile // CHUNK)
    n_chunks = (n_chunks + 5) // 6 * 6
    nacc = n_pad

    src = edge_index[0].astype(jnp.int32)
    dst = edge_index[1].astype(jnp.int32)
    e_pad = NS * n_chunks * CHUNK - n_edges
    src_p = jnp.concatenate([src, jnp.zeros((e_pad,), jnp.int32)])
    dst_p = jnp.concatenate([dst, jnp.full((e_pad,), n_nodes, jnp.int32)])
    W = n_chunks // 2
    src_t = src_p.reshape(NS, 2, W, CHUNK)
    src_both = jnp.stack([src_t, src_t + n_pad])
    dst_t = dst_p.reshape(NS, 2, W, CHUNK)

    agg = _make_agg_kernel(n_pad, n_chunks, nacc, rows_per_tile, half)
    ones = jnp.ones((rows_per_tile, half), jnp.float32)
    degp = _make_deg_kernel(n_pad, n_chunks, nacc, rows_per_tile, half)(
        ones, dst_t)
    dinv, ybuf = _scale_kernel(n_nodes, n_pad, in_ch, half, acc_w, blk)(
        degp.reshape(2, n_pad, half), x)

    agg1 = agg(ybuf.reshape(2 * n_pad, half), src_both, dst_t)
    z = _mlp_kernel(n_nodes, n_pad, in_ch, hid_ch, out_ch, half, acc_w, blk)(
        agg1.reshape(2, n_pad, half), dinv, W1, b1.reshape(1, hid_ch), W2)
    agg2 = agg(z.reshape(2 * n_pad, half), src_both, dst_t)
    return _final_kernel(n_nodes, out_ch, half, acc_w, blk)(
        agg2.reshape(2, n_pad, half), dinv, b2.reshape(1, out_ch))

# --- scband reference (transcript-rebuilt; emitter-appended) ---
"""Pipeline reference for scband-gcn-54116587929621 (READ-ONLY COPY).

The authoritative reference and input builder live on the scoring server;
editing this copy changes nothing except your own understanding.
"""

import jax, jax.numpy as jnp
import numpy as np

N_NODES = 10000
N_EDGES = 160000
IN_CH = 256
HID_CH = 512
OUT_CH = 256


def gcn_conv(x, edge_index, W, b):
    # Faithful PyG GCNConv: linear transform, add self-loops,
    # symmetric deg^-1/2 normalization, scatter-add aggregation, bias.
    N = x.shape[0]
    src = edge_index[0]
    dst = edge_index[1]
    loop = jnp.arange(N, dtype=src.dtype)
    src = jnp.concatenate([src, loop])
    dst = jnp.concatenate([dst, loop])
    deg = jnp.zeros((N,), dtype=x.dtype).at[dst].add(1.0)
    dinv = jnp.where(deg > 0, deg ** -0.5, 0.0)
    norm = dinv[src] * dinv[dst]
    xw = x @ W
    msg = jnp.take(xw, src, axis=0) * norm[:, None]
    out = jnp.zeros((N, W.shape[1]), dtype=x.dtype).at[dst].add(msg)
    return out + b


def setup_inputs(seed: int = 0) -> dict:
    key = jax.random.key(seed)
    k1, k2, k3, k4, k5, k6 = jax.random.split(key, 6)
    x = jax.random.normal(k1, (N_NODES, IN_CH), dtype=jnp.float32)
    edge_index = jax.random.randint(k2, (2, N_EDGES), 0, N_NODES, dtype=jnp.int64)
    s1 = 1.0 / np.sqrt(IN_CH)
    s2 = 1.0 / np.sqrt(HID_CH)
    W1 = jax.random.uniform(k3, (IN_CH, HID_CH), dtype=jnp.float32, minval=-s1, maxval=s1)
    b1 = jnp.zeros((HID_CH,), dtype=jnp.float32)
    W2 = jax.random.uniform(k4, (HID_CH, OUT_CH), dtype=jnp.float32, minval=-s2, maxval=s2)
    b2 = jnp.zeros((OUT_CH,), dtype=jnp.float32)
    return {"x": x, "edge_index": edge_index, "W1": W1, "b1": b1, "W2": W2, "b2": b2}


def reference(x, edge_index, W1, b1, W2, b2):
    # conv1 -> relu -> dropout(eval=identity) -> conv2 -> dropout(eval=identity)
    h = gcn_conv(x, edge_index, W1, b1)
    h = jax.nn.relu(h)
    out = gcn_conv(h, edge_index, W2, b2)
    return out

if __name__ == "__main__":
    import jax
    _d = setup_inputs()
    print(jax.jit(kernel)(*tuple(_d.values())))

</pallas_src>

<mosaic_0001>
#map = affine_map<(d0, d1) -> (0, 0)>
#map1 = affine_map<(d0, d1) -> (0, 0, 0, 0, 0)>
#map2 = affine_map<(d0, d1) -> (0, 0, 0, 0)>
module attributes {stable_mosaic.version = 14 : i64} {
  func.func @agg_kernel(%arg0: i32, %arg1: i32, %arg2: memref<20224x128xf32, #tpu.memory_space<hbm>>, %arg3: memref<2x16x2x63x80xi32, #tpu.memory_space<hbm>>, %arg4: memref<16x2x63x80xi32, #tpu.memory_space<hbm>>, %arg5: memref<20224x128xf32, #tpu.memory_space<hbm>>, %arg6: memref<63x80xi32, #tpu.memory_space<vmem>>, %arg7: memref<63x80xi32, #tpu.memory_space<vmem>>, %arg8: memref<80x128xf32, #tpu.memory_space<vmem>>, %arg9: memref<80x128xf32, #tpu.memory_space<vmem>>, %arg10: memref<80x128xf32, #tpu.memory_space<vmem>>, %arg11: memref<!tpu.dma_semaphore, #tpu.memory_space<semaphore_mem>>, %arg12: memref<!tpu.dma_semaphore, #tpu.memory_space<semaphore_mem>>, %arg13: memref<!tpu.dma_semaphore, #tpu.memory_space<semaphore_mem>>, %arg14: memref<!tpu.dma_semaphore, #tpu.memory_space<semaphore_mem>>, %arg15: memref<!tpu.dma_semaphore, #tpu.memory_space<semaphore_mem>>, %arg16: memref<!tpu.dma_semaphore, #tpu.memory_space<semaphore_mem>>, %arg17: memref<10112x128xf32, #tpu.memory_space<vmem_shared>>) attributes {dimension_semantics = [#tpu.dimension_semantics<core_parallel>, #tpu.dimension_semantics<subcore_parallel>], iteration_bounds = array<i64: 2, 16>, scalar_prefetch = 0 : i64, scratch_operands = 12 : i64, tpu.core_type = #tpu.core_type<sc_vector_subcore>, window_params = [{transform_indices = #map}, {transform_indices = #map1}, {transform_indices = #map2}, {transform_indices = #map}]} {
    %mul3A = arith.constant 10112 : i32
    %mul3A_0 = arith.muli %arg0, %mul3A : i32
    %mul3A_1 = arith.constant 632 : i32
    %mul3A_2 = arith.muli %arg1, %mul3A_1 : i32
    %add3A = arith.addi %mul3A_0, %mul3A_2 : i32
    %mul3A_3 = arith.constant 632 : i32
    %mul3A_4 = arith.muli %arg1, %mul3A_3 : i32
    "tpu.region"() ({
      %run_scoped3A_358 = tpu.sem_alloc : memref<!tpu.dma_semaphore, #tpu.memory_space<semaphore_mem>>
      %dma_start3A_359 = arith.constant 0 : i32
      %dma_start3A_360 = tpu.memref_slice %arg17[%mul3A_4, %dma_start3A_359] : memref<10112x128xf32, #tpu.memory_space<vmem_shared>> -> memref<632x128xf32, #tpu.memory_space<vmem_shared>>
      %dma_start3A_361 = arith.constant 0 : i32
      %dma_start3A_362 = tpu.memref_slice %arg2[%add3A, %dma_start3A_361] : memref<20224x128xf32, #tpu.memory_space<hbm>> -> memref<632x128xf32, #tpu.memory_space<hbm>>
      tpu.enqueue_dma source(%dma_start3A_362 : memref<632x128xf32, #tpu.memory_space<hbm>>) target(%dma_start3A_360 : memref<632x128xf32, #tpu.memory_space<vmem_shared>>) target_semaphore(%run_scoped3A_358 : memref<!tpu.dma_semaphore, #tpu.memory_space<semaphore_mem>>)
      %dma_wait3A_363 = arith.constant 0 : i32
      %dma_wait3A_364 = tpu.memref_slice %arg17[%mul3A_4, %dma_wait3A_363] : memref<10112x128xf32, #tpu.memory_space<vmem_shared>> -> memref<632x128xf32, #tpu.memory_space<vmem_shared>>
      %dma_wait3A_365 = arith.constant 0 : i32
      %dma_wait3A_366 = tpu.memref_slice %arg2[%add3A, %dma_wait3A_365] : memref<20224x128xf32, #tpu.memory_space<hbm>> -> memref<632x128xf32, #tpu.memory_space<hbm>>
      tpu.wait_dma2 semaphore(%run_scoped3A_358 : memref<!tpu.dma_semaphore, #tpu.memory_space<semaphore_mem>>) src(%dma_wait3A_366 : memref<632x128xf32, #tpu.memory_space<hbm>>) dst(%dma_wait3A_364 : memref<632x128xf32, #tpu.memory_space<vmem_shared>>)
      tpu.yield
    }) : () -> ()
    %barrier3A = arith.constant 0 : index
    tpu.barrier barrier_id(%barrier3A)
    %run_scoped3A = arith.constant 0 : i32
    "tpu.region"() ({
      %run_scoped3A_358 = tpu.sem_alloc : memref<!tpu.dma_semaphore, #tpu.memory_space<semaphore_mem>>
      %dma_start3A_359 = arith.constant 0 : i32
      %dma_start3A_360 = arith.constant 0 : i32
      %dma_start3A_361 = tpu.memref_slice %arg3[%arg0, %arg1, %run_scoped3A, %dma_start3A_359, %dma_start3A_360] : memref<2x16x2x63x80xi32, #tpu.memory_space<hbm>> -> memref<1x1x1x63x80xi32, #tpu.memory_space<hbm>>
      %dma_start3A_362 = tpu.memref_squeeze %dma_start3A_361 : memref<1x1x1x63x80xi32, #tpu.memory_space<hbm>> -> memref<63x80xi32, #tpu.memory_space<hbm>>
      %dma_start3A_363 = arith.constant 0 : i32
      %dma_start3A_364 = arith.constant 0 : i32
      %dma_start3A_365 = tpu.memref_slice %arg3[%arg0, %arg1, %run_scoped3A, %dma_start3A_363, %dma_start3A_364] : memref<2x16x2x63x80xi32, #tpu.memory_space<hbm>> -> memref<1x1x1x63x80xi32, #tpu.memory_space<hbm>>
      %dma_start3A_366 = tpu.memref_squeeze %dma_start3A_365 : memref<1x1x1x63x80xi32, #tpu.memory_space<hbm>> -> memref<63x80xi32, #tpu.memory_space<hbm>>
      tpu.enqueue_dma source(%dma_start3A_366 : memref<63x80xi32, #tpu.memory_space<hbm>>) target(%arg6 : memref<63x80xi32, #tpu.memory_space<vmem>>) target_semaphore(%run_scoped3A_358 : memref<!tpu.dma_semaphore, #tpu.memory_space<semaphore_mem>>)
      %dma_wait3A_367 = arith.constant 0 : i32
      %dma_wait3A_368 = arith.constant 0 : i32
      %dma_wait3A_369 = tpu.memref_slice %arg3[%arg0, %arg1, %run_scoped3A, %dma_wait3A_367, %dma_wait3A_368] : memref<2x16x2x63x80xi32, #tpu.memory_space<hbm>> -> memref<1x1x1x63x80xi32, #tpu.memory_space<hbm>>
      %dma_wait3A_370 = tpu.memref_squeeze %dma_wait3A_369 : memref<1x1x1x63x80xi32, #tpu.memory_space<hbm>> -> memref<63x80xi32, #tpu.memory_space<hbm>>
      %dma_wait3A_371 = arith.constant 0 : i32
      %dma_wait3A_372 = arith.constant 0 : i32
      %dma_wait3A_373 = tpu.memref_slice %arg3[%arg0, %arg1, %run_scoped3A, %dma_wait3A_371, %dma_wait3A_372] : memref<2x16x2x63x80xi32, #tpu.memory_space<hbm>> -> memref<1x1x1x63x80xi32, #tpu.memory_space<hbm>>
      %dma_wait3A_374 = tpu.memref_squeeze %dma_wait3A_373 : memref<1x1x1x63x80xi32, #tpu.memory_space<hbm>> -> memref<63x80xi32, #tpu.memory_space<hbm>>
      tpu.wait_dma2 semaphore(%run_scoped3A_358 : memref<!tpu.dma_semaphore, #tpu.memory_space<semaphore_mem>>) src(%dma_wait3A_374 : memref<63x80xi32, #tpu.memory_space<hbm>>) dst(%arg6 : memref<63x80xi32, #tpu.memory_space<vmem>>)
      tpu.yield
    }) : () -> ()
    %run_scoped3A_5 = arith.constant 0 : i32
    "tpu.region"() ({
      %run_scoped3A_358 = tpu.sem_alloc : memref<!tpu.dma_semaphore, #tpu.memory_space<semaphore_mem>>
      %dma_start3A_359 = arith.constant 0 : i32
      %dma_start3A_360 = arith.constant 0 : i32
      %dma_start3A_361 = tpu.memref_slice %arg4[%arg1, %run_scoped3A_5, %dma_start3A_359, %dma_start3A_360] : memref<16x2x63x80xi32, #tpu.memory_space<hbm>> -> memref<1x1x63x80xi32, #tpu.memory_space<hbm>>
      %dma_start3A_362 = tpu.memref_squeeze %dma_start3A_361 : memref<1x1x63x80xi32, #tpu.memory_space<hbm>> -> memref<63x80xi32, #tpu.memory_space<hbm>>
      %dma_start3A_363 = arith.constant 0 : i32
      %dma_start3A_364 = arith.constant 0 : i32
      %dma_start3A_365 = tpu.memref_slice %arg4[%arg1, %run_scoped3A_5, %dma_start3A_363, %dma_start3A_364] : memref<16x2x63x80xi32, #tpu.memory_space<hbm>> -> memref<1x1x63x80xi32, #tpu.memory_space<hbm>>
      %dma_start3A_366 = tpu.memref_squeeze %dma_start3A_365 : memref<1x1x63x80xi32, #tpu.memory_space<hbm>> -> memref<63x80xi32, #tpu.memory_space<hbm>>
      tpu.enqueue_dma source(%dma_start3A_366 : memref<63x80xi32, #tpu.memory_space<hbm>>) target(%arg7 : memref<63x80xi32, #tpu.memory_space<vmem>>) target_semaphore(%run_scoped3A_358 : memref<!tpu.dma_semaphore, #tpu.memory_space<semaphore_mem>>)
      %dma_wait3A_367 = arith.constant 0 : i32
      %dma_wait3A_368 = arith.constant 0 : i32
      %dma_wait3A_369 = tpu.memref_slice %arg4[%arg1, %run_scoped3A_5, %dma_wait3A_367, %dma_wait3A_368] : memref<16x2x63x80xi32, #tpu.memory_space<hbm>> -> memref<1x1x63x80xi32, #tpu.memory_space<hbm>>
      %dma_wait3A_370 = tpu.memref_squeeze %dma_wait3A_369 : memref<1x1x63x80xi32, #tpu.memory_space<hbm>> -> memref<63x80xi32, #tpu.memory_space<hbm>>
      %dma_wait3A_371 = arith.constant 0 : i32
      %dma_wait3A_372 = arith.constant 0 : i32
      %dma_wait3A_373 = tpu.memref_slice %arg4[%arg1, %run_scoped3A_5, %dma_wait3A_371, %dma_wait3A_372] : memref<16x2x63x80xi32, #tpu.memory_space<hbm>> -> memref<1x1x63x80xi32, #tpu.memory_space<hbm>>
      %dma_wait3A_374 = tpu.memref_squeeze %dma_wait3A_373 : memref<1x1x63x80xi32, #tpu.memory_space<hbm>> -> memref<63x80xi32, #tpu.memory_space<hbm>>
      tpu.wait_dma2 semaphore(%run_scoped3A_358 : memref<!tpu.dma_semaphore, #tpu.memory_space<semaphore_mem>>) src(%dma_wait3A_374 : memref<63x80xi32, #tpu.memory_space<hbm>>) dst(%arg7 : memref<63x80xi32, #tpu.memory_space<vmem>>)
      tpu.yield
    }) : () -> ()
    %dma_start3A = arith.constant 0 : i32
    %dma_start3A_6 = arith.constant 0 : i32
    %dma_start3A_7 = tpu.memref_slice %arg6[%dma_start3A, %dma_start3A_6] : memref<63x80xi32, #tpu.memory_space<vmem>> -> memref<1x80xi32, #tpu.memory_space<vmem>>
    %dma_start3A_8 = tpu.memref_squeeze %dma_start3A_7 : memref<1x80xi32, #tpu.memory_space<vmem>> -> memref<80xi32, #tpu.memory_space<vmem>>
    %dma_start3A_9 = arith.constant 0 : i32
    %dma_start3A_10 = arith.constant 0 : i32
    %dma_start3A_11 = tpu.memref_slice %arg2[%dma_start3A_9, %dma_start3A_10] : memref<20224x128xf32, #tpu.memory_space<hbm>> -> memref<20224x128xf32, #tpu.memory_space<hbm>>
    tpu.enqueue_indirect_dma source(%dma_start3A_11 : memref<20224x128xf32, #tpu.memory_space<hbm>>) target(%arg8 : memref<80x128xf32, #tpu.memory_space<vmem>>) offsets(%dma_start3A_8 : memref<80xi32, #tpu.memory_space<vmem>>) semaphore(%arg11 : memref<!tpu.dma_semaphore, #tpu.memory_space<semaphore_mem>>)
    %dma_start3A_12 = arith.constant 1 : i32
    %dma_start3A_13 = arith.constant 0 : i32
    %dma_start3A_14 = tpu.memref_slice %arg6[%dma_start3A_12, %dma_start3A_13] : memref<63x80xi32, #tpu.memory_space<vmem>> -> memref<1x80xi32, #tpu.memory_space<vmem>>
    %dma_start3A_15 = tpu.memref_squeeze %dma_start3A_14 : memref<1x80xi32, #tpu.memory_space<vmem>> -> memref<80xi32, #tpu.memory_space<vmem>>
    %dma_start3A_16 = arith.constant 0 : i32
    %dma_start3A_17 = arith.constant 0 : i32
    %dma_start3A_18 = tpu.memref_slice %arg2[%dma_start3A_16, %dma_start3A_17] : memref<20224x128xf32, #tpu.memory_space<hbm>> -> memref<20224x128xf32, #tpu.memory_space<hbm>>
    tpu.enqueue_indirect_dma source(%dma_start3A_18 : memref<20224x128xf32, #tpu.memory_space<hbm>>) target(%arg9 : memref<80x128xf32, #tpu.memory_space<vmem>>) offsets(%dma_start3A_15 : memref<80xi32, #tpu.memory_space<vmem>>) semaphore(%arg12 : memref<!tpu.dma_semaphore, #tpu.memory_space<semaphore_mem>>)
    %dma_start3A_19 = arith.constant 2 : i32
    %dma_start3A_20 = arith.constant 0 : i32
    %dma_start3A_21 = tpu.memref_slice %arg6[%dma_start3A_19, %dma_start3A_20] : memref<63x80xi32, #tpu.memory_space<vmem>> -> memref<1x80xi32, #tpu.memory_space<vmem>>
    %dma_start3A_22 = tpu.memref_squeeze %dma_start3A_21 : memref<1x80xi32, #tpu.memory_space<vmem>> -> memref<80xi32, #tpu.memory_space<vmem>>
    %dma_start3A_23 = arith.constant 0 : i32
    %dma_start3A_24 = arith.constant 0 : i32
    %dma_start3A_25 = tpu.memref_slice %arg2[%dma_start3A_23, %dma_start3A_24] : memref<20224x128xf32, #tpu.memory_space<hbm>> -> memref<20224x128xf32, #tpu.memory_space<hbm>>
    tpu.enqueue_indirect_dma source(%dma_start3A_25 : memref<20224x128xf32, #tpu.memory_space<hbm>>) target(%arg10 : memref<80x128xf32, #tpu.memory_space<vmem>>) offsets(%dma_start3A_22 : memref<80xi32, #tpu.memory_space<vmem>>) semaphore(%arg13 : memref<!tpu.dma_semaphore, #tpu.memory_space<semaphore_mem>>)
    %dma_wait3A = arith.constant 0 : i32
    %dma_wait3A_26 = arith.constant 0 : i32
    %dma_wait3A_27 = tpu.memref_slice %arg6[%dma_wait3A, %dma_wait3A_26] : memref<63x80xi32, #tpu.memory_space<vmem>> -> memref<1x80xi32, #tpu.memory_space<vmem>>
    %dma_wait3A_28 = tpu.memref_squeeze %dma_wait3A_27 : memref<1x80xi32, #tpu.memory_space<vmem>> -> memref<80xi32, #tpu.memory_space<vmem>>
    %dma_wait3A_29 = arith.constant 0 : i32
    %dma_wait3A_30 = arith.constant 0 : i32
    %dma_wait3A_31 = tpu.memref_slice %arg2[%dma_wait3A_29, %dma_wait3A_30] : memref<20224x128xf32, #tpu.memory_space<hbm>> -> memref<20224x128xf32, #tpu.memory_space<hbm>>
    tpu.wait_indirect_dma semaphore(%arg11 : memref<!tpu.dma_semaphore, #tpu.memory_space<semaphore_mem>>) src(%dma_wait3A_31 : memref<20224x128xf32, #tpu.memory_space<hbm>>) dst(%arg8 : memref<80x128xf32, #tpu.memory_space<vmem>>)
    %dma_start3A_32 = arith.constant 0 : i32
    %dma_start3A_33 = arith.constant 0 : i32
    %dma_start3A_34 = tpu.memref_slice %arg7[%dma_start3A_32, %dma_start3A_33] : memref<63x80xi32, #tpu.memory_space<vmem>> -> memref<1x80xi32, #tpu.memory_space<vmem>>
    %dma_start3A_35 = tpu.memref_squeeze %dma_start3A_34 : memref<1x80xi32, #tpu.memory_space<vmem>> -> memref<80xi32, #tpu.memory_space<vmem>>
    %dma_start3A_36 = arith.constant 0 : i32
    %dma_start3A_37 = arith.constant 0 : i32
    %dma_start3A_38 = tpu.memref_slice %arg17[%dma_start3A_36, %dma_start3A_37] : memref<10112x128xf32, #tpu.memory_space<vmem_shared>> -> memref<10112x128xf32, #tpu.memory_space<vmem_shared>>
    tpu.enqueue_indirect_dma source(%arg8 : memref<80x128xf32, #tpu.memory_space<vmem>>) target(%dma_start3A_38 : memref<10112x128xf32, #tpu.memory_space<vmem_shared>>) offsets(%dma_start3A_35 : memref<80xi32, #tpu.memory_space<vmem>>) semaphore(%arg14 : memref<!tpu.dma_semaphore, #tpu.memory_space<semaphore_mem>>) {add = true}
    %dma_wait3A_39 = arith.constant 0 : i32
    %dma_wait3A_40 = arith.constant 0 : i32
    %dma_wait3A_41 = tpu.memref_slice %arg7[%dma_wait3A_39, %dma_wait3A_40] : memref<63x80xi32, #tpu.memory_space<vmem>> -> memref<1x80xi32, #tpu.memory_space<vmem>>
    %dma_wait3A_42 = tpu.memref_squeeze %dma_wait3A_41 : memref<1x80xi32, #tpu.memory_space<vmem>> -> memref<80xi32, #tpu.memory_space<vmem>>
    %dma_wait3A_43 = arith.constant 0 : i32
    %dma_wait3A_44 = arith.constant 0 : i32
    %dma_wait3A_45 = tpu.memref_slice %arg17[%dma_wait3A_43, %dma_wait3A_44] : memref<10112x128xf32, #tpu.memory_space<vmem_shared>> -> memref<10112x128xf32, #tpu.memory_space<vmem_shared>>
    tpu.wait_indirect_dma semaphore(%arg14 : memref<!tpu.dma_semaphore, #tpu.memory_space<semaphore_mem>>) src(%arg8 : memref<80x128xf32, #tpu.memory_space<vmem>>) dst(%dma_wait3A_45 : memref<10112x128xf32, #tpu.memory_space<vmem_shared>>)
    %dma_start3A_46 = arith.constant 3 : i32
    %dma_start3A_47 = arith.constant 0 : i32
    %dma_start3A_48 = tpu.memref_slice %arg6[%dma_start3A_46, %dma_start3A_47] : memref<63x80xi32, #tpu.memory_space<vmem>> -> memref<1x80xi32, #tpu.memory_space<vmem>>
    %dma_start3A_49 = tpu.memref_squeeze %dma_start3A_48 : memref<1x80xi32, #tpu.memory_space<vmem>> -> memref<80xi32, #tpu.memory_space<vmem>>
    %dma_start3A_50 = arith.constant 0 : i32
    %dma_start3A_51 = arith.constant 0 : i32
    %dma_start3A_52 = tpu.memref_slice %arg2[%dma_start3A_50, %dma_start3A_51] : memref<20224x128xf32, #tpu.memory_space<hbm>> -> memref<20224x128xf32, #tpu.memory_space<hbm>>
    tpu.enqueue_indirect_dma source(%dma_start3A_52 : memref<20224x128xf32, #tpu.memory_space<hbm>>) target(%arg8 : memref<80x128xf32, #tpu.memory_space<vmem>>) offsets(%dma_start3A_49 : memref<80xi32, #tpu.memory_space<vmem>>) semaphore(%arg11 : memref<!tpu.dma_semaphore, #tpu.memory_space<semaphore_mem>>)
    %dma_wait3A_53 = arith.constant 1 : i32
    %dma_wait3A_54 = arith.constant 0 : i32
    %dma_wait3A_55 = tpu.memref_slice %arg6[%dma_wait3A_53, %dma_wait3A_54] : memref<63x80xi32, #tpu.memory_space<vmem>> -> memref<1x80xi32, #tpu.memory_space<vmem>>
    %dma_wait3A_56 = tpu.memref_squeeze %dma_wait3A_55 : memref<1x80xi32, #tpu.memory_space<vmem>> -> memref<80xi32, #tpu.memory_space<vmem>>
    %dma_wait3A_57 = arith.constant 0 : i32
    %dma_wait3A_58 = arith.constant 0 : i32
    %dma_wait3A_59 = tpu.memref_slice %arg2[%dma_wait3A_57, %dma_wait3A_58] : memref<20224x128xf32, #tpu.memory_space<hbm>> -> memref<20224x128xf32, #tpu.memory_space<hbm>>
    tpu.wait_indirect_dma semaphore(%arg12 : memref<!tpu.dma_semaphore, #tpu.memory_space<semaphore_mem>>) src(%dma_wait3A_59 : memref<20224x128xf32, #tpu.memory_space<hbm>>) dst(%arg9 : memref<80x128xf32, #tpu.memory_space<vmem>>)
    %dma_start3A_60 = arith.constant 1 : i32
    %dma_start3A_61 = arith.constant 0 : i32
    %dma_start3A_62 = tpu.memref_slice %arg7[%dma_start3A_60, %dma_start3A_61] : memref<63x80xi32, #tpu.memory_space<vmem>> -> memref<1x80xi32, #tpu.memory_space<vmem>>
    %dma_start3A_63 = tpu.memref_squeeze %dma_start3A_62 : memref<1x80xi32, #tpu.memory_space<vmem>> -> memref<80xi32, #tpu.memory_space<vmem>>
    %dma_start3A_64 = arith.constant 0 : i32
    %dma_start3A_65 = arith.constant 0 : i32
    %dma_start3A_66 = tpu.memref_slice %arg17[%dma_start3A_64, %dma_start3A_65] : memref<10112x128xf32, #tpu.memory_space<vmem_shared>> -> memref<10112x128xf32, #tpu.memory_space<vmem_shared>>
    tpu.enqueue_indirect_dma source(%arg9 : memref<80x128xf32, #tpu.memory_space<vmem>>) target(%dma_start3A_66 : memref<10112x128xf32, #tpu.memory_space<vmem_shared>>) offsets(%dma_start3A_63 : memref<80xi32, #tpu.memory_space<vmem>>) semaphore(%arg15 : memref<!tpu.dma_semaphore, #tpu.memory_space<semaphore_mem>>) {add = true}
    %dma_wait3A_67 = arith.constant 1 : i32
    %dma_wait3A_68 = arith.constant 0 : i32
    %dma_wait3A_69 = tpu.memref_slice %arg7[%dma_wait3A_67, %dma_wait3A_68] : memref<63x80xi32, #tpu.memory_space<vmem>> -> memref<1x80xi32, #tpu.memory_space<vmem>>
    %dma_wait3A_70 = tpu.memref_squeeze %dma_wait3A_69 : memref<1x80xi32, #tpu.memory_space<vmem>> -> memref<80xi32, #tpu.memory_space<vmem>>
    %dma_wait3A_71 = arith.constant 0 : i32
    %dma_wait3A_72 = arith.constant 0 : i32
    %dma_wait3A_73 = tpu.memref_slice %arg17[%dma_wait3A_71, %dma_wait3A_72] : memref<10112x128xf32, #tpu.memory_space<vmem_shared>> -> memref<10112x128xf32, #tpu.memory_space<vmem_shared>>
    tpu.wait_indirect_dma semaphore(%arg15 : memref<!tpu.dma_semaphore, #tpu.memory_space<semaphore_mem>>) src(%arg9 : memref<80x128xf32, #tpu.memory_space<vmem>>) dst(%dma_wait3A_73 : memref<10112x128xf32, #tpu.memory_space<vmem_shared>>)
    %dma_start3A_74 = arith.constant 4 : i32
    %dma_start3A_75 = arith.constant 0 : i32
    %dma_start3A_76 = tpu.memref_slice %arg6[%dma_start3A_74, %dma_start3A_75] : memref<63x80xi32, #tpu.memory_space<vmem>> -> memref<1x80xi32, #tpu.memory_space<vmem>>
    %dma_start3A_77 = tpu.memref_squeeze %dma_start3A_76 : memref<1x80xi32, #tpu.memory_space<vmem>> -> memref<80xi32, #tpu.memory_space<vmem>>
    %dma_start3A_78 = arith.constant 0 : i32
    %dma_start3A_79 = arith.constant 0 : i32
    %dma_start3A_80 = tpu.memref_slice %arg2[%dma_start3A_78, %dma_start3A_79] : memref<20224x128xf32, #tpu.memory_space<hbm>> -> memref<20224x128xf32, #tpu.memory_space<hbm>>
    tpu.enqueue_indirect_dma source(%dma_start3A_80 : memref<20224x128xf32, #tpu.memory_space<hbm>>) target(%arg9 : memref<80x128xf32, #tpu.memory_space<vmem>>) offsets(%dma_start3A_77 : memref<80xi32, #tpu.memory_space<vmem>>) semaphore(%arg12 : memref<!tpu.dma_semaphore, #tpu.memory_space<semaphore_mem>>)
    %dma_wait3A_81 = arith.constant 2 : i32
    %dma_wait3A_82 = arith.constant 0 : i32
    %dma_wait3A_83 = tpu.memref_slice %arg6[%dma_wait3A_81, %dma_wait3A_82] : memref<63x80xi32, #tpu.memory_space<vmem>> -> memref<1x80xi32, #tpu.memory_space<vmem>>
    %dma_wait3A_84 = tpu.memref_squeeze %dma_wait3A_83 : memref<1x80xi32, #tpu.memory_space<vmem>> -> memref<80xi32, #tpu.memory_space<vmem>>
    %dma_wait3A_85 = arith.constant 0 : i32
    %dma_wait3A_86 = arith.constant 0 : i32
    %dma_wait3A_87 = tpu.memref_slice %arg2[%dma_wait3A_85, %dma_wait3A_86] : memref<20224x128xf32, #tpu.memory_space<hbm>> -> memref<20224x128xf32, #tpu.memory_space<hbm>>
    tpu.wait_indirect_dma semaphore(%arg13 : memref<!tpu.dma_semaphore, #tpu.memory_space<semaphore_mem>>) src(%dma_wait3A_87 : memref<20224x128xf32, #tpu.memory_space<hbm>>) dst(%arg10 : memref<80x128xf32, #tpu.memory_space<vmem>>)
    %dma_start3A_88 = arith.constant 2 : i32
    %dma_start3A_89 = arith.constant 0 : i32
    %dma_start3A_90 = tpu.memref_slice %arg7[%dma_start3A_88, %dma_start3A_89] : memref<63x80xi32, #tpu.memory_space<vmem>> -> memref<1x80xi32, #tpu.memory_space<vmem>>
    %dma_start3A_91 = tpu.memref_squeeze %dma_start3A_90 : memref<1x80xi32, #tpu.memory_space<vmem>> -> memref<80xi32, #tpu.memory_space<vmem>>
    %dma_start3A_92 = arith.constant 0 : i32
    %dma_start3A_93 = arith.constant 0 : i32
    %dma_start3A_94 = tpu.memref_slice %arg17[%dma_start3A_92, %dma_start3A_93] : memref<10112x128xf32, #tpu.memory_space<vmem_shared>> -> memref<10112x128xf32, #tpu.memory_space<vmem_shared>>
    tpu.enqueue_indirect_dma source(%arg10 : memref<80x128xf32, #tpu.memory_space<vmem>>) target(%dma_start3A_94 : memref<10112x128xf32, #tpu.memory_space<vmem_shared>>) offsets(%dma_start3A_91 : memref<80xi32, #tpu.memory_space<vmem>>) semaphore(%arg16 : memref<!tpu.dma_semaphore, #tpu.memory_space<semaphore_mem>>) {add = true}
    %scan3A = arith.constant 0 : i32
    %scan3A_95 = arith.constant 1 : i32
    %scan3A_96 = arith.constant 19 : i32
    %scan3A_97 = arith.addi %scan3A_95, %scan3A_96 : i32
    %scan3A_98 = arith.constant 1 : i32
    %scan3A_99 = scf.for %scan3A_358 = %scan3A_95 to %scan3A_97 step %scan3A_98 iter_args(%scan3A_359 = %scan3A) -> (i32)  : i32 {
      %mul3A_360 = arith.constant 3 : i32
      %mul3A_361 = arith.muli %mul3A_360, %scan3A_358 : i32
      %sub3A = arith.constant 1 : i32
      %sub3A_362 = arith.subi %mul3A_361, %sub3A : i32
      %dma_wait3A_363 = arith.constant 0 : i32
      %dma_wait3A_364 = tpu.memref_slice %arg7[%sub3A_362, %dma_wait3A_363] : memref<63x80xi32, #tpu.memory_space<vmem>> -> memref<1x80xi32, #tpu.memory_space<vmem>>
      %dma_wait3A_365 = tpu.memref_squeeze %dma_wait3A_364 : memref<1x80xi32, #tpu.memory_space<vmem>> -> memref<80xi32, #tpu.memory_space<vmem>>
      %dma_wait3A_366 = arith.constant 0 : i32
      %dma_wait3A_367 = arith.constant 0 : i32
      %dma_wait3A_368 = tpu.memref_slice %arg17[%dma_wait3A_366, %dma_wait3A_367] : memref<10112x128xf32, #tpu.memory_space<vmem_shared>> -> memref<10112x128xf32, #tpu.memory_space<vmem_shared>>
      tpu.wait_indirect_dma semaphore(%arg16 : memref<!tpu.dma_semaphore, #tpu.memory_space<semaphore_mem>>) src(%arg10 : memref<80x128xf32, #tpu.memory_space<vmem>>) dst(%dma_wait3A_368 : memref<10112x128xf32, #tpu.memory_space<vmem_shared>>)
      %add3A_369 = arith.constant 2 : i32
      %add3A_370 = arith.addi %mul3A_361, %add3A_369 : i32
      %dma_start3A_371 = arith.constant 0 : i32
      %dma_start3A_372 = tpu.memref_slice %arg6[%add3A_370, %dma_start3A_371] : memref<63x80xi32, #tpu.memory_space<vmem>> -> memref<1x80xi32, #tpu.memory_space<vmem>>
      %dma_start3A_373 = tpu.memref_squeeze %dma_start3A_372 : memref<1x80xi32, #tpu.memory_space<vmem>> -> memref<80xi32, #tpu.memory_space<vmem>>
      %dma_start3A_374 = arith.constant 0 : i32
      %dma_start3A_375 = arith.constant 0 : i32
      %dma_start3A_376 = tpu.memref_slice %arg2[%dma_start3A_374, %dma_start3A_375] : memref<20224x128xf32, #tpu.memory_space<hbm>> -> memref<20224x128xf32, #tpu.memory_space<hbm>>
      tpu.enqueue_indirect_dma source(%dma_start3A_376 : memref<20224x128xf32, #tpu.memory_space<hbm>>) target(%arg10 : memref<80x128xf32, #tpu.memory_space<vmem>>) offsets(%dma_start3A_373 : memref<80xi32, #tpu.memory_space<vmem>>) semaphore(%arg13 : memref<!tpu.dma_semaphore, #tpu.memory_space<semaphore_mem>>)
      %dma_wait3A_377 = arith.constant 0 : i32
      %dma_wait3A_378 = tpu.memref_slice %arg6[%mul3A_361, %dma_wait3A_377] : memref<63x80xi32, #tpu.memory_space<vmem>> -> memref<1x80xi32, #tpu.memory_space<vmem>>
      %dma_wait3A_379 = tpu.memref_squeeze %dma_wait3A_378 : memref<1x80xi32, #tpu.memory_space<vmem>> -> memref<80xi32, #tpu.memory_space<vmem>>
      %dma_wait3A_380 = arith.constant 0 : i32
      %dma_wait3A_381 = arith.constant 0 : i32
      %dma_wait3A_382 = tpu.memref_slice %arg2[%dma_wait3A_380, %dma_wait3A_381] : memref<20224x128xf32, #tpu.memory_space<hbm>> -> memref<20224x128xf32, #tpu.memory_space<hbm>>
      tpu.wait_indirect_dma semaphore(%arg11 : memref<!tpu.dma_semaphore, #tpu.memory_space<semaphore_mem>>) src(%dma_wait3A_382 : memref<20224x128xf32, #tpu.memory_space<hbm>>) dst(%arg8 : memref<80x128xf32, #tpu.memory_space<vmem>>)
      %dma_start3A_383 = arith.constant 0 : i32
      %dma_start3A_384 = tpu.memref_slice %arg7[%mul3A_361, %dma_start3A_383] : memref<63x80xi32, #tpu.memory_space<vmem>> -> memref<1x80xi32, #tpu.memory_space<vmem>>
      %dma_start3A_385 = tpu.memref_squeeze %dma_start3A_384 : memref<1x80xi32, #tpu.memory_space<vmem>> -> memref<80xi32, #tpu.memory_space<vmem>>
      %dma_start3A_386 = arith.constant 0 : i32
      %dma_start3A_387 = arith.constant 0 : i32
      %dma_start3A_388 = tpu.memref_slice %arg17[%dma_start3A_386, %dma_start3A_387] : memref<10112x128xf32, #tpu.memory_space<vmem_shared>> -> memref<10112x128xf32, #tpu.memory_space<vmem_shared>>
      tpu.enqueue_indirect_dma source(%arg8 : memref<80x128xf32, #tpu.memory_space<vmem>>) target(%dma_start3A_388 : memref<10112x128xf32, #tpu.memory_space<vmem_shared>>) offsets(%dma_start3A_385 : memref<80xi32, #tpu.memory_space<vmem>>) semaphore(%arg14 : memref<!tpu.dma_semaphore, #tpu.memory_space<semaphore_mem>>) {add = true}
      %dma_wait3A_389 = arith.constant 0 : i32
      %dma_wait3A_390 = tpu.memref_slice %arg7[%mul3A_361, %dma_wait3A_389] : memref<63x80xi32, #tpu.memory_space<vmem>> -> memref<1x80xi32, #tpu.memory_space<vmem>>
      %dma_wait3A_391 = tpu.memref_squeeze %dma_wait3A_390 : memref<1x80xi32, #tpu.memory_space<vmem>> -> memref<80xi32, #tpu.memory_space<vmem>>
      %dma_wait3A_392 = arith.constant 0 : i32
      %dma_wait3A_393 = arith.constant 0 : i32
      %dma_wait3A_394 = tpu.memref_slice %arg17[%dma_wait3A_392, %dma_wait3A_393] : memref<10112x128xf32, #tpu.memory_space<vmem_shared>> -> memref<10112x128xf32, #tpu.memory_space<vmem_shared>>
      tpu.wait_indirect_dma semaphore(%arg14 : memref<!tpu.dma_semaphore, #tpu.memory_space<semaphore_mem>>) src(%arg8 : memref<80x128xf32, #tpu.memory_space<vmem>>) dst(%dma_wait3A_394 : memref<10112x128xf32, #tpu.memory_space<vmem_shared>>)
      %add3A_395 = arith.constant 3 : i32
      %add3A_396 = arith.addi %mul3A_361, %add3A_395 : i32
      %dma_start3A_397 = arith.constant 0 : i32
      %dma_start3A_398 = tpu.memref_slice %arg6[%add3A_396, %dma_start3A_397] : memref<63x80xi32, #tpu.memory_space<vmem>> -> memref<1x80xi32, #tpu.memory_space<vmem>>
      %dma_start3A_399 = tpu.memref_squeeze %dma_start3A_398 : memref<1x80xi32, #tpu.memory_space<vmem>> -> memref<80xi32, #tpu.memory_space<vmem>>
      %dma_start3A_400 = arith.constant 0 : i32
      %dma_start3A_401 = arith.constant 0 : i32
      %dma_start3A_402 = tpu.memref_slice %arg2[%dma_start3A_400, %dma_start3A_401] : memref<20224x128xf32, #tpu.memory_space<hbm>> -> memref<20224x128xf32, #tpu.memory_space<hbm>>
      tpu.enqueue_indirect_dma source(%dma_start3A_402 : memref<20224x128xf32, #tpu.memory_space<hbm>>) target(%arg8 : memref<80x128xf32, #tpu.memory_space<vmem>>) offsets(%dma_start3A_399 : memref<80xi32, #tpu.memory_space<vmem>>) semaphore(%arg11 : memref<!tpu.dma_semaphore, #tpu.memory_space<semaphore_mem>>)
      %add3A_403 = arith.constant 1 : i32
      %add3A_404 = arith.addi %mul3A_361, %add3A_403 : i32
      %dma_wait3A_405 = arith.constant 0 : i32
      %dma_wait3A_406 = tpu.memref_slice %arg6[%add3A_404, %dma_wait3A_405] : memref<63x80xi32, #tpu.memory_space<vmem>> -> memref<1x80xi32, #tpu.memory_space<vmem>>
      %dma_wait3A_407 = tpu.memref_squeeze %dma_wait3A_406 : memref<1x80xi32, #tpu.memory_space<vmem>> -> memref<80xi32, #tpu.memory_space<vmem>>
      %dma_wait3A_408 = arith.constant 0 : i32
      %dma_wait3A_409 = arith.constant 0 : i32
      %dma_wait3A_410 = tpu.memref_slice %arg2[%dma_wait3A_408, %dma_wait3A_409] : memref<20224x128xf32, #tpu.memory_space<hbm>> -> memref<20224x128xf32, #tpu.memory_space<hbm>>
      tpu.wait_indirect_dma semaphore(%arg12 : memref<!tpu.dma_semaphore, #tpu.memory_space<semaphore_mem>>) src(%dma_wait3A_410 : memref<20224x128xf32, #tpu.memory_space<hbm>>) dst(%arg9 : memref<80x128xf32, #tpu.memory_space<vmem>>)
      %add3A_411 = arith.constant 1 : i32
      %add3A_412 = arith.addi %mul3A_361, %add3A_411 : i32
      %dma_start3A_413 = arith.constant 0 : i32
      %dma_start3A_414 = tpu.memref_slice %arg7[%add3A_412, %dma_start3A_413] : memref<63x80xi32, #tpu.memory_space<vmem>> -> memref<1x80xi32, #tpu.memory_space<vmem>>
      %dma_start3A_415 = tpu.memref_squeeze %dma_start3A_414 : memref<1x80xi32, #tpu.memory_space<vmem>> -> memref<80xi32, #tpu.memory_space<vmem>>
      %dma_start3A_416 = arith.constant 0 : i32
      %dma_start3A_417 = arith.constant 0 : i32
      %dma_start3A_418 = tpu.memref_slice %arg17[%dma_start3A_416, %dma_start3A_417] : memref<10112x128xf32, #tpu.memory_space<vmem_shared>> -> memref<10112x128xf32, #tpu.memory_space<vmem_shared>>
      tpu.enqueue_indirect_dma source(%arg9 : memref<80x128xf32, #tpu.memory_space<vmem>>) target(%dma_start3A_418 : memref<10112x128xf32, #tpu.memory_space<vmem_shared>>) offsets(%dma_start3A_415 : memref<80xi32, #tpu.memory_space<vmem>>) semaphore(%arg15 : memref<!tpu.dma_semaphore, #tpu.memory_space<semaphore_mem>>) {add = true}
      %add3A_419 = arith.constant 1 : i32
      %add3A_420 = arith.addi %mul3A_361, %add3A_419 : i32
      %dma_wait3A_421 = arith.constant 0 : i32
      %dma_wait3A_422 = tpu.memref_slice %arg7[%add3A_420, %dma_wait3A_421] : memref<63x80xi32, #tpu.memory_space<vmem>> -> memref<1x80xi32, #tpu.memory_space<vmem>>
      %dma_wait3A_423 = tpu.memref_squeeze %dma_wait3A_422 : memref<1x80xi32, #tpu.memory_space<vmem>> -> memref<80xi32, #tpu.memory_space<vmem>>
      %dma_wait3A_424 = arith.constant 0 : i32
      %dma_wait3A_425 = arith.constant 0 : i32
      %dma_wait3A_426 = tpu.memref_slice %arg17[%dma_wait3A_424, %dma_wait3A_425] : memref<10112x128xf32, #tpu.memory_space<vmem_shared>> -> memref<10112x128xf32, #tpu.memory_space<vmem_shared>>
      tpu.wait_indirect_dma semaphore(%arg15 : memref<!tpu.dma_semaphore, #tpu.memory_space<semaphore_mem>>) src(%arg9 : memref<80x128xf32, #tpu.memory_space<vmem>>) dst(%dma_wait3A_426 : memref<10112x128xf32, #tpu.memory_space<vmem_shared>>)
      %add3A_427 = arith.constant 4 : i32
      %add3A_428 = arith.addi %mul3A_361, %add3A_427 : i32
      %dma_start3A_429 = arith.constant 0 : i32
      %dma_start3A_430 = tpu.memref_slice %arg6[%add3A_428, %dma_start3A_429] : memref<63x80xi32, #tpu.memory_space<vmem>> -> memref<1x80xi32, #tpu.memory_space<vmem>>
      %dma_start3A_431 = tpu.memref_squeeze %dma_start3A_430 : memref<1x80xi32, #tpu.memory_space<vmem>> -> memref<80xi32, #tpu.memory_space<vmem>>
      %dma_start3A_432 = arith.constant 0 : i32
      %dma_start3A_433 = arith.constant 0 : i32
      %dma_start3A_434 = tpu.memref_slice %arg2[%dma_start3A_432, %dma_start3A_433] : memref<20224x128xf32, #tpu.memory_space<hbm>> -> memref<20224x128xf32, #tpu.memory_space<hbm>>
      tpu.enqueue_indirect_dma source(%dma_start3A_434 : memref<20224x128xf32, #tpu.memory_space<hbm>>) target(%arg9 : memref<80x128xf32, #tpu.memory_space<vmem>>) offsets(%dma_start3A_431 : memref<80xi32, #tpu.memory_space<vmem>>) semaphore(%arg12 : memref<!tpu.dma_semaphore, #tpu.memory_space<semaphore_mem>>)
      %add3A_435 = arith.constant 2 : i32
      %add3A_436 = arith.addi %mul3A_361, %add3A_435 : i32
      %dma_wait3A_437 = arith.constant 0 : i32
      %dma_wait3A_438 = tpu.memref_slice %arg6[%add3A_436, %dma_wait3A_437] : memref<63x80xi32, #tpu.memory_space<vmem>> -> memref<1x80xi32, #tpu.memory_space<vmem>>
      %dma_wait3A_439 = tpu.memref_squeeze %dma_wait3A_438 : memref<1x80xi32, #tpu.memory_space<vmem>> -> memref<80xi32, #tpu.memory_space<vmem>>
      %dma_wait3A_440 = arith.constant 0 : i32
      %dma_wait3A_441 = arith.constant 0 : i32
      %dma_wait3A_442 = tpu.memref_slice %arg2[%dma_wait3A_440, %dma_wait3A_441] : memref<20224x128xf32, #tpu.memory_space<hbm>> -> memref<20224x128xf32, #tpu.memory_space<hbm>>
      tpu.wait_indirect_dma semaphore(%arg13 : memref<!tpu.dma_semaphore, #tpu.memory_space<semaphore_mem>>) src(%dma_wait3A_442 : memref<20224x128xf32, #tpu.memory_space<hbm>>) dst(%arg10 : memref<80x128xf32, #tpu.memory_space<vmem>>)
      %add3A_443 = arith.constant 2 : i32
      %add3A_444 = arith.addi %mul3A_361, %add3A_443 : i32
      %dma_start3A_445 = arith.constant 0 : i32
      %dma_start3A_446 = tpu.memref_slice %arg7[%add3A_444, %dma_start3A_445] : memref<63x80xi32, #tpu.memory_space<vmem>> -> memref<1x80xi32, #tpu.memory_space<vmem>>
      %dma_start3A_447 = tpu.memref_squeeze %dma_start3A_446 : memref<1x80xi32, #tpu.memory_space<vmem>> -> memref<80xi32, #tpu.memory_space<vmem>>
      %dma_start3A_448 = arith.constant 0 : i32
      %dma_start3A_449 = arith.constant 0 : i32
      %dma_start3A_450 = tpu.memref_slice %arg17[%dma_start3A_448, %dma_start3A_449] : memref<10112x128xf32, #tpu.memory_space<vmem_shared>> -> memref<10112x128xf32, #tpu.memory_space<vmem_shared>>
      tpu.enqueue_indirect_dma source(%arg10 : memref<80x128xf32, #tpu.memory_space<vmem>>) target(%dma_start3A_450 : memref<10112x128xf32, #tpu.memory_space<vmem_shared>>) offsets(%dma_start3A_447 : memref<80xi32, #tpu.memory_space<vmem>>) semaphore(%arg16 : memref<!tpu.dma_semaphore, #tpu.memory_space<semaphore_mem>>) {add = true}
      %scan3A_451 = arith.constant 0 : i32
      scf.yield %scan3A_451 : i32
    }
    %scan3A_100 = arith.constant 19 : i32
    %dma_wait3A_101 = arith.constant 59 : i32
    %dma_wait3A_102 = arith.constant 0 : i32
    %dma_wait3A_103 = tpu.memref_slice %arg7[%dma_wait3A_101, %dma_wait3A_102] : memref<63x80xi32, #tpu.memory_space<vmem>> -> memref<1x80xi32, #tpu.memory_space<vmem>>
    %dma_wait3A_104 = tpu.memref_squeeze %dma_wait3A_103 : memref<1x80xi32, #tpu.memory_space<vmem>> -> memref<80xi32, #tpu.memory_space<vmem>>
    %dma_wait3A_105 = arith.constant 0 : i32
    %dma_wait3A_106 = arith.constant 0 : i32
    %dma_wait3A_107 = tpu.memref_slice %arg17[%dma_wait3A_105, %dma_wait3A_106] : memref<10112x128xf32, #tpu.memory_space<vmem_shared>> -> memref<10112x128xf32, #tpu.memory_space<vmem_shared>>
    tpu.wait_indirect_dma semaphore(%arg16 : memref<!tpu.dma_semaphore, #tpu.memory_space<semaphore_mem>>) src(%arg10 : memref<80x128xf32, #tpu.memory_space<vmem>>) dst(%dma_wait3A_107 : memref<10112x128xf32, #tpu.memory_space<vmem_shared>>)
    %dma_start3A_108 = arith.constant 62 : i32
    %dma_start3A_109 = arith.constant 0 : i32
    %dma_start3A_110 = tpu.memref_slice %arg6[%dma_start3A_108, %dma_start3A_109] : memref<63x80xi32, #tpu.memory_space<vmem>> -> memref<1x80xi32, #tpu.memory_space<vmem>>
    %dma_start3A_111 = tpu.memref_squeeze %dma_start3A_110 : memref<1x80xi32, #tpu.memory_space<vmem>> -> memref<80xi32, #tpu.memory_space<vmem>>
    %dma_start3A_112 = arith.constant 0 : i32
    %dma_start3A_113 = arith.constant 0 : i32
    %dma_start3A_114 = tpu.memref_slice %arg2[%dma_start3A_112, %dma_start3A_113] : memref<20224x128xf32, #tpu.memory_space<hbm>> -> memref<20224x128xf32, #tpu.memory_space<hbm>>
    tpu.enqueue_indirect_dma source(%dma_start3A_114 : memref<20224x128xf32, #tpu.memory_space<hbm>>) target(%arg10 : memref<80x128xf32, #tpu.memory_space<vmem>>) offsets(%dma_start3A_111 : memref<80xi32, #tpu.memory_space<vmem>>) semaphore(%arg13 : memref<!tpu.dma_semaphore, #tpu.memory_space<semaphore_mem>>)
    %dma_wait3A_115 = arith.constant 60 : i32
    %dma_wait3A_116 = arith.constant 0 : i32
    %dma_wait3A_117 = tpu.memref_slice %arg6[%dma_wait3A_115, %dma_wait3A_116] : memref<63x80xi32, #tpu.memory_space<vmem>> -> memref<1x80xi32, #tpu.memory_space<vmem>>
    %dma_wait3A_118 = tpu.memref_squeeze %dma_wait3A_117 : memref<1x80xi32, #tpu.memory_space<vmem>> -> memref<80xi32, #tpu.memory_space<vmem>>
    %dma_wait3A_119 = arith.constant 0 : i32
    %dma_wait3A_120 = arith.constant 0 : i32
    %dma_wait3A_121 = tpu.memref_slice %arg2[%dma_wait3A_119, %dma_wait3A_120] : memref<20224x128xf32, #tpu.memory_space<hbm>> -> memref<20224x128xf32, #tpu.memory_space<hbm>>
    tpu.wait_indirect_dma semaphore(%arg11 : memref<!tpu.dma_semaphore, #tpu.memory_space<semaphore_mem>>) src(%dma_wait3A_121 : memref<20224x128xf32, #tpu.memory_space<hbm>>) dst(%arg8 : memref<80x128xf32, #tpu.memory_space<vmem>>)
    %dma_start3A_122 = arith.constant 60 : i32
    %dma_start3A_123 = arith.constant 0 : i32
    %dma_start3A_124 = tpu.memref_slice %arg7[%dma_start3A_122, %dma_start3A_123] : memref<63x80xi32, #tpu.memory_space<vmem>> -> memref<1x80xi32, #tpu.memory_space<vmem>>
    %dma_start3A_125 = tpu.memref_squeeze %dma_start3A_124 : memref<1x80xi32, #tpu.memory_space<vmem>> -> memref<80xi32, #tpu.memory_space<vmem>>
    %dma_start3A_126 = arith.constant 0 : i32
    %dma_start3A_127 = arith.constant 0 : i32
    %dma_start3A_128 = tpu.memref_slice %arg17[%dma_start3A_126, %dma_start3A_127] : memref<10112x128xf32, #tpu.memory_space<vmem_shared>> -> memref<10112x128xf32, #tpu.memory_space<vmem_shared>>
    tpu.enqueue_indirect_dma source(%arg8 : memref<80x128xf32, #tpu.memory_space<vmem>>) target(%dma_start3A_128 : memref<10112x128xf32, #tpu.memory_space<vmem_shared>>) offsets(%dma_start3A_125 : memref<80xi32, #tpu.memory_space<vmem>>) semaphore(%arg14 : memref<!tpu.dma_semaphore, #tpu.memory_space<semaphore_mem>>) {add = true}
    %dma_wait3A_129 = arith.constant 60 : i32
    %dma_wait3A_130 = arith.constant 0 : i32
    %dma_wait3A_131 = tpu.memref_slice %arg7[%dma_wait3A_129, %dma_wait3A_130] : memref<63x80xi32, #tpu.memory_space<vmem>> -> memref<1x80xi32, #tpu.memory_space<vmem>>
    %dma_wait3A_132 = tpu.memref_squeeze %dma_wait3A_131 : memref<1x80xi32, #tpu.memory_space<vmem>> -> memref<80xi32, #tpu.memory_space<vmem>>
    %dma_wait3A_133 = arith.constant 0 : i32
    %dma_wait3A_134 = arith.constant 0 : i32
    %dma_wait3A_135 = tpu.memref_slice %arg17[%dma_wait3A_133, %dma_wait3A_134] : memref<10112x128xf32, #tpu.memory_space<vmem_shared>> -> memref<10112x128xf32, #tpu.memory_space<vmem_shared>>
    tpu.wait_indirect_dma semaphore(%arg14 : memref<!tpu.dma_semaphore, #tpu.memory_space<semaphore_mem>>) src(%arg8 : memref<80x128xf32, #tpu.memory_space<vmem>>) dst(%dma_wait3A_135 : memref<10112x128xf32, #tpu.memory_space<vmem_shared>>)
    %dma_wait3A_136 = arith.constant 61 : i32
    %dma_wait3A_137 = arith.constant 0 : i32
    %dma_wait3A_138 = tpu.memref_slice %arg6[%dma_wait3A_136, %dma_wait3A_137] : memref<63x80xi32, #tpu.memory_space<vmem>> -> memref<1x80xi32, #tpu.memory_space<vmem>>
    %dma_wait3A_139 = tpu.memref_squeeze %dma_wait3A_138 : memref<1x80xi32, #tpu.memory_space<vmem>> -> memref<80xi32, #tpu.memory_space<vmem>>
    %dma_wait3A_140 = arith.constant 0 : i32
    %dma_wait3A_141 = arith.constant 0 : i32
    %dma_wait3A_142 = tpu.memref_slice %arg2[%dma_wait3A_140, %dma_wait3A_141] : memref<20224x128xf32, #tpu.memory_space<hbm>> -> memref<20224x128xf32, #tpu.memory_space<hbm>>
    tpu.wait_indirect_dma semaphore(%arg12 : memref<!tpu.dma_semaphore, #tpu.memory_space<semaphore_mem>>) src(%dma_wait3A_142 : memref<20224x128xf32, #tpu.memory_space<hbm>>) dst(%arg9 : memref<80x128xf32, #tpu.memory_space<vmem>>)
    %dma_start3A_143 = arith.constant 61 : i32
    %dma_start3A_144 = arith.constant 0 : i32
    %dma_start3A_145 = tpu.memref_slice %arg7[%dma_start3A_143, %dma_start3A_144] : memref<63x80xi32, #tpu.memory_space<vmem>> -> memref<1x80xi32, #tpu.memory_space<vmem>>
    %dma_start3A_146 = tpu.memref_squeeze %dma_start3A_145 : memref<1x80xi32, #tpu.memory_space<vmem>> -> memref<80xi32, #tpu.memory_space<vmem>>
    %dma_start3A_147 = arith.constant 0 : i32
    %dma_start3A_148 = arith.constant 0 : i32
    %dma_start3A_149 = tpu.memref_slice %arg17[%dma_start3A_147, %dma_start3A_148] : memref<10112x128xf32, #tpu.memory_space<vmem_shared>> -> memref<10112x128xf32, #tpu.memory_space<vmem_shared>>
    tpu.enqueue_indirect_dma source(%arg9 : memref<80x128xf32, #tpu.memory_space<vmem>>) target(%dma_start3A_149 : memref<10112x128xf32, #tpu.memory_space<vmem_shared>>) offsets(%dma_start3A_146 : memref<80xi32, #tpu.memory_space<vmem>>) semaphore(%arg15 : memref<!tpu.dma_semaphore, #tpu.memory_space<semaphore_mem>>) {add = true}
    %dma_wait3A_150 = arith.constant 61 : i32
    %dma_wait3A_151 = arith.constant 0 : i32
    %dma_wait3A_152 = tpu.memref_slice %arg7[%dma_wait3A_150, %dma_wait3A_151] : memref<63x80xi32, #tpu.memory_space<vmem>> -> memref<1x80xi32, #tpu.memory_space<vmem>>
    %dma_wait3A_153 = tpu.memref_squeeze %dma_wait3A_152 : memref<1x80xi32, #tpu.memory_space<vmem>> -> memref<80xi32, #tpu.memory_space<vmem>>
    %dma_wait3A_154 = arith.constant 0 : i32
    %dma_wait3A_155 = arith.constant 0 : i32
    %dma_wait3A_156 = tpu.memref_slice %arg17[%dma_wait3A_154, %dma_wait3A_155] : memref<10112x128xf32, #tpu.memory_space<vmem_shared>> -> memref<10112x128xf32, #tpu.memory_space<vmem_shared>>
    tpu.wait_indirect_dma semaphore(%arg15 : memref<!tpu.dma_semaphore, #tpu.memory_space<semaphore_mem>>) src(%arg9 : memref<80x128xf32, #tpu.memory_space<vmem>>) dst(%dma_wait3A_156 : memref<10112x128xf32, #tpu.memory_space<vmem_shared>>)
    %dma_wait3A_157 = arith.constant 62 : i32
    %dma_wait3A_158 = arith.constant 0 : i32
    %dma_wait3A_159 = tpu.memref_slice %arg6[%dma_wait3A_157, %dma_wait3A_158] : memref<63x80xi32, #tpu.memory_space<vmem>> -> memref<1x80xi32, #tpu.memory_space<vmem>>
    %dma_wait3A_160 = tpu.memref_squeeze %dma_wait3A_159 : memref<1x80xi32, #tpu.memory_space<vmem>> -> memref<80xi32, #tpu.memory_space<vmem>>
    %dma_wait3A_161 = arith.constant 0 : i32
    %dma_wait3A_162 = arith.constant 0 : i32
    %dma_wait3A_163 = tpu.memref_slice %arg2[%dma_wait3A_161, %dma_wait3A_162] : memref<20224x128xf32, #tpu.memory_space<hbm>> -> memref<20224x128xf32, #tpu.memory_space<hbm>>
    tpu.wait_indirect_dma semaphore(%arg13 : memref<!tpu.dma_semaphore, #tpu.memory_space<semaphore_mem>>) src(%dma_wait3A_163 : memref<20224x128xf32, #tpu.memory_space<hbm>>) dst(%arg10 : memref<80x128xf32, #tpu.memory_space<vmem>>)
    %dma_start3A_164 = arith.constant 62 : i32
    %dma_start3A_165 = arith.constant 0 : i32
    %dma_start3A_166 = tpu.memref_slice %arg7[%dma_start3A_164, %dma_start3A_165] : memref<63x80xi32, #tpu.memory_space<vmem>> -> memref<1x80xi32, #tpu.memory_space<vmem>>
    %dma_start3A_167 = tpu.memref_squeeze %dma_start3A_166 : memref<1x80xi32, #tpu.memory_space<vmem>> -> memref<80xi32, #tpu.memory_space<vmem>>
    %dma_start3A_168 = arith.constant 0 : i32
    %dma_start3A_169 = arith.constant 0 : i32
    %dma_start3A_170 = tpu.memref_slice %arg17[%dma_start3A_168, %dma_start3A_169] : memref<10112x128xf32, #tpu.memory_space<vmem_shared>> -> memref<10112x128xf32, #tpu.memory_space<vmem_shared>>
    tpu.enqueue_indirect_dma source(%arg10 : memref<80x128xf32, #tpu.memory_space<vmem>>) target(%dma_start3A_170 : memref<10112x128xf32, #tpu.memory_space<vmem_shared>>) offsets(%dma_start3A_167 : memref<80xi32, #tpu.memory_space<vmem>>) semaphore(%arg16 : memref<!tpu.dma_semaphore, #tpu.memory_space<semaphore_mem>>) {add = true}
    %dma_wait3A_171 = arith.constant 62 : i32
    %dma_wait3A_172 = arith.constant 0 : i32
    %dma_wait3A_173 = tpu.memref_slice %arg7[%dma_wait3A_171, %dma_wait3A_172] : memref<63x80xi32, #tpu.memory_space<vmem>> -> memref<1x80xi32, #tpu.memory_space<vmem>>
    %dma_wait3A_174 = tpu.memref_squeeze %dma_wait3A_173 : memref<1x80xi32, #tpu.memory_space<vmem>> -> memref<80xi32, #tpu.memory_space<vmem>>
    %dma_wait3A_175 = arith.constant 0 : i32
    %dma_wait3A_176 = arith.constant 0 : i32
    %dma_wait3A_177 = tpu.memref_slice %arg17[%dma_wait3A_175, %dma_wait3A_176] : memref<10112x128xf32, #tpu.memory_space<vmem_shared>> -> memref<10112x128xf32, #tpu.memory_space<vmem_shared>>
    tpu.wait_indirect_dma semaphore(%arg16 : memref<!tpu.dma_semaphore, #tpu.memory_space<semaphore_mem>>) src(%arg10 : memref<80x128xf32, #tpu.memory_space<vmem>>) dst(%dma_wait3A_177 : memref<10112x128xf32, #tpu.memory_space<vmem_shared>>)
    %run_scoped3A_178 = arith.constant 1 : i32
    "tpu.region"() ({
      %run_scoped3A_358 = tpu.sem_alloc : memref<!tpu.dma_semaphore, #tpu.memory_space<semaphore_mem>>
      %dma_start3A_359 = arith.constant 0 : i32
      %dma_start3A_360 = arith.constant 0 : i32
      %dma_start3A_361 = tpu.memref_slice %arg3[%arg0, %arg1, %run_scoped3A_178, %dma_start3A_359, %dma_start3A_360] : memref<2x16x2x63x80xi32, #tpu.memory_space<hbm>> -> memref<1x1x1x63x80xi32, #tpu.memory_space<hbm>>
      %dma_start3A_362 = tpu.memref_squeeze %dma_start3A_361 : memref<1x1x1x63x80xi32, #tpu.memory_space<hbm>> -> memref<63x80xi32, #tpu.memory_space<hbm>>
      %dma_start3A_363 = arith.constant 0 : i32
      %dma_start3A_364 = arith.constant 0 : i32
      %dma_start3A_365 = tpu.memref_slice %arg3[%arg0, %arg1, %run_scoped3A_178, %dma_start3A_363, %dma_start3A_364] : memref<2x16x2x63x80xi32, #tpu.memory_space<hbm>> -> memref<1x1x1x63x80xi32, #tpu.memory_space<hbm>>
      %dma_start3A_366 = tpu.memref_squeeze %dma_start3A_365 : memref<1x1x1x63x80xi32, #tpu.memory_space<hbm>> -> memref<63x80xi32, #tpu.memory_space<hbm>>
      tpu.enqueue_dma source(%dma_start3A_366 : memref<63x80xi32, #tpu.memory_space<hbm>>) target(%arg6 : memref<63x80xi32, #tpu.memory_space<vmem>>) target_semaphore(%run_scoped3A_358 : memref<!tpu.dma_semaphore, #tpu.memory_space<semaphore_mem>>)
      %dma_wait3A_367 = arith.constant 0 : i32
      %dma_wait3A_368 = arith.constant 0 : i32
      %dma_wait3A_369 = tpu.memref_slice %arg3[%arg0, %arg1, %run_scoped3A_178, %dma_wait3A_367, %dma_wait3A_368] : memref<2x16x2x63x80xi32, #tpu.memory_space<hbm>> -> memref<1x1x1x63x80xi32, #tpu.memory_space<hbm>>
      %dma_wait3A_370 = tpu.memref_squeeze %dma_wait3A_369 : memref<1x1x1x63x80xi32, #tpu.memory_space<hbm>> -> memref<63x80xi32, #tpu.memory_space<hbm>>
      %dma_wait3A_371 = arith.constant 0 : i32
      %dma_wait3A_372 = arith.constant 0 : i32
      %dma_wait3A_373 = tpu.memref_slice %arg3[%arg0, %arg1, %run_scoped3A_178, %dma_wait3A_371, %dma_wait3A_372] : memref<2x16x2x63x80xi32, #tpu.memory_space<hbm>> -> memref<1x1x1x63x80xi32, #tpu.memory_space<hbm>>
      %dma_wait3A_374 = tpu.memref_squeeze %dma_wait3A_373 : memref<1x1x1x63x80xi32, #tpu.memory_space<hbm>> -> memref<63x80xi32, #tpu.memory_space<hbm>>
      tpu.wait_dma2 semaphore(%run_scoped3A_358 : memref<!tpu.dma_semaphore, #tpu.memory_space<semaphore_mem>>) src(%dma_wait3A_374 : memref<63x80xi32, #tpu.memory_space<hbm>>) dst(%arg6 : memref<63x80xi32, #tpu.memory_space<vmem>>)
      tpu.yield
    }) : () -> ()
    %run_scoped3A_179 = arith.constant 1 : i32
    "tpu.region"() ({
      %run_scoped3A_358 = tpu.sem_alloc : memref<!tpu.dma_semaphore, #tpu.memory_space<semaphore_mem>>
      %dma_start3A_359 = arith.constant 0 : i32
      %dma_start3A_360 = arith.constant 0 : i32
      %dma_start3A_361 = tpu.memref_slice %arg4[%arg1, %run_scoped3A_179, %dma_start3A_359, %dma_start3A_360] : memref<16x2x63x80xi32, #tpu.memory_space<hbm>> -> memref<1x1x63x80xi32, #tpu.memory_space<hbm>>
      %dma_start3A_362 = tpu.memref_squeeze %dma_start3A_361 : memref<1x1x63x80xi32, #tpu.memory_space<hbm>> -> memref<63x80xi32, #tpu.memory_space<hbm>>
      %dma_start3A_363 = arith.constant 0 : i32
      %dma_start3A_364 = arith.constant 0 : i32
      %dma_start3A_365 = tpu.memref_slice %arg4[%arg1, %run_scoped3A_179, %dma_start3A_363, %dma_start3A_364] : memref<16x2x63x80xi32, #tpu.memory_space<hbm>> -> memref<1x1x63x80xi32, #tpu.memory_space<hbm>>
      %dma_start3A_366 = tpu.memref_squeeze %dma_start3A_365 : memref<1x1x63x80xi32, #tpu.memory_space<hbm>> -> memref<63x80xi32, #tpu.memory_space<hbm>>
      tpu.enqueue_dma source(%dma_start3A_366 : memref<63x80xi32, #tpu.memory_space<hbm>>) target(%arg7 : memref<63x80xi32, #tpu.memory_space<vmem>>) target_semaphore(%run_scoped3A_358 : memref<!tpu.dma_semaphore, #tpu.memory_space<semaphore_mem>>)
      %dma_wait3A_367 = arith.constant 0 : i32
      %dma_wait3A_368 = arith.constant 0 : i32
      %dma_wait3A_369 = tpu.memref_slice %arg4[%arg1, %run_scoped3A_179, %dma_wait3A_367, %dma_wait3A_368] : memref<16x2x63x80xi32, #tpu.memory_space<hbm>> -> memref<1x1x63x80xi32, #tpu.memory_space<hbm>>
      %dma_wait3A_370 = tpu.memref_squeeze %dma_wait3A_369 : memref<1x1x63x80xi32, #tpu.memory_space<hbm>> -> memref<63x80xi32, #tpu.memory_space<hbm>>
      %dma_wait3A_371 = arith.constant 0 : i32
      %dma_wait3A_372 = arith.constant 0 : i32
      %dma_wait3A_373 = tpu.memref_slice %arg4[%arg1, %run_scoped3A_179, %dma_wait3A_371, %dma_wait3A_372] : memref<16x2x63x80xi32, #tpu.memory_space<hbm>> -> memref<1x1x63x80xi32, #tpu.memory_space<hbm>>
      %dma_wait3A_374 = tpu.memref_squeeze %dma_wait3A_373 : memref<1x1x63x80xi32, #tpu.memory_space<hbm>> -> memref<63x80xi32, #tpu.memory_space<hbm>>
      tpu.wait_dma2 semaphore(%run_scoped3A_358 : memref<!tpu.dma_semaphore, #tpu.memory_space<semaphore_mem>>) src(%dma_wait3A_374 : memref<63x80xi32, #tpu.memory_space<hbm>>) dst(%arg7 : memref<63x80xi32, #tpu.memory_space<vmem>>)
      tpu.yield
    }) : () -> ()
    %dma_start3A_180 = arith.constant 0 : i32
    %dma_start3A_181 = arith.constant 0 : i32
    %dma_start3A_182 = tpu.memref_slice %arg6[%dma_start3A_180, %dma_start3A_181] : memref<63x80xi32, #tpu.memory_space<vmem>> -> memref<1x80xi32, #tpu.memory_space<vmem>>
    %dma_start3A_183 = tpu.memref_squeeze %dma_start3A_182 : memref<1x80xi32, #tpu.memory_space<vmem>> -> memref<80xi32, #tpu.memory_space<vmem>>
    %dma_start3A_184 = arith.constant 0 : i32
    %dma_start3A_185 = arith.constant 0 : i32
    %dma_start3A_186 = tpu.memref_slice %arg2[%dma_start3A_184, %dma_start3A_185] : memref<20224x128xf32, #tpu.memory_space<hbm>> -> memref<20224x128xf32, #tpu.memory_space<hbm>>
    tpu.enqueue_indirect_dma source(%dma_start3A_186 : memref<20224x128xf32, #tpu.memory_space<hbm>>) target(%arg8 : memref<80x128xf32, #tpu.memory_space<vmem>>) offsets(%dma_start3A_183 : memref<80xi32, #tpu.memory_space<vmem>>) semaphore(%arg11 : memref<!tpu.dma_semaphore, #tpu.memory_space<semaphore_mem>>)
    %dma_start3A_187 = arith.constant 1 : i32
    %dma_start3A_188 = arith.constant 0 : i32
    %dma_start3A_189 = tpu.memref_slice %arg6[%dma_start3A_187, %dma_start3A_188] : memref<63x80xi32, #tpu.memory_space<vmem>> -> memref<1x80xi32, #tpu.memory_space<vmem>>
    %dma_start3A_190 = tpu.memref_squeeze %dma_start3A_189 : memref<1x80xi32, #tpu.memory_space<vmem>> -> memref<80xi32, #tpu.memory_space<vmem>>
    %dma_start3A_191 = arith.constant 0 : i32
    %dma_start3A_192 = arith.constant 0 : i32
    %dma_start3A_193 = tpu.memref_slice %arg2[%dma_start3A_191, %dma_start3A_192] : memref<20224x128xf32, #tpu.memory_space<hbm>> -> memref<20224x128xf32, #tpu.memory_space<hbm>>
    tpu.enqueue_indirect_dma source(%dma_start3A_193 : memref<20224x128xf32, #tpu.memory_space<hbm>>) target(%arg9 : memref<80x128xf32, #tpu.memory_space<vmem>>) offsets(%dma_start3A_190 : memref<80xi32, #tpu.memory_space<vmem>>) semaphore(%arg12 : memref<!tpu.dma_semaphore, #tpu.memory_space<semaphore_mem>>)
    %dma_start3A_194 = arith.constant 2 : i32
    %dma_start3A_195 = arith.constant 0 : i32
    %dma_start3A_196 = tpu.memref_slice %arg6[%dma_start3A_194, %dma_start3A_195] : memref<63x80xi32, #tpu.memory_space<vmem>> -> memref<1x80xi32, #tpu.memory_space<vmem>>
    %dma_start3A_197 = tpu.memref_squeeze %dma_start3A_196 : memref<1x80xi32, #tpu.memory_space<vmem>> -> memref<80xi32, #tpu.memory_space<vmem>>
    %dma_start3A_198 = arith.constant 0 : i32
    %dma_start3A_199 = arith.constant 0 : i32
    %dma_start3A_200 = tpu.memref_slice %arg2[%dma_start3A_198, %dma_start3A_199] : memref<20224x128xf32, #tpu.memory_space<hbm>> -> memref<20224x128xf32, #tpu.memory_space<hbm>>
    tpu.enqueue_indirect_dma source(%dma_start3A_200 : memref<20224x128xf32, #tpu.memory_space<hbm>>) target(%arg10 : memref<80x128xf32, #tpu.memory_space<vmem>>) offsets(%dma_start3A_197 : memref<80xi32, #tpu.memory_space<vmem>>) semaphore(%arg13 : memref<!tpu.dma_semaphore, #tpu.memory_space<semaphore_mem>>)
    %dma_wait3A_201 = arith.constant 0 : i32
    %dma_wait3A_202 = arith.constant 0 : i32
    %dma_wait3A_203 = tpu.memref_slice %arg6[%dma_wait3A_201, %dma_wait3A_202] : memref<63x80xi32, #tpu.memory_space<vmem>> -> memref<1x80xi32, #tpu.memory_space<vmem>>
    %dma_wait3A_204 = tpu.memref_squeeze %dma_wait3A_203 : memref<1x80xi32, #tpu.memory_space<vmem>> -> memref<80xi32, #tpu.memory_space<vmem>>
    %dma_wait3A_205 = arith.constant 0 : i32
    %dma_wait3A_206 = arith.constant 0 : i32
    %dma_wait3A_207 = tpu.memref_slice %arg2[%dma_wait3A_205, %dma_wait3A_206] : memref<20224x128xf32, #tpu.memory_space<hbm>> -> memref<20224x128xf32, #tpu.memory_space<hbm>>
    tpu.wait_indirect_dma semaphore(%arg11 : memref<!tpu.dma_semaphore, #tpu.memory_space<semaphore_mem>>) src(%dma_wait3A_207 : memref<20224x128xf32, #tpu.memory_space<hbm>>) dst(%arg8 : memref<80x128xf32, #tpu.memory_space<vmem>>)
    %dma_start3A_208 = arith.constant 0 : i32
    %dma_start3A_209 = arith.constant 0 : i32
    %dma_start3A_210 = tpu.memref_slice %arg7[%dma_start3A_208, %dma_start3A_209] : memref<63x80xi32, #tpu.memory_space<vmem>> -> memref<1x80xi32, #tpu.memory_space<vmem>>
    %dma_start3A_211 = tpu.memref_squeeze %dma_start3A_210 : memref<1x80xi32, #tpu.memory_space<vmem>> -> memref<80xi32, #tpu.memory_space<vmem>>
    %dma_start3A_212 = arith.constant 0 : i32
    %dma_start3A_213 = arith.constant 0 : i32
    %dma_start3A_214 = tpu.memref_slice %arg17[%dma_start3A_212, %dma_start3A_213] : memref<10112x128xf32, #tpu.memory_space<vmem_shared>> -> memref<10112x128xf32, #tpu.memory_space<vmem_shared>>
    tpu.enqueue_indirect_dma source(%arg8 : memref<80x128xf32, #tpu.memory_space<vmem>>) target(%dma_start3A_214 : memref<10112x128xf32, #tpu.memory_space<vmem_shared>>) offsets(%dma_start3A_211 : memref<80xi32, #tpu.memory_space<vmem>>) semaphore(%arg14 : memref<!tpu.dma_semaphore, #tpu.memory_space<semaphore_mem>>) {add = true}
    %dma_wait3A_215 = arith.constant 0 : i32
    %dma_wait3A_216 = arith.constant 0 : i32
    %dma_wait3A_217 = tpu.memref_slice %arg7[%dma_wait3A_215, %dma_wait3A_216] : memref<63x80xi32, #tpu.memory_space<vmem>> -> memref<1x80xi32, #tpu.memory_space<vmem>>
    %dma_wait3A_218 = tpu.memref_squeeze %dma_wait3A_217 : memref<1x80xi32, #tpu.memory_space<vmem>> -> memref<80xi32, #tpu.memory_space<vmem>>
    %dma_wait3A_219 = arith.constant 0 : i32
    %dma_wait3A_220 = arith.constant 0 : i32
    %dma_wait3A_221 = tpu.memref_slice %arg17[%dma_wait3A_219, %dma_wait3A_220] : memref<10112x128xf32, #tpu.memory_space<vmem_shared>> -> memref<10112x128xf32, #tpu.memory_space<vmem_shared>>
    tpu.wait_indirect_dma semaphore(%arg14 : memref<!tpu.dma_semaphore, #tpu.memory_space<semaphore_mem>>) src(%arg8 : memref<80x128xf32, #tpu.memory_space<vmem>>) dst(%dma_wait3A_221 : memref<10112x128xf32, #tpu.memory_space<vmem_shared>>)
    %dma_start3A_222 = arith.constant 3 : i32
    %dma_start3A_223 = arith.constant 0 : i32
    %dma_start3A_224 = tpu.memref_slice %arg6[%dma_start3A_222, %dma_start3A_223] : memref<63x80xi32, #tpu.memory_space<vmem>> -> memref<1x80xi32, #tpu.memory_space<vmem>>
    %dma_start3A_225 = tpu.memref_squeeze %dma_start3A_224 : memref<1x80xi32, #tpu.memory_space<vmem>> -> memref<80xi32, #tpu.memory_space<vmem>>
    %dma_start3A_226 = arith.constant 0 : i32
    %dma_start3A_227 = arith.constant 0 : i32
    %dma_start3A_228 = tpu.memref_slice %arg2[%dma_start3A_226, %dma_start3A_227] : memref<20224x128xf32, #tpu.memory_space<hbm>> -> memref<20224x128xf32, #tpu.memory_space<hbm>>
    tpu.enqueue_indirect_dma source(%dma_start3A_228 : memref<20224x128xf32, #tpu.memory_space<hbm>>) target(%arg8 : memref<80x128xf32, #tpu.memory_space<vmem>>) offsets(%dma_start3A_225 : memref<80xi32, #tpu.memory_space<vmem>>) semaphore(%arg11 : memref<!tpu.dma_semaphore, #tpu.memory_space<semaphore_mem>>)
    %dma_wait3A_229 = arith.constant 1 : i32
    %dma_wait3A_230 = arith.constant 0 : i32
    %dma_wait3A_231 = tpu.memref_slice %arg6[%dma_wait3A_229, %dma_wait3A_230] : memref<63x80xi32, #tpu.memory_space<vmem>> -> memref<1x80xi32, #tpu.memory_space<vmem>>
    %dma_wait3A_232 = tpu.memref_squeeze %dma_wait3A_231 : memref<1x80xi32, #tpu.memory_space<vmem>> -> memref<80xi32, #tpu.memory_space<vmem>>
    %dma_wait3A_233 = arith.constant 0 : i32
    %dma_wait3A_234 = arith.constant 0 : i32
    %dma_wait3A_235 = tpu.memref_slice %arg2[%dma_wait3A_233, %dma_wait3A_234] : memref<20224x128xf32, #tpu.memory_space<hbm>> -> memref<20224x128xf32, #tpu.memory_space<hbm>>
    tpu.wait_indirect_dma semaphore(%arg12 : memref<!tpu.dma_semaphore, #tpu.memory_space<semaphore_mem>>) src(%dma_wait3A_235 : memref<20224x128xf32, #tpu.memory_space<hbm>>) dst(%arg9 : memref<80x128xf32, #tpu.memory_space<vmem>>)
    %dma_start3A_236 = arith.constant 1 : i32
    %dma_start3A_237 = arith.constant 0 : i32
    %dma_start3A_238 = tpu.memref_slice %arg7[%dma_start3A_236, %dma_start3A_237] : memref<63x80xi32, #tpu.memory_space<vmem>> -> memref<1x80xi32, #tpu.memory_space<vmem>>
    %dma_start3A_239 = tpu.memref_squeeze %dma_start3A_238 : memref<1x80xi32, #tpu.memory_space<vmem>> -> memref<80xi32, #tpu.memory_space<vmem>>
    %dma_start3A_240 = arith.constant 0 : i32
    %dma_start3A_241 = arith.constant 0 : i32
    %dma_start3A_242 = tpu.memref_slice %arg17[%dma_start3A_240, %dma_start3A_241] : memref<10112x128xf32, #tpu.memory_space<vmem_shared>> -> memref<10112x128xf32, #tpu.memory_space<vmem_shared>>
    tpu.enqueue_indirect_dma source(%arg9 : memref<80x128xf32, #tpu.memory_space<vmem>>) target(%dma_start3A_242 : memref<10112x128xf32, #tpu.memory_space<vmem_shared>>) offsets(%dma_start3A_239 : memref<80xi32, #tpu.memory_space<vmem>>) semaphore(%arg15 : memref<!tpu.dma_semaphore, #tpu.memory_space<semaphore_mem>>) {add = true}
    %dma_wait3A_243 = arith.constant 1 : i32
    %dma_wait3A_244 = arith.constant 0 : i32
    %dma_wait3A_245 = tpu.memref_slice %arg7[%dma_wait3A_243, %dma_wait3A_244] : memref<63x80xi32, #tpu.memory_space<vmem>> -> memref<1x80xi32, #tpu.memory_space<vmem>>
    %dma_wait3A_246 = tpu.memref_squeeze %dma_wait3A_245 : memref<1x80xi32, #tpu.memory_space<vmem>> -> memref<80xi32, #tpu.memory_space<vmem>>
    %dma_wait3A_247 = arith.constant 0 : i32
    %dma_wait3A_248 = arith.constant 0 : i32
    %dma_wait3A_249 = tpu.memref_slice %arg17[%dma_wait3A_247, %dma_wait3A_248] : memref<10112x128xf32, #tpu.memory_space<vmem_shared>> -> memref<10112x128xf32, #tpu.memory_space<vmem_shared>>
    tpu.wait_indirect_dma semaphore(%arg15 : memref<!tpu.dma_semaphore, #tpu.memory_space<semaphore_mem>>) src(%arg9 : memref<80x128xf32, #tpu.memory_space<vmem>>) dst(%dma_wait3A_249 : memref<10112x128xf32, #tpu.memory_space<vmem_shared>>)
    %dma_start3A_250 = arith.constant 4 : i32
    %dma_start3A_251 = arith.constant 0 : i32
    %dma_start3A_252 = tpu.memref_slice %arg6[%dma_start3A_250, %dma_start3A_251] : memref<63x80xi32, #tpu.memory_space<vmem>> -> memref<1x80xi32, #tpu.memory_space<vmem>>
    %dma_start3A_253 = tpu.memref_squeeze %dma_start3A_252 : memref<1x80xi32, #tpu.memory_space<vmem>> -> memref<80xi32, #tpu.memory_space<vmem>>
    %dma_start3A_254 = arith.constant 0 : i32
    %dma_start3A_255 = arith.constant 0 : i32
    %dma_start3A_256 = tpu.memref_slice %arg2[%dma_start3A_254, %dma_start3A_255] : memref<20224x128xf32, #tpu.memory_space<hbm>> -> memref<20224x128xf32, #tpu.memory_space<hbm>>
    tpu.enqueue_indirect_dma source(%dma_start3A_256 : memref<20224x128xf32, #tpu.memory_space<hbm>>) target(%arg9 : memref<80x128xf32, #tpu.memory_space<vmem>>) offsets(%dma_start3A_253 : memref<80xi32, #tpu.memory_space<vmem>>) semaphore(%arg12 : memref<!tpu.dma_semaphore, #tpu.memory_space<semaphore_mem>>)
    %dma_wait3A_257 = arith.constant 2 : i32
    %dma_wait3A_258 = arith.constant 0 : i32
    %dma_wait3A_259 = tpu.memref_slice %arg6[%dma_wait3A_257, %dma_wait3A_258] : memref<63x80xi32, #tpu.memory_space<vmem>> -> memref<1x80xi32, #tpu.memory_space<vmem>>
    %dma_wait3A_260 = tpu.memref_squeeze %dma_wait3A_259 : memref<1x80xi32, #tpu.memory_space<vmem>> -> memref<80xi32, #tpu.memory_space<vmem>>
    %dma_wait3A_261 = arith.constant 0 : i32
    %dma_wait3A_262 = arith.constant 0 : i32
    %dma_wait3A_263 = tpu.memref_slice %arg2[%dma_wait3A_261, %dma_wait3A_262] : memref<20224x128xf32, #tpu.memory_space<hbm>> -> memref<20224x128xf32, #tpu.memory_space<hbm>>
    tpu.wait_indirect_dma semaphore(%arg13 : memref<!tpu.dma_semaphore, #tpu.memory_space<semaphore_mem>>) src(%dma_wait3A_263 : memref<20224x128xf32, #tpu.memory_space<hbm>>) dst(%arg10 : memref<80x128xf32, #tpu.memory_space<vmem>>)
    %dma_start3A_264 = arith.constant 2 : i32
    %dma_start3A_265 = arith.constant 0 : i32
    %dma_start3A_266 = tpu.memref_slice %arg7[%dma_start3A_264, %dma_start3A_265] : memref<63x80xi32, #tpu.memory_space<vmem>> -> memref<1x80xi32, #tpu.memory_space<vmem>>
    %dma_start3A_267 = tpu.memref_squeeze %dma_start3A_266 : memref<1x80xi32, #tpu.memory_space<vmem>> -> memref<80xi32, #tpu.memory_space<vmem>>
    %dma_start3A_268 = arith.constant 0 : i32
    %dma_start3A_269 = arith.constant 0 : i32
    %dma_start3A_270 = tpu.memref_slice %arg17[%dma_start3A_268, %dma_start3A_269] : memref<10112x128xf32, #tpu.memory_space<vmem_shared>> -> memref<10112x128xf32, #tpu.memory_space<vmem_shared>>
    tpu.enqueue_indirect_dma source(%arg10 : memref<80x128xf32, #tpu.memory_space<vmem>>) target(%dma_start3A_270 : memref<10112x128xf32, #tpu.memory_space<vmem_shared>>) offsets(%dma_start3A_267 : memref<80xi32, #tpu.memory_space<vmem>>) semaphore(%arg16 : memref<!tpu.dma_semaphore, #tpu.memory_space<semaphore_mem>>) {add = true}
    %scan3A_271 = arith.constant 0 : i32
    %scan3A_272 = arith.constant 1 : i32
    %scan3A_273 = arith.constant 19 : i32
    %scan3A_274 = arith.addi %scan3A_272, %scan3A_273 : i32
    %scan3A_275 = arith.constant 1 : i32
    %scan3A_276 = scf.for %scan3A_358 = %scan3A_272 to %scan3A_274 step %scan3A_275 iter_args(%scan3A_359 = %scan3A_271) -> (i32)  : i32 {
      %mul3A_360 = arith.constant 3 : i32
      %mul3A_361 = arith.muli %mul3A_360, %scan3A_358 : i32
      %sub3A = arith.constant 1 : i32
      %sub3A_362 = arith.subi %mul3A_361, %sub3A : i32
      %dma_wait3A_363 = arith.constant 0 : i32
      %dma_wait3A_364 = tpu.memref_slice %arg7[%sub3A_362, %dma_wait3A_363] : memref<63x80xi32, #tpu.memory_space<vmem>> -> memref<1x80xi32, #tpu.memory_space<vmem>>
      %dma_wait3A_365 = tpu.memref_squeeze %dma_wait3A_364 : memref<1x80xi32, #tpu.memory_space<vmem>> -> memref<80xi32, #tpu.memory_space<vmem>>
      %dma_wait3A_366 = arith.constant 0 : i32
      %dma_wait3A_367 = arith.constant 0 : i32
      %dma_wait3A_368 = tpu.memref_slice %arg17[%dma_wait3A_366, %dma_wait3A_367] : memref<10112x128xf32, #tpu.memory_space<vmem_shared>> -> memref<10112x128xf32, #tpu.memory_space<vmem_shared>>
      tpu.wait_indirect_dma semaphore(%arg16 : memref<!tpu.dma_semaphore, #tpu.memory_space<semaphore_mem>>) src(%arg10 : memref<80x128xf32, #tpu.memory_space<vmem>>) dst(%dma_wait3A_368 : memref<10112x128xf32, #tpu.memory_space<vmem_shared>>)
      %add3A_369 = arith.constant 2 : i32
      %add3A_370 = arith.addi %mul3A_361, %add3A_369 : i32
      %dma_start3A_371 = arith.constant 0 : i32
      %dma_start3A_372 = tpu.memref_slice %arg6[%add3A_370, %dma_start3A_371] : memref<63x80xi32, #tpu.memory_space<vmem>> -> memref<1x80xi32, #tpu.memory_space<vmem>>
      %dma_start3A_373 = tpu.memref_squeeze %dma_start3A_372 : memref<1x80xi32, #tpu.memory_space<vmem>> -> memref<80xi32, #tpu.memory_space<vmem>>
      %dma_start3A_374 = arith.constant 0 : i32
      %dma_start3A_375 = arith.constant 0 : i32
      %dma_start3A_376 = tpu.memref_slice %arg2[%dma_start3A_374, %dma_start3A_375] : memref<20224x128xf32, #tpu.memory_space<hbm>> -> memref<20224x128xf32, #tpu.memory_space<hbm>>
      tpu.enqueue_indirect_dma source(%dma_start3A_376 : memref<20224x128xf32, #tpu.memory_space<hbm>>) target(%arg10 : memref<80x128xf32, #tpu.memory_space<vmem>>) offsets(%dma_start3A_373 : memref<80xi32, #tpu.memory_space<vmem>>) semaphore(%arg13 : memref<!tpu.dma_semaphore, #tpu.memory_space<semaphore_mem>>)
      %dma_wait3A_377 = arith.constant 0 : i32
      %dma_wait3A_378 = tpu.memref_slice %arg6[%mul3A_361, %dma_wait3A_377] : memref<63x80xi32, #tpu.memory_space<vmem>> -> memref<1x80xi32, #tpu.memory_space<vmem>>
      %dma_wait3A_379 = tpu.memref_squeeze %dma_wait3A_378 : memref<1x80xi32, #tpu.memory_space<vmem>> -> memref<80xi32, #tpu.memory_space<vmem>>
      %dma_wait3A_380 = arith.constant 0 : i32
      %dma_wait3A_381 = arith.constant 0 : i32
      %dma_wait3A_382 = tpu.memref_slice %arg2[%dma_wait3A_380, %dma_wait3A_381] : memref<20224x128xf32, #tpu.memory_space<hbm>> -> memref<20224x128xf32, #tpu.memory_space<hbm>>
      tpu.wait_indirect_dma semaphore(%arg11 : memref<!tpu.dma_semaphore, #tpu.memory_space<semaphore_mem>>) src(%dma_wait3A_382 : memref<20224x128xf32, #tpu.memory_space<hbm>>) dst(%arg8 : memref<80x128xf32, #tpu.memory_space<vmem>>)
      %dma_start3A_383 = arith.constant 0 : i32
      %dma_start3A_384 = tpu.memref_slice %arg7[%mul3A_361, %dma_start3A_383] : memref<63x80xi32, #tpu.memory_space<vmem>> -> memref<1x80xi32, #tpu.memory_space<vmem>>
      %dma_start3A_385 = tpu.memref_squeeze %dma_start3A_384 : memref<1x80xi32, #tpu.memory_space<vmem>> -> memref<80xi32, #tpu.memory_space<vmem>>
      %dma_start3A_386 = arith.constant 0 : i32
      %dma_start3A_387 = arith.constant 0 : i32
      %dma_start3A_388 = tpu.memref_slice %arg17[%dma_start3A_386, %dma_start3A_387] : memref<10112x128xf32, #tpu.memory_space<vmem_shared>> -> memref<10112x128xf32, #tpu.memory_space<vmem_shared>>
      tpu.enqueue_indirect_dma source(%arg8 : memref<80x128xf32, #tpu.memory_space<vmem>>) target(%dma_start3A_388 : memref<10112x128xf32, #tpu.memory_space<vmem_shared>>) offsets(%dma_start3A_385 : memref<80xi32, #tpu.memory_space<vmem>>) semaphore(%arg14 : memref<!tpu.dma_semaphore, #tpu.memory_space<semaphore_mem>>) {add = true}
      %dma_wait3A_389 = arith.constant 0 : i32
      %dma_wait3A_390 = tpu.memref_slice %arg7[%mul3A_361, %dma_wait3A_389] : memref<63x80xi32, #tpu.memory_space<vmem>> -> memref<1x80xi32, #tpu.memory_space<vmem>>
      %dma_wait3A_391 = tpu.memref_squeeze %dma_wait3A_390 : memref<1x80xi32, #tpu.memory_space<vmem>> -> memref<80xi32, #tpu.memory_space<vmem>>
      %dma_wait3A_392 = arith.constant 0 : i32
      %dma_wait3A_393 = arith.constant 0 : i32
      %dma_wait3A_394 = tpu.memref_slice %arg17[%dma_wait3A_392, %dma_wait3A_393] : memref<10112x128xf32, #tpu.memory_space<vmem_shared>> -> memref<10112x128xf32, #tpu.memory_space<vmem_shared>>
      tpu.wait_indirect_dma semaphore(%arg14 : memref<!tpu.dma_semaphore, #tpu.memory_space<semaphore_mem>>) src(%arg8 : memref<80x128xf32, #tpu.memory_space<vmem>>) dst(%dma_wait3A_394 : memref<10112x128xf32, #tpu.memory_space<vmem_shared>>)
      %add3A_395 = arith.constant 3 : i32
      %add3A_396 = arith.addi %mul3A_361, %add3A_395 : i32
      %dma_start3A_397 = arith.constant 0 : i32
      %dma_start3A_398 = tpu.memref_slice %arg6[%add3A_396, %dma_start3A_397] : memref<63x80xi32, #tpu.memory_space<vmem>> -> memref<1x80xi32, #tpu.memory_space<vmem>>
      %dma_start3A_399 = tpu.memref_squeeze %dma_start3A_398 : memref<1x80xi32, #tpu.memory_space<vmem>> -> memref<80xi32, #tpu.memory_space<vmem>>
      %dma_start3A_400 = arith.constant 0 : i32
      %dma_start3A_401 = arith.constant 0 : i32
      %dma_start3A_402 = tpu.memref_slice %arg2[%dma_start3A_400, %dma_start3A_401] : memref<20224x128xf32, #tpu.memory_space<hbm>> -> memref<20224x128xf32, #tpu.memory_space<hbm>>
      tpu.enqueue_indirect_dma source(%dma_start3A_402 : memref<20224x128xf32, #tpu.memory_space<hbm>>) target(%arg8 : memref<80x128xf32, #tpu.memory_space<vmem>>) offsets(%dma_start3A_399 : memref<80xi32, #tpu.memory_space<vmem>>) semaphore(%arg11 : memref<!tpu.dma_semaphore, #tpu.memory_space<semaphore_mem>>)
      %add3A_403 = arith.constant 1 : i32
      %add3A_404 = arith.addi %mul3A_361, %add3A_403 : i32
      %dma_wait3A_405 = arith.constant 0 : i32
      %dma_wait3A_406 = tpu.memref_slice %arg6[%add3A_404, %dma_wait3A_405] : memref<63x80xi32, #tpu.memory_space<vmem>> -> memref<1x80xi32, #tpu.memory_space<vmem>>
      %dma_wait3A_407 = tpu.memref_squeeze %dma_wait3A_406 : memref<1x80xi32, #tpu.memory_space<vmem>> -> memref<80xi32, #tpu.memory_space<vmem>>
      %dma_wait3A_408 = arith.constant 0 : i32
      %dma_wait3A_409 = arith.constant 0 : i32
      %dma_wait3A_410 = tpu.memref_slice %arg2[%dma_wait3A_408, %dma_wait3A_409] : memref<20224x128xf32, #tpu.memory_space<hbm>> -> memref<20224x128xf32, #tpu.memory_space<hbm>>
      tpu.wait_indirect_dma semaphore(%arg12 : memref<!tpu.dma_semaphore, #tpu.memory_space<semaphore_mem>>) src(%dma_wait3A_410 : memref<20224x128xf32, #tpu.memory_space<hbm>>) dst(%arg9 : memref<80x128xf32, #tpu.memory_space<vmem>>)
      %add3A_411 = arith.constant 1 : i32
      %add3A_412 = arith.addi %mul3A_361, %add3A_411 : i32
      %dma_start3A_413 = arith.constant 0 : i32
      %dma_start3A_414 = tpu.memref_slice %arg7[%add3A_412, %dma_start3A_413] : memref<63x80xi32, #tpu.memory_space<vmem>> -> memref<1x80xi32, #tpu.memory_space<vmem>>
      %dma_start3A_415 = tpu.memref_squeeze %dma_start3A_414 : memref<1x80xi32, #tpu.memory_space<vmem>> -> memref<80xi32, #tpu.memory_space<vmem>>
      %dma_start3A_416 = arith.constant 0 : i32
      %dma_start3A_417 = arith.constant 0 : i32
      %dma_start3A_418 = tpu.memref_slice %arg17[%dma_start3A_416, %dma_start3A_417] : memref<10112x128xf32, #tpu.memory_space<vmem_shared>> -> memref<10112x128xf32, #tpu.memory_space<vmem_shared>>
      tpu.enqueue_indirect_dma source(%arg9 : memref<80x128xf32, #tpu.memory_space<vmem>>) target(%dma_start3A_418 : memref<10112x128xf32, #tpu.memory_space<vmem_shared>>) offsets(%dma_start3A_415 : memref<80xi32, #tpu.memory_space<vmem>>) semaphore(%arg15 : memref<!tpu.dma_semaphore, #tpu.memory_space<semaphore_mem>>) {add = true}
      %add3A_419 = arith.constant 1 : i32
      %add3A_420 = arith.addi %mul3A_361, %add3A_419 : i32
      %dma_wait3A_421 = arith.constant 0 : i32
      %dma_wait3A_422 = tpu.memref_slice %arg7[%add3A_420, %dma_wait3A_421] : memref<63x80xi32, #tpu.memory_space<vmem>> -> memref<1x80xi32, #tpu.memory_space<vmem>>
      %dma_wait3A_423 = tpu.memref_squeeze %dma_wait3A_422 : memref<1x80xi32, #tpu.memory_space<vmem>> -> memref<80xi32, #tpu.memory_space<vmem>>
      %dma_wait3A_424 = arith.constant 0 : i32
      %dma_wait3A_425 = arith.constant 0 : i32
      %dma_wait3A_426 = tpu.memref_slice %arg17[%dma_wait3A_424, %dma_wait3A_425] : memref<10112x128xf32, #tpu.memory_space<vmem_shared>> -> memref<10112x128xf32, #tpu.memory_space<vmem_shared>>
      tpu.wait_indirect_dma semaphore(%arg15 : memref<!tpu.dma_semaphore, #tpu.memory_space<semaphore_mem>>) src(%arg9 : memref<80x128xf32, #tpu.memory_space<vmem>>) dst(%dma_wait3A_426 : memref<10112x128xf32, #tpu.memory_space<vmem_shared>>)
      %add3A_427 = arith.constant 4 : i32
      %add3A_428 = arith.addi %mul3A_361, %add3A_427 : i32
      %dma_start3A_429 = arith.constant 0 : i32
      %dma_start3A_430 = tpu.memref_slice %arg6[%add3A_428, %dma_start3A_429] : memref<63x80xi32, #tpu.memory_space<vmem>> -> memref<1x80xi32, #tpu.memory_space<vmem>>
      %dma_start3A_431 = tpu.memref_squeeze %dma_start3A_430 : memref<1x80xi32, #tpu.memory_space<vmem>> -> memref<80xi32, #tpu.memory_space<vmem>>
      %dma_start3A_432 = arith.constant 0 : i32
      %dma_start3A_433 = arith.constant 0 : i32
      %dma_start3A_434 = tpu.memref_slice %arg2[%dma_start3A_432, %dma_start3A_433] : memref<20224x128xf32, #tpu.memory_space<hbm>> -> memref<20224x128xf32, #tpu.memory_space<hbm>>
      tpu.enqueue_indirect_dma source(%dma_start3A_434 : memref<20224x128xf32, #tpu.memory_space<hbm>>) target(%arg9 : memref<80x128xf32, #tpu.memory_space<vmem>>) offsets(%dma_start3A_431 : memref<80xi32, #tpu.memory_space<vmem>>) semaphore(%arg12 : memref<!tpu.dma_semaphore, #tpu.memory_space<semaphore_mem>>)
      %add3A_435 = arith.constant 2 : i32
      %add3A_436 = arith.addi %mul3A_361, %add3A_435 : i32
      %dma_wait3A_437 = arith.constant 0 : i32
      %dma_wait3A_438 = tpu.memref_slice %arg6[%add3A_436, %dma_wait3A_437] : memref<63x80xi32, #tpu.memory_space<vmem>> -> memref<1x80xi32, #tpu.memory_space<vmem>>
      %dma_wait3A_439 = tpu.memref_squeeze %dma_wait3A_438 : memref<1x80xi32, #tpu.memory_space<vmem>> -> memref<80xi32, #tpu.memory_space<vmem>>
      %dma_wait3A_440 = arith.constant 0 : i32
      %dma_wait3A_441 = arith.constant 0 : i32
      %dma_wait3A_442 = tpu.memref_slice %arg2[%dma_wait3A_440, %dma_wait3A_441] : memref<20224x128xf32, #tpu.memory_space<hbm>> -> memref<20224x128xf32, #tpu.memory_space<hbm>>
      tpu.wait_indirect_dma semaphore(%arg13 : memref<!tpu.dma_semaphore, #tpu.memory_space<semaphore_mem>>) src(%dma_wait3A_442 : memref<20224x128xf32, #tpu.memory_space<hbm>>) dst(%arg10 : memref<80x128xf32, #tpu.memory_space<vmem>>)
      %add3A_443 = arith.constant 2 : i32
      %add3A_444 = arith.addi %mul3A_361, %add3A_443 : i32
      %dma_start3A_445 = arith.constant 0 : i32
      %dma_start3A_446 = tpu.memref_slice %arg7[%add3A_444, %dma_start3A_445] : memref<63x80xi32, #tpu.memory_space<vmem>> -> memref<1x80xi32, #tpu.memory_space<vmem>>
      %dma_start3A_447 = tpu.memref_squeeze %dma_start3A_446 : memref<1x80xi32, #tpu.memory_space<vmem>> -> memref<80xi32, #tpu.memory_space<vmem>>
      %dma_start3A_448 = arith.constant 0 : i32
      %dma_start3A_449 = arith.constant 0 : i32
      %dma_start3A_450 = tpu.memref_slice %arg17[%dma_start3A_448, %dma_start3A_449] : memref<10112x128xf32, #tpu.memory_space<vmem_shared>> -> memref<10112x128xf32, #tpu.memory_space<vmem_shared>>
      tpu.enqueue_indirect_dma source(%arg10 : memref<80x128xf32, #tpu.memory_space<vmem>>) target(%dma_start3A_450 : memref<10112x128xf32, #tpu.memory_space<vmem_shared>>) offsets(%dma_start3A_447 : memref<80xi32, #tpu.memory_space<vmem>>) semaphore(%arg16 : memref<!tpu.dma_semaphore, #tpu.memory_space<semaphore_mem>>) {add = true}
      %scan3A_451 = arith.constant 0 : i32
      scf.yield %scan3A_451 : i32
    }
    %scan3A_277 = arith.constant 19 : i32
    %dma_wait3A_278 = arith.constant 59 : i32
    %dma_wait3A_279 = arith.constant 0 : i32
    %dma_wait3A_280 = tpu.memref_slice %arg7[%dma_wait3A_278, %dma_wait3A_279] : memref<63x80xi32, #tpu.memory_space<vmem>> -> memref<1x80xi32, #tpu.memory_space<vmem>>
    %dma_wait3A_281 = tpu.memref_squeeze %dma_wait3A_280 : memref<1x80xi32, #tpu.memory_space<vmem>> -> memref<80xi32, #tpu.memory_space<vmem>>
    %dma_wait3A_282 = arith.constant 0 : i32
    %dma_wait3A_283 = arith.constant 0 : i32
    %dma_wait3A_284 = tpu.memref_slice %arg17[%dma_wait3A_282, %dma_wait3A_283] : memref<10112x128xf32, #tpu.memory_space<vmem_shared>> -> memref<10112x128xf32, #tpu.memory_space<vmem_shared>>
    tpu.wait_indirect_dma semaphore(%arg16 : memref<!tpu.dma_semaphore, #tpu.memory_space<semaphore_mem>>) src(%arg10 : memref<80x128xf32, #tpu.memory_space<vmem>>) dst(%dma_wait3A_284 : memref<10112x128xf32, #tpu.memory_space<vmem_shared>>)
    %dma_start3A_285 = arith.constant 62 : i32
    %dma_start3A_286 = arith.constant 0 : i32
    %dma_start3A_287 = tpu.memref_slice %arg6[%dma_start3A_285, %dma_start3A_286] : memref<63x80xi32, #tpu.memory_space<vmem>> -> memref<1x80xi32, #tpu.memory_space<vmem>>
    %dma_start3A_288 = tpu.memref_squeeze %dma_start3A_287 : memref<1x80xi32, #tpu.memory_space<vmem>> -> memref<80xi32, #tpu.memory_space<vmem>>
    %dma_start3A_289 = arith.constant 0 : i32
    %dma_start3A_290 = arith.constant 0 : i32
    %dma_start3A_291 = tpu.memref_slice %arg2[%dma_start3A_289, %dma_start3A_290] : memref<20224x128xf32, #tpu.memory_space<hbm>> -> memref<20224x128xf32, #tpu.memory_space<hbm>>
    tpu.enqueue_indirect_dma source(%dma_start3A_291 : memref<20224x128xf32, #tpu.memory_space<hbm>>) target(%arg10 : memref<80x128xf32, #tpu.memory_space<vmem>>) offsets(%dma_start3A_288 : memref<80xi32, #tpu.memory_space<vmem>>) semaphore(%arg13 : memref<!tpu.dma_semaphore, #tpu.memory_space<semaphore_mem>>)
    %dma_wait3A_292 = arith.constant 60 : i32
    %dma_wait3A_293 = arith.constant 0 : i32
    %dma_wait3A_294 = tpu.memref_slice %arg6[%dma_wait3A_292, %dma_wait3A_293] : memref<63x80xi32, #tpu.memory_space<vmem>> -> memref<1x80xi32, #tpu.memory_space<vmem>>
    %dma_wait3A_295 = tpu.memref_squeeze %dma_wait3A_294 : memref<1x80xi32, #tpu.memory_space<vmem>> -> memref<80xi32, #tpu.memory_space<vmem>>
    %dma_wait3A_296 = arith.constant 0 : i32
    %dma_wait3A_297 = arith.constant 0 : i32
    %dma_wait3A_298 = tpu.memref_slice %arg2[%dma_wait3A_296, %dma_wait3A_297] : memref<20224x128xf32, #tpu.memory_space<hbm>> -> memref<20224x128xf32, #tpu.memory_space<hbm>>
    tpu.wait_indirect_dma semaphore(%arg11 : memref<!tpu.dma_semaphore, #tpu.memory_space<semaphore_mem>>) src(%dma_wait3A_298 : memref<20224x128xf32, #tpu.memory_space<hbm>>) dst(%arg8 : memref<80x128xf32, #tpu.memory_space<vmem>>)
    %dma_start3A_299 = arith.constant 60 : i32
    %dma_start3A_300 = arith.constant 0 : i32
    %dma_start3A_301 = tpu.memref_slice %arg7[%dma_start3A_299, %dma_start3A_300] : memref<63x80xi32, #tpu.memory_space<vmem>> -> memref<1x80xi32, #tpu.memory_space<vmem>>
    %dma_start3A_302 = tpu.memref_squeeze %dma_start3A_301 : memref<1x80xi32, #tpu.memory_space<vmem>> -> memref<80xi32, #tpu.memory_space<vmem>>
    %dma_start3A_303 = arith.constant 0 : i32
    %dma_start3A_304 = arith.constant 0 : i32
    %dma_start3A_305 = tpu.memref_slice %arg17[%dma_start3A_303, %dma_start3A_304] : memref<10112x128xf32, #tpu.memory_space<vmem_shared>> -> memref<10112x128xf32, #tpu.memory_space<vmem_shared>>
    tpu.enqueue_indirect_dma source(%arg8 : memref<80x128xf32, #tpu.memory_space<vmem>>) target(%dma_start3A_305 : memref<10112x128xf32, #tpu.memory_space<vmem_shared>>) offsets(%dma_start3A_302 : memref<80xi32, #tpu.memory_space<vmem>>) semaphore(%arg14 : memref<!tpu.dma_semaphore, #tpu.memory_space<semaphore_mem>>) {add = true}
    %dma_wait3A_306 = arith.constant 60 : i32
    %dma_wait3A_307 = arith.constant 0 : i32
    %dma_wait3A_308 = tpu.memref_slice %arg7[%dma_wait3A_306, %dma_wait3A_307] : memref<63x80xi32, #tpu.memory_space<vmem>> -> memref<1x80xi32, #tpu.memory_space<vmem>>
    %dma_wait3A_309 = tpu.memref_squeeze %dma_wait3A_308 : memref<1x80xi32, #tpu.memory_space<vmem>> -> memref<80xi32, #tpu.memory_space<vmem>>
    %dma_wait3A_310 = arith.constant 0 : i32
    %dma_wait3A_311 = arith.constant 0 : i32
    %dma_wait3A_312 = tpu.memref_slice %arg17[%dma_wait3A_310, %dma_wait3A_311] : memref<10112x128xf32, #tpu.memory_space<vmem_shared>> -> memref<10112x128xf32, #tpu.memory_space<vmem_shared>>
    tpu.wait_indirect_dma semaphore(%arg14 : memref<!tpu.dma_semaphore, #tpu.memory_space<semaphore_mem>>) src(%arg8 : memref<80x128xf32, #tpu.memory_space<vmem>>) dst(%dma_wait3A_312 : memref<10112x128xf32, #tpu.memory_space<vmem_shared>>)
    %dma_wait3A_313 = arith.constant 61 : i32
    %dma_wait3A_314 = arith.constant 0 : i32
    %dma_wait3A_315 = tpu.memref_slice %arg6[%dma_wait3A_313, %dma_wait3A_314] : memref<63x80xi32, #tpu.memory_space<vmem>> -> memref<1x80xi32, #tpu.memory_space<vmem>>
    %dma_wait3A_316 = tpu.memref_squeeze %dma_wait3A_315 : memref<1x80xi32, #tpu.memory_space<vmem>> -> memref<80xi32, #tpu.memory_space<vmem>>
    %dma_wait3A_317 = arith.constant 0 : i32
    %dma_wait3A_318 = arith.constant 0 : i32
    %dma_wait3A_319 = tpu.memref_slice %arg2[%dma_wait3A_317, %dma_wait3A_318] : memref<20224x128xf32, #tpu.memory_space<hbm>> -> memref<20224x128xf32, #tpu.memory_space<hbm>>
    tpu.wait_indirect_dma semaphore(%arg12 : memref<!tpu.dma_semaphore, #tpu.memory_space<semaphore_mem>>) src(%dma_wait3A_319 : memref<20224x128xf32, #tpu.memory_space<hbm>>) dst(%arg9 : memref<80x128xf32, #tpu.memory_space<vmem>>)
    %dma_start3A_320 = arith.constant 61 : i32
    %dma_start3A_321 = arith.constant 0 : i32
    %dma_start3A_322 = tpu.memref_slice %arg7[%dma_start3A_320, %dma_start3A_321] : memref<63x80xi32, #tpu.memory_space<vmem>> -> memref<1x80xi32, #tpu.memory_space<vmem>>
    %dma_start3A_323 = tpu.memref_squeeze %dma_start3A_322 : memref<1x80xi32, #tpu.memory_space<vmem>> -> memref<80xi32, #tpu.memory_space<vmem>>
    %dma_start3A_324 = arith.constant 0 : i32
    %dma_start3A_325 = arith.constant 0 : i32
    %dma_start3A_326 = tpu.memref_slice %arg17[%dma_start3A_324, %dma_start3A_325] : memref<10112x128xf32, #tpu.memory_space<vmem_shared>> -> memref<10112x128xf32, #tpu.memory_space<vmem_shared>>
    tpu.enqueue_indirect_dma source(%arg9 : memref<80x128xf32, #tpu.memory_space<vmem>>) target(%dma_start3A_326 : memref<10112x128xf32, #tpu.memory_space<vmem_shared>>) offsets(%dma_start3A_323 : memref<80xi32, #tpu.memory_space<vmem>>) semaphore(%arg15 : memref<!tpu.dma_semaphore, #tpu.memory_space<semaphore_mem>>) {add = true}
    %dma_wait3A_327 = arith.constant 61 : i32
    %dma_wait3A_328 = arith.constant 0 : i32
    %dma_wait3A_329 = tpu.memref_slice %arg7[%dma_wait3A_327, %dma_wait3A_328] : memref<63x80xi32, #tpu.memory_space<vmem>> -> memref<1x80xi32, #tpu.memory_space<vmem>>
    %dma_wait3A_330 = tpu.memref_squeeze %dma_wait3A_329 : memref<1x80xi32, #tpu.memory_space<vmem>> -> memref<80xi32, #tpu.memory_space<vmem>>
    %dma_wait3A_331 = arith.constant 0 : i32
    %dma_wait3A_332 = arith.constant 0 : i32
    %dma_wait3A_333 = tpu.memref_slice %arg17[%dma_wait3A_331, %dma_wait3A_332] : memref<10112x128xf32, #tpu.memory_space<vmem_shared>> -> memref<10112x128xf32, #tpu.memory_space<vmem_shared>>
    tpu.wait_indirect_dma semaphore(%arg15 : memref<!tpu.dma_semaphore, #tpu.memory_space<semaphore_mem>>) src(%arg9 : memref<80x128xf32, #tpu.memory_space<vmem>>) dst(%dma_wait3A_333 : memref<10112x128xf32, #tpu.memory_space<vmem_shared>>)
    %dma_wait3A_334 = arith.constant 62 : i32
    %dma_wait3A_335 = arith.constant 0 : i32
    %dma_wait3A_336 = tpu.memref_slice %arg6[%dma_wait3A_334, %dma_wait3A_335] : memref<63x80xi32, #tpu.memory_space<vmem>> -> memref<1x80xi32, #tpu.memory_space<vmem>>
    %dma_wait3A_337 = tpu.memref_squeeze %dma_wait3A_336 : memref<1x80xi32, #tpu.memory_space<vmem>> -> memref<80xi32, #tpu.memory_space<vmem>>
    %dma_wait3A_338 = arith.constant 0 : i32
    %dma_wait3A_339 = arith.constant 0 : i32
    %dma_wait3A_340 = tpu.memref_slice %arg2[%dma_wait3A_338, %dma_wait3A_339] : memref<20224x128xf32, #tpu.memory_space<hbm>> -> memref<20224x128xf32, #tpu.memory_space<hbm>>
    tpu.wait_indirect_dma semaphore(%arg13 : memref<!tpu.dma_semaphore, #tpu.memory_space<semaphore_mem>>) src(%dma_wait3A_340 : memref<20224x128xf32, #tpu.memory_space<hbm>>) dst(%arg10 : memref<80x128xf32, #tpu.memory_space<vmem>>)
    %dma_start3A_341 = arith.constant 62 : i32
    %dma_start3A_342 = arith.constant 0 : i32
    %dma_start3A_343 = tpu.memref_slice %arg7[%dma_start3A_341, %dma_start3A_342] : memref<63x80xi32, #tpu.memory_space<vmem>> -> memref<1x80xi32, #tpu.memory_space<vmem>>
    %dma_start3A_344 = tpu.memref_squeeze %dma_start3A_343 : memref<1x80xi32, #tpu.memory_space<vmem>> -> memref<80xi32, #tpu.memory_space<vmem>>
    %dma_start3A_345 = arith.constant 0 : i32
    %dma_start3A_346 = arith.constant 0 : i32
    %dma_start3A_347 = tpu.memref_slice %arg17[%dma_start3A_345, %dma_start3A_346] : memref<10112x128xf32, #tpu.memory_space<vmem_shared>> -> memref<10112x128xf32, #tpu.memory_space<vmem_shared>>
    tpu.enqueue_indirect_dma source(%arg10 : memref<80x128xf32, #tpu.memory_space<vmem>>) target(%dma_start3A_347 : memref<10112x128xf32, #tpu.memory_space<vmem_shared>>) offsets(%dma_start3A_344 : memref<80xi32, #tpu.memory_space<vmem>>) semaphore(%arg16 : memref<!tpu.dma_semaphore, #tpu.memory_space<semaphore_mem>>) {add = true}
    %dma_wait3A_348 = arith.constant 62 : i32
    %dma_wait3A_349 = arith.constant 0 : i32
    %dma_wait3A_350 = tpu.memref_slice %arg7[%dma_wait3A_348, %dma_wait3A_349] : memref<63x80xi32, #tpu.memory_space<vmem>> -> memref<1x80xi32, #tpu.memory_space<vmem>>
    %dma_wait3A_351 = tpu.memref_squeeze %dma_wait3A_350 : memref<1x80xi32, #tpu.memory_space<vmem>> -> memref<80xi32, #tpu.memory_space<vmem>>
    %dma_wait3A_352 = arith.constant 0 : i32
    %dma_wait3A_353 = arith.constant 0 : i32
    %dma_wait3A_354 = tpu.memref_slice %arg17[%dma_wait3A_352, %dma_wait3A_353] : memref<10112x128xf32, #tpu.memory_space<vmem_shared>> -> memref<10112x128xf32, #tpu.memory_space<vmem_shared>>
    tpu.wait_indirect_dma semaphore(%arg16 : memref<!tpu.dma_semaphore, #tpu.memory_space<semaphore_mem>>) src(%arg10 : memref<80x128xf32, #tpu.memory_space<vmem>>) dst(%dma_wait3A_354 : memref<10112x128xf32, #tpu.memory_space<vmem_shared>>)
    %barrier3A_355 = arith.constant 0 : index
    tpu.barrier barrier_id(%barrier3A_355)
    %mul3A_356 = arith.constant 632 : i32
    %mul3A_357 = arith.muli %arg1, %mul3A_356 : i32
    "tpu.region"() ({
      %run_scoped3A_358 = tpu.sem_alloc : memref<!tpu.dma_semaphore, #tpu.memory_space<semaphore_mem>>
      %dma_start3A_359 = arith.constant 0 : i32
      %dma_start3A_360 = tpu.memref_slice %arg5[%add3A, %dma_start3A_359] : memref<20224x128xf32, #tpu.memory_space<hbm>> -> memref<632x128xf32, #tpu.memory_space<hbm>>
      %dma_start3A_361 = arith.constant 0 : i32
      %dma_start3A_362 = tpu.memref_slice %arg17[%mul3A_357, %dma_start3A_361] : memref<10112x128xf32, #tpu.memory_space<vmem_shared>> -> memref<632x128xf32, #tpu.memory_space<vmem_shared>>
      tpu.enqueue_dma source(%dma_start3A_362 : memref<632x128xf32, #tpu.memory_space<vmem_shared>>) target(%dma_start3A_360 : memref<632x128xf32, #tpu.memory_space<hbm>>) target_semaphore(%run_scoped3A_358 : memref<!tpu.dma_semaphore, #tpu.memory_space<semaphore_mem>>)
      %dma_wait3A_363 = arith.constant 0 : i32
      %dma_wait3A_364 = tpu.memref_slice %arg5[%add3A, %dma_wait3A_363] : memref<20224x128xf32, #tpu.memory_space<hbm>> -> memref<632x128xf32, #tpu.memory_space<hbm>>
      %dma_wait3A_365 = arith.constant 0 : i32
      %dma_wait3A_366 = tpu.memref_slice %arg17[%mul3A_357, %dma_wait3A_365] : memref<10112x128xf32, #tpu.memory_space<vmem_shared>> -> memref<632x128xf32, #tpu.memory_space<vmem_shared>>
      tpu.wait_dma2 semaphore(%run_scoped3A_358 : memref<!tpu.dma_semaphore, #tpu.memory_space<semaphore_mem>>) src(%dma_wait3A_366 : memref<632x128xf32, #tpu.memory_space<vmem_shared>>) dst(%dma_wait3A_364 : memref<632x128xf32, #tpu.memory_space<hbm>>)
      tpu.yield
    }) : () -> ()
    return
  }
}

#map = affine_map<(d0, d1) -> (0, 0)>
#map1 = affine_map<(d0, d1) -> (0, 0, 0, 0, 0)>
#map2 = affine_map<(d0, d1) -> (0, 0, 0, 0)>
module attributes {stable_mosaic.version = 14 : i64} {
  func.func @agg_kernel(%arg0: i32, %arg1: i32, %arg2: memref<20224x128xf32, #tpu.memory_space<hbm>>, %arg3: memref<2x16x2x63x80xi32, #tpu.memory_space<hbm>>, %arg4: memref<16x2x63x80xi32, #tpu.memory_space<hbm>>, %arg5: memref<20224x128xf32, #tpu.memory_space<hbm>>, %arg6: memref<63x80xi32, #tpu.memory_space<vmem>>, %arg7: memref<63x80xi32, #tpu.memory_space<vmem>>, %arg8: memref<80x128xf32, #tpu.memory_space<vmem>>, %arg9: memref<80x128xf32, #tpu.memory_space<vmem>>, %arg10: memref<80x128xf32, #tpu.memory_space<vmem>>, %arg11: memref<!tpu.dma_semaphore, #tpu.memory_space<semaphore_mem>>, %arg12: memref<!tpu.dma_semaphore, #tpu.memory_space<semaphore_mem>>, %arg13: memref<!tpu.dma_semaphore, #tpu.memory_space<semaphore_mem>>, %arg14: memref<!tpu.dma_semaphore, #tpu.memory_space<semaphore_mem>>, %arg15: memref<!tpu.dma_semaphore, #tpu.memory_space<semaphore_mem>>, %arg16: memref<!tpu.dma_semaphore, #tpu.memory_space<semaphore_mem>>, %arg17: memref<10112x128xf32, #tpu.memory_space<vmem_shared>>) attributes {dimension_semantics = [#tpu.dimension_semantics<core_parallel>, #tpu.dimension_semantics<subcore_parallel>], iteration_bounds = array<i64: 2, 16>, scalar_prefetch = 0 : i64, scratch_operands = 12 : i64, tpu.core_type = #tpu.core_type<sc_vector_subcore>, window_params = [{transform_indices = #map}, {transform_indices = #map1}, {transform_indices = #map2}, {transform_indices = #map}]} {
    %mul3A = arith.constant 10112 : i32
    %mul3A_0 = arith.muli %arg0, %mul3A : i32
    %mul3A_1 = arith.constant 632 : i32
    %mul3A_2 = arith.muli %arg1, %mul3A_1 : i32
    %add3A = arith.addi %mul3A_0, %mul3A_2 : i32
    %mul3A_3 = arith.constant 632 : i32
    %mul3A_4 = arith.muli %arg1, %mul3A_3 : i32
    "tpu.region"() ({
      %run_scoped3A_358 = tpu.sem_alloc : memref<!tpu.dma_semaphore, #tpu.memory_space<semaphore_mem>>
      %dma_start3A_359 = arith.constant 0 : i32
      %dma_start3A_360 = tpu.memref_slice %arg17[%mul3A_4, %dma_start3A_359] : memref<10112x128xf32, #tpu.memory_space<vmem_shared>> -> memref<632x128xf32, #tpu.memory_space<vmem_shared>>
      %dma_start3A_361 = arith.constant 0 : i32
      %dma_start3A_362 = tpu.memref_slice %arg2[%add3A, %dma_start3A_361] : memref<20224x128xf32, #tpu.memory_space<hbm>> -> memref<632x128xf32, #tpu.memory_space<hbm>>
      tpu.enqueue_dma source(%dma_start3A_362 : memref<632x128xf32, #tpu.memory_space<hbm>>) target(%dma_start3A_360 : memref<632x128xf32, #tpu.memory_space<vmem_shared>>) target_semaphore(%run_scoped3A_358 : memref<!tpu.dma_semaphore, #tpu.memory_space<semaphore_mem>>)
      %dma_wait3A_363 = arith.constant 0 : i32
      %dma_wait3A_364 = tpu.memref_slice %arg17[%mul3A_4, %dma_wait3A_363] : memref<10112x128xf32, #tpu.memory_space<vmem_shared>> -> memref<632x128xf32, #tpu.memory_space<vmem_shared>>
      %dma_wait3A_365 = arith.constant 0 : i32
      %dma_wait3A_366 = tpu.memref_slice %arg2[%add3A, %dma_wait3A_365] : memref<20224x128xf32, #tpu.memory_space<hbm>> -> memref<632x128xf32, #tpu.memory_space<hbm>>
      tpu.wait_dma2 semaphore(%run_scoped3A_358 : memref<!tpu.dma_semaphore, #tpu.memory_space<semaphore_mem>>) src(%dma_wait3A_366 : memref<632x128xf32, #tpu.memory_space<hbm>>) dst(%dma_wait3A_364 : memref<632x128xf32, #tpu.memory_space<vmem_shared>>)
      tpu.yield
    }) : () -> ()
    %barrier3A = arith.constant 0 : index
    tpu.barrier barrier_id(%barrier3A)
    %run_scoped3A = arith.constant 0 : i32
    "tpu.region"() ({
      %run_scoped3A_358 = tpu.sem_alloc : memref<!tpu.dma_semaphore, #tpu.memory_space<semaphore_mem>>
      %dma_start3A_359 = arith.constant 0 : i32
      %dma_start3A_360 = arith.constant 0 : i32
      %dma_start3A_361 = tpu.memref_slice %arg3[%arg0, %arg1, %run_scoped3A, %dma_start3A_359, %dma_start3A_360] : memref<2x16x2x63x80xi32, #tpu.memory_space<hbm>> -> memref<1x1x1x63x80xi32, #tpu.memory_space<hbm>>
      %dma_start3A_362 = tpu.memref_squeeze %dma_start3A_361 : memref<1x1x1x63x80xi32, #tpu.memory_space<hbm>> -> memref<63x80xi32, #tpu.memory_space<hbm>>
      %dma_start3A_363 = arith.constant 0 : i32
      %dma_start3A_364 = arith.constant 0 : i32
      %dma_start3A_365 = tpu.memref_slice %arg3[%arg0, %arg1, %run_scoped3A, %dma_start3A_363, %dma_start3A_364] : memref<2x16x2x63x80xi32, #tpu.memory_space<hbm>> -> memref<1x1x1x63x80xi32, #tpu.memory_space<hbm>>
      %dma_start3A_366 = tpu.memref_squeeze %dma_start3A_365 : memref<1x1x1x63x80xi32, #tpu.memory_space<hbm>> -> memref<63x80xi32, #tpu.memory_space<hbm>>
      tpu.enqueue_dma source(%dma_start3A_366 : memref<63x80xi32, #tpu.memory_space<hbm>>) target(%arg6 : memref<63x80xi32, #tpu.memory_space<vmem>>) target_semaphore(%run_scoped3A_358 : memref<!tpu.dma_semaphore, #tpu.memory_space<semaphore_mem>>)
      %dma_wait3A_367 = arith.constant 0 : i32
      %dma_wait3A_368 = arith.constant 0 : i32
      %dma_wait3A_369 = tpu.memref_slice %arg3[%arg0, %arg1, %run_scoped3A, %dma_wait3A_367, %dma_wait3A_368] : memref<2x16x2x63x80xi32, #tpu.memory_space<hbm>> -> memref<1x1x1x63x80xi32, #tpu.memory_space<hbm>>
      %dma_wait3A_370 = tpu.memref_squeeze %dma_wait3A_369 : memref<1x1x1x63x80xi32, #tpu.memory_space<hbm>> -> memref<63x80xi32, #tpu.memory_space<hbm>>
      %dma_wait3A_371 = arith.constant 0 : i32
      %dma_wait3A_372 = arith.constant 0 : i32
      %dma_wait3A_373 = tpu.memref_slice %arg3[%arg0, %arg1, %run_scoped3A, %dma_wait3A_371, %dma_wait3A_372] : memref<2x16x2x63x80xi32, #tpu.memory_space<hbm>> -> memref<1x1x1x63x80xi32, #tpu.memory_space<hbm>>
      %dma_wait3A_374 = tpu.memref_squeeze %dma_wait3A_373 : memref<1x1x1x63x80xi32, #tpu.memory_space<hbm>> -> memref<63x80xi32, #tpu.memory_space<hbm>>
      tpu.wait_dma2 semaphore(%run_scoped3A_358 : memref<!tpu.dma_semaphore, #tpu.memory_space<semaphore_mem>>) src(%dma_wait3A_374 : memref<63x80xi32, #tpu.memory_space<hbm>>) dst(%arg6 : memref<63x80xi32, #tpu.memory_space<vmem>>)
      tpu.yield
    }) : () -> ()
    %run_scoped3A_5 = arith.constant 0 : i32
    "tpu.region"() ({
      %run_scoped3A_358 = tpu.sem_alloc : memref<!tpu.dma_semaphore, #tpu.memory_space<semaphore_mem>>
      %dma_start3A_359 = arith.constant 0 : i32
      %dma_start3A_360 = arith.constant 0 : i32
      %dma_start3A_361 = tpu.memref_slice %arg4[%arg1, %run_scoped3A_5, %dma_start3A_359, %dma_start3A_360] : memref<16x2x63x80xi32, #tpu.memory_space<hbm>> -> memref<1x1x63x80xi32, #tpu.memory_space<hbm>>
      %dma_start3A_362 = tpu.memref_squeeze %dma_start3A_361 : memref<1x1x63x80xi32, #tpu.memory_space<hbm>> -> memref<63x80xi32, #tpu.memory_space<hbm>>
      %dma_start3A_363 = arith.constant 0 : i32
      %dma_start3A_364 = arith.constant 0 : i32
      %dma_start3A_365 = tpu.memref_slice %arg4[%arg1, %run_scoped3A_5, %dma_start3A_363, %dma_start3A_364] : memref<16x2x63x80xi32, #tpu.memory_space<hbm>> -> memref<1x1x63x80xi32, #tpu.memory_space<hbm>>
      %dma_start3A_366 = tpu.memref_squeeze %dma_start3A_365 : memref<1x1x63x80xi32, #tpu.memory_space<hbm>> -> memref<63x80xi32, #tpu.memory_space<hbm>>
      tpu.enqueue_dma source(%dma_start3A_366 : memref<63x80xi32, #tpu.memory_space<hbm>>) target(%arg7 : memref<63x80xi32, #tpu.memory_space<vmem>>) target_semaphore(%run_scoped3A_358 : memref<!tpu.dma_semaphore, #tpu.memory_space<semaphore_mem>>)
      %dma_wait3A_367 = arith.constant 0 : i32
      %dma_wait3A_368 = arith.constant 0 : i32
      %dma_wait3A_369 = tpu.memref_slice %arg4[%arg1, %run_scoped3A_5, %dma_wait3A_367, %dma_wait3A_368] : memref<16x2x63x80xi32, #tpu.memory_space<hbm>> -> memref<1x1x63x80xi32, #tpu.memory_space<hbm>>
      %dma_wait3A_370 = tpu.memref_squeeze %dma_wait3A_369 : memref<1x1x63x80xi32, #tpu.memory_space<hbm>> -> memref<63x80xi32, #tpu.memory_space<hbm>>
      %dma_wait3A_371 = arith.constant 0 : i32
      %dma_wait3A_372 = arith.constant 0 : i32
      %dma_wait3A_373 = tpu.memref_slice %arg4[%arg1, %run_scoped3A_5, %dma_wait3A_371, %dma_wait3A_372] : memref<16x2x63x80xi32, #tpu.memory_space<hbm>> -> memref<1x1x63x80xi32, #tpu.memory_space<hbm>>
      %dma_wait3A_374 = tpu.memref_squeeze %dma_wait3A_373 : memref<1x1x63x80xi32, #tpu.memory_space<hbm>> -> memref<63x80xi32, #tpu.memory_space<hbm>>
      tpu.wait_dma2 semaphore(%run_scoped3A_358 : memref<!tpu.dma_semaphore, #tpu.memory_space<semaphore_mem>>) src(%dma_wait3A_374 : memref<63x80xi32, #tpu.memory_space<hbm>>) dst(%arg7 : memref<63x80xi32, #tpu.memory_space<vmem>>)
      tpu.yield
    }) : () -> ()
    %dma_start3A = arith.constant 0 : i32
    %dma_start3A_6 = arith.constant 0 : i32
    %dma_start3A_7 = tpu.memref_slice %arg6[%dma_start3A, %dma_start3A_6] : memref<63x80xi32, #tpu.memory_space<vmem>> -> memref<1x80xi32, #tpu.memory_space<vmem>>
    %dma_start3A_8 = tpu.memref_squeeze %dma_start3A_7 : memref<1x80xi32, #tpu.memory_space<vmem>> -> memref<80xi32, #tpu.memory_space<vmem>>
    %dma_start3A_9 = arith.constant 0 : i32
    %dma_start3A_10 = arith.constant 0 : i32
    %dma_start3A_11 = tpu.memref_slice %arg2[%dma_start3A_9, %dma_start3A_10] : memref<20224x128xf32, #tpu.memory_space<hbm>> -> memref<20224x128xf32, #tpu.memory_space<hbm>>
    tpu.enqueue_indirect_dma source(%dma_start3A_11 : memref<20224x128xf32, #tpu.memory_space<hbm>>) target(%arg8 : memref<80x128xf32, #tpu.memory_space<vmem>>) offsets(%dma_start3A_8 : memref<80xi32, #tpu.memory_space<vmem>>) semaphore(%arg11 : memref<!tpu.dma_semaphore, #tpu.memory_space<semaphore_mem>>)
    %dma_start3A_12 = arith.constant 1 : i32
    %dma_start3A_13 = arith.constant 0 : i32
    %dma_start3A_14 = tpu.memref_slice %arg6[%dma_start3A_12, %dma_start3A_13] : memref<63x80xi32, #tpu.memory_space<vmem>> -> memref<1x80xi32, #tpu.memory_space<vmem>>
    %dma_start3A_15 = tpu.memref_squeeze %dma_start3A_14 : memref<1x80xi32, #tpu.memory_space<vmem>> -> memref<80xi32, #tpu.memory_space<vmem>>
    %dma_start3A_16 = arith.constant 0 : i32
    %dma_start3A_17 = arith.constant 0 : i32
    %dma_start3A_18 = tpu.memref_slice %arg2[%dma_start3A_16, %dma_start3A_17] : memref<20224x128xf32, #tpu.memory_space<hbm>> -> memref<20224x128xf32, #tpu.memory_space<hbm>>
    tpu.enqueue_indirect_dma source(%dma_start3A_18 : memref<20224x128xf32, #tpu.memory_space<hbm>>) target(%arg9 : memref<80x128xf32, #tpu.memory_space<vmem>>) offsets(%dma_start3A_15 : memref<80xi32, #tpu.memory_space<vmem>>) semaphore(%arg12 : memref<!tpu.dma_semaphore, #tpu.memory_space<semaphore_mem>>)
    %dma_start3A_19 = arith.constant 2 : i32
    %dma_start3A_20 = arith.constant 0 : i32
    %dma_start3A_21 = tpu.memref_slice %arg6[%dma_start3A_19, %dma_start3A_20] : memref<63x80xi32, #tpu.memory_space<vmem>> -> memref<1x80xi32, #tpu.memory_space<vmem>>
    %dma_start3A_22 = tpu.memref_squeeze %dma_start3A_21 : memref<1x80xi32, #tpu.memory_space<vmem>> -> memref<80xi32, #tpu.memory_space<vmem>>
    %dma_start3A_23 = arith.constant 0 : i32
    %dma_start3A_24 = arith.constant 0 : i32
    %dma_start3A_25 = tpu.memref_slice %arg2[%dma_start3A_23, %dma_start3A_24] : memref<20224x128xf32, #tpu.memory_space<hbm>> -> memref<20224x128xf32, #tpu.memory_space<hbm>>
    tpu.enqueue_indirect_dma source(%dma_start3A_25 : memref<20224x128xf32, #tpu.memory_space<hbm>>) target(%arg10 : memref<80x128xf32, #tpu.memory_space<vmem>>) offsets(%dma_start3A_22 : memref<80xi32, #tpu.memory_space<vmem>>) semaphore(%arg13 : memref<!tpu.dma_semaphore, #tpu.memory_space<semaphore_mem>>)
    %dma_wait3A = arith.constant 0 : i32
    %dma_wait3A_26 = arith.constant 0 : i32
    %dma_wait3A_27 = tpu.memref_slice %arg6[%dma_wait3A, %dma_wait3A_26] : memref<63x80xi32, #tpu.memory_space<vmem>> -> memref<1x80xi32, #tpu.memory_space<vmem>>
    %dma_wait3A_28 = tpu.memref_squeeze %dma_wait3A_27 : memref<1x80xi32, #tpu.memory_space<vmem>> -> memref<80xi32, #tpu.memory_space<vmem>>
    %dma_wait3A_29 = arith.constant 0 : i32
    %dma_wait3A_30 = arith.constant 0 : i32
    %dma_wait3A_31 = tpu.memref_slice %arg2[%dma_wait3A_29, %dma_wait3A_30] : memref<20224x128xf32, #tpu.memory_space<hbm>> -> memref<20224x128xf32, #tpu.memory_space<hbm>>
    tpu.wait_indirect_dma semaphore(%arg11 : memref<!tpu.dma_semaphore, #tpu.memory_space<semaphore_mem>>) src(%dma_wait3A_31 : memref<20224x128xf32, #tpu.memory_space<hbm>>) dst(%arg8 : memref<80x128xf32, #tpu.memory_space<vmem>>)
    %dma_start3A_32 = arith.constant 0 : i32
    %dma_start3A_33 = arith.constant 0 : i32
    %dma_start3A_34 = tpu.memref_slice %arg7[%dma_start3A_32, %dma_start3A_33] : memref<63x80xi32, #tpu.memory_space<vmem>> -> memref<1x80xi32, #tpu.memory_space<vmem>>
    %dma_start3A_35 = tpu.memref_squeeze %dma_start3A_34 : memref<1x80xi32, #tpu.memory_space<vmem>> -> memref<80xi32, #tpu.memory_space<vmem>>
    %dma_start3A_36 = arith.constant 0 : i32
    %dma_start3A_37 = arith.constant 0 : i32
    %dma_start3A_38 = tpu.memref_slice %arg17[%dma_start3A_36, %dma_start3A_37] : memref<10112x128xf32, #tpu.memory_space<vmem_shared>> -> memref<10112x128xf32, #tpu.memory_space<vmem_shared>>
    tpu.enqueue_indirect_dma source(%arg8 : memref<80x128xf32, #tpu.memory_space<vmem>>) target(%dma_start3A_38 : memref<10112x128xf32, #tpu.memory_space<vmem_shared>>) offsets(%dma_start3A_35 : memref<80xi32, #tpu.memory_space<vmem>>) semaphore(%arg14 : memref<!tpu.dma_semaphore, #tpu.memory_space<semaphore_mem>>) {add = true}
    %dma_wait3A_39 = arith.constant 0 : i32
    %dma_wait3A_40 = arith.constant 0 : i32
    %dma_wait3A_41 = tpu.memref_slice %arg7[%dma_wait3A_39, %dma_wait3A_40] : memref<63x80xi32, #tpu.memory_space<vmem>> -> memref<1x80xi32, #tpu.memory_space<vmem>>
    %dma_wait3A_42 = tpu.memref_squeeze %dma_wait3A_41 : memref<1x80xi32, #tpu.memory_space<vmem>> -> memref<80xi32, #tpu.memory_space<vmem>>
    %dma_wait3A_43 = arith.constant 0 : i32
    %dma_wait3A_44 = arith.constant 0 : i32
    %dma_wait3A_45 = tpu.memref_slice %arg17[%dma_wait3A_43, %dma_wait3A_44] : memref<10112x128xf32, #tpu.memory_space<vmem_shared>> -> memref<10112x128xf32, #tpu.memory_space<vmem_shared>>
    tpu.wait_indirect_dma semaphore(%arg14 : memref<!tpu.dma_semaphore, #tpu.memory_space<semaphore_mem>>) src(%arg8 : memref<80x128xf32, #tpu.memory_space<vmem>>) dst(%dma_wait3A_45 : memref<10112x128xf32, #tpu.memory_space<vmem_shared>>)
    %dma_start3A_46 = arith.constant 3 : i32
    %dma_start3A_47 = arith.constant 0 : i32
    %dma_start3A_48 = tpu.memref_slice %arg6[%dma_start3A_46, %dma_start3A_47] : memref<63x80xi32, #tpu.memory_space<vmem>> -> memref<1x80xi32, #tpu.memory_space<vmem>>
    %dma_start3A_49 = tpu.memref_squeeze %dma_start3A_48 : memref<1x80xi32, #tpu.memory_space<vmem>> -> memref<80xi32, #tpu.memory_space<vmem>>
    %dma_start3A_50 = arith.constant 0 : i32
    %dma_start3A_51 = arith.constant 0 : i32
    %dma_start3A_52 = tpu.memref_slice %arg2[%dma_start3A_50, %dma_start3A_51] : memref<20224x128xf32, #tpu.memory_space<hbm>> -> memref<20224x128xf32, #tpu.memory_space<hbm>>
    tpu.enqueue_indirect_dma source(%dma_start3A_52 : memref<20224x128xf32, #tpu.memory_space<hbm>>) target(%arg8 : memref<80x128xf32, #tpu.memory_space<vmem>>) offsets(%dma_start3A_49 : memref<80xi32, #tpu.memory_space<vmem>>) semaphore(%arg11 : memref<!tpu.dma_semaphore, #tpu.memory_space<semaphore_mem>>)
    %dma_wait3A_53 = arith.constant 1 : i32
    %dma_wait3A_54 = arith.constant 0 : i32
    %dma_wait3A_55 = tpu.memref_slice %arg6[%dma_wait3A_53, %dma_wait3A_54] : memref<63x80xi32, #tpu.memory_space<vmem>> -> memref<1x80xi32, #tpu.memory_space<vmem>>
    %dma_wait3A_56 = tpu.memref_squeeze %dma_wait3A_55 : memref<1x80xi32, #tpu.memory_space<vmem>> -> memref<80xi32, #tpu.memory_space<vmem>>
    %dma_wait3A_57 = arith.constant 0 : i32
    %dma_wait3A_58 = arith.constant 0 : i32
    %dma_wait3A_59 = tpu.memref_slice %arg2[%dma_wait3A_57, %dma_wait3A_58] : memref<20224x128xf32, #tpu.memory_space<hbm>> -> memref<20224x128xf32, #tpu.memory_space<hbm>>
    tpu.wait_indirect_dma semaphore(%arg12 : memref<!tpu.dma_semaphore, #tpu.memory_space<semaphore_mem>>) src(%dma_wait3A_59 : memref<20224x128xf32, #tpu.memory_space<hbm>>) dst(%arg9 : memref<80x128xf32, #tpu.memory_space<vmem>>)
    %dma_start3A_60 = arith.constant 1 : i32
    %dma_start3A_61 = arith.constant 0 : i32
    %dma_start3A_62 = tpu.memref_slice %arg7[%dma_start3A_60, %dma_start3A_61] : memref<63x80xi32, #tpu.memory_space<vmem>> -> memref<1x80xi32, #tpu.memory_space<vmem>>
    %dma_start3A_63 = tpu.memref_squeeze %dma_start3A_62 : memref<1x80xi32, #tpu.memory_space<vmem>> -> memref<80xi32, #tpu.memory_space<vmem>>
    %dma_start3A_64 = arith.constant 0 : i32
    %dma_start3A_65 = arith.constant 0 : i32
    %dma_start3A_66 = tpu.memref_slice %arg17[%dma_start3A_64, %dma_start3A_65] : memref<10112x128xf32, #tpu.memory_space<vmem_shared>> -> memref<10112x128xf32, #tpu.memory_space<vmem_shared>>
    tpu.enqueue_indirect_dma source(%arg9 : memref<80x128xf32, #tpu.memory_space<vmem>>) target(%dma_start3A_66 : memref<10112x128xf32, #tpu.memory_space<vmem_shared>>) offsets(%dma_start3A_63 : memref<80xi32, #tpu.memory_space<vmem>>) semaphore(%arg15 : memref<!tpu.dma_semaphore, #tpu.memory_space<semaphore_mem>>) {add = true}
    %dma_wait3A_67 = arith.constant 1 : i32
    %dma_wait3A_68 = arith.constant 0 : i32
    %dma_wait3A_69 = tpu.memref_slice %arg7[%dma_wait3A_67, %dma_wait3A_68] : memref<63x80xi32, #tpu.memory_space<vmem>> -> memref<1x80xi32, #tpu.memory_space<vmem>>
    %dma_wait3A_70 = tpu.memref_squeeze %dma_wait3A_69 : memref<1x80xi32, #tpu.memory_space<vmem>> -> memref<80xi32, #tpu.memory_space<vmem>>
    %dma_wait3A_71 = arith.constant 0 : i32
    %dma_wait3A_72 = arith.constant 0 : i32
    %dma_wait3A_73 = tpu.memref_slice %arg17[%dma_wait3A_71, %dma_wait3A_72] : memref<10112x128xf32, #tpu.memory_space<vmem_shared>> -> memref<10112x128xf32, #tpu.memory_space<vmem_shared>>
    tpu.wait_indirect_dma semaphore(%arg15 : memref<!tpu.dma_semaphore, #tpu.memory_space<semaphore_mem>>) src(%arg9 : memref<80x128xf32, #tpu.memory_space<vmem>>) dst(%dma_wait3A_73 : memref<10112x128xf32, #tpu.memory_space<vmem_shared>>)
    %dma_start3A_74 = arith.constant 4 : i32
    %dma_start3A_75 = arith.constant 0 : i32
    %dma_start3A_76 = tpu.memref_slice %arg6[%dma_start3A_74, %dma_start3A_75] : memref<63x80xi32, #tpu.memory_space<vmem>> -> memref<1x80xi32, #tpu.memory_space<vmem>>
    %dma_start3A_77 = tpu.memref_squeeze %dma_start3A_76 : memref<1x80xi32, #tpu.memory_space<vmem>> -> memref<80xi32, #tpu.memory_space<vmem>>
    %dma_start3A_78 = arith.constant 0 : i32
    %dma_start3A_79 = arith.constant 0 : i32
    %dma_start3A_80 = tpu.memref_slice %arg2[%dma_start3A_78, %dma_start3A_79] : memref<20224x128xf32, #tpu.memory_space<hbm>> -> memref<20224x128xf32, #tpu.memory_space<hbm>>
    tpu.enqueue_indirect_dma source(%dma_start3A_80 : memref<20224x128xf32, #tpu.memory_space<hbm>>) target(%arg9 : memref<80x128xf32, #tpu.memory_space<vmem>>) offsets(%dma_start3A_77 : memref<80xi32, #tpu.memory_space<vmem>>) semaphore(%arg12 : memref<!tpu.dma_semaphore, #tpu.memory_space<semaphore_mem>>)
    %dma_wait3A_81 = arith.constant 2 : i32
    %dma_wait3A_82 = arith.constant 0 : i32
    %dma_wait3A_83 = tpu.memref_slice %arg6[%dma_wait3A_81, %dma_wait3A_82] : memref<63x80xi32, #tpu.memory_space<vmem>> -> memref<1x80xi32, #tpu.memory_space<vmem>>
    %dma_wait3A_84 = tpu.memref_squeeze %dma_wait3A_83 : memref<1x80xi32, #tpu.memory_space<vmem>> -> memref<80xi32, #tpu.memory_space<vmem>>
    %dma_wait3A_85 = arith.constant 0 : i32
    %dma_wait3A_86 = arith.constant 0 : i32
    %dma_wait3A_87 = tpu.memref_slice %arg2[%dma_wait3A_85, %dma_wait3A_86] : memref<20224x128xf32, #tpu.memory_space<hbm>> -> memref<20224x128xf32, #tpu.memory_space<hbm>>
    tpu.wait_indirect_dma semaphore(%arg13 : memref<!tpu.dma_semaphore, #tpu.memory_space<semaphore_mem>>) src(%dma_wait3A_87 : memref<20224x128xf32, #tpu.memory_space<hbm>>) dst(%arg10 : memref<80x128xf32, #tpu.memory_space<vmem>>)
    %dma_start3A_88 = arith.constant 2 : i32
    %dma_start3A_89 = arith.constant 0 : i32
    %dma_start3A_90 = tpu.memref_slice %arg7[%dma_start3A_88, %dma_start3A_89] : memref<63x80xi32, #tpu.memory_space<vmem>> -> memref<1x80xi32, #tpu.memory_space<vmem>>
    %dma_start3A_91 = tpu.memref_squeeze %dma_start3A_90 : memref<1x80xi32, #tpu.memory_space<vmem>> -> memref<80xi32, #tpu.memory_space<vmem>>
    %dma_start3A_92 = arith.constant 0 : i32
    %dma_start3A_93 = arith.constant 0 : i32
    %dma_start3A_94 = tpu.memref_slice %arg17[%dma_start3A_92, %dma_start3A_93] : memref<10112x128xf32, #tpu.memory_space<vmem_shared>> -> memref<10112x128xf32, #tpu.memory_space<vmem_shared>>
    tpu.enqueue_indirect_dma source(%arg10 : memref<80x128xf32, #tpu.memory_space<vmem>>) target(%dma_start3A_94 : memref<10112x128xf32, #tpu.memory_space<vmem_shared>>) offsets(%dma_start3A_91 : memref<80xi32, #tpu.memory_space<vmem>>) semaphore(%arg16 : memref<!tpu.dma_semaphore, #tpu.memory_space<semaphore_mem>>) {add = true}
    %scan3A = arith.constant 0 : i32
    %scan3A_95 = arith.constant 1 : i32
    %scan3A_96 = arith.constant 19 : i32
    %scan3A_97 = arith.addi %scan3A_95, %scan3A_96 : i32
    %scan3A_98 = arith.constant 1 : i32
    %scan3A_99 = scf.for %scan3A_358 = %scan3A_95 to %scan3A_97 step %scan3A_98 iter_args(%scan3A_359 = %scan3A) -> (i32)  : i32 {
      %mul3A_360 = arith.constant 3 : i32
      %mul3A_361 = arith.muli %mul3A_360, %scan3A_358 : i32
      %sub3A = arith.constant 1 : i32
      %sub3A_362 = arith.subi %mul3A_361, %sub3A : i32
      %dma_wait3A_363 = arith.constant 0 : i32
      %dma_wait3A_364 = tpu.memref_slice %arg7[%sub3A_362, %dma_wait3A_363] : memref<63x80xi32, #tpu.memory_space<vmem>> -> memref<1x80xi32, #tpu.memory_space<vmem>>
      %dma_wait3A_365 = tpu.memref_squeeze %dma_wait3A_364 : memref<1x80xi32, #tpu.memory_space<vmem>> -> memref<80xi32, #tpu.memory_space<vmem>>
      %dma_wait3A_366 = arith.constant 0 : i32
      %dma_wait3A_367 = arith.constant 0 : i32
      %dma_wait3A_368 = tpu.memref_slice %arg17[%dma_wait3A_366, %dma_wait3A_367] : memref<10112x128xf32, #tpu.memory_space<vmem_shared>> -> memref<10112x128xf32, #tpu.memory_space<vmem_shared>>
      tpu.wait_indirect_dma semaphore(%arg16 : memref<!tpu.dma_semaphore, #tpu.memory_space<semaphore_mem>>) src(%arg10 : memref<80x128xf32, #tpu.memory_space<vmem>>) dst(%dma_wait3A_368 : memref<10112x128xf32, #tpu.memory_space<vmem_shared>>)
      %add3A_369 = arith.constant 2 : i32
      %add3A_370 = arith.addi %mul3A_361, %add3A_369 : i32
      %dma_start3A_371 = arith.constant 0 : i32
      %dma_start3A_372 = tpu.memref_slice %arg6[%add3A_370, %dma_start3A_371] : memref<63x80xi32, #tpu.memory_space<vmem>> -> memref<1x80xi32, #tpu.memory_space<vmem>>
      %dma_start3A_373 = tpu.memref_squeeze %dma_start3A_372 : memref<1x80xi32, #tpu.memory_space<vmem>> -> memref<80xi32, #tpu.memory_space<vmem>>
      %dma_start3A_374 = arith.constant 0 : i32
      %dma_start3A_375 = arith.constant 0 : i32
      %dma_start3A_376 = tpu.memref_slice %arg2[%dma_start3A_374, %dma_start3A_375] : memref<20224x128xf32, #tpu.memory_space<hbm>> -> memref<20224x128xf32, #tpu.memory_space<hbm>>
      tpu.enqueue_indirect_dma source(%dma_start3A_376 : memref<20224x128xf32, #tpu.memory_space<hbm>>) target(%arg10 : memref<80x128xf32, #tpu.memory_space<vmem>>) offsets(%dma_start3A_373 : memref<80xi32, #tpu.memory_space<vmem>>) semaphore(%arg13 : memref<!tpu.dma_semaphore, #tpu.memory_space<semaphore_mem>>)
      %dma_wait3A_377 = arith.constant 0 : i32
      %dma_wait3A_378 = tpu.memref_slice %arg6[%mul3A_361, %dma_wait3A_377] : memref<63x80xi32, #tpu.memory_space<vmem>> -> memref<1x80xi32, #tpu.memory_space<vmem>>
      %dma_wait3A_379 = tpu.memref_squeeze %dma_wait3A_378 : memref<1x80xi32, #tpu.memory_space<vmem>> -> memref<80xi32, #tpu.memory_space<vmem>>
      %dma_wait3A_380 = arith.constant 0 : i32
      %dma_wait3A_381 = arith.constant 0 : i32
      %dma_wait3A_382 = tpu.memref_slice %arg2[%dma_wait3A_380, %dma_wait3A_381] : memref<20224x128xf32, #tpu.memory_space<hbm>> -> memref<20224x128xf32, #tpu.memory_space<hbm>>
      tpu.wait_indirect_dma semaphore(%arg11 : memref<!tpu.dma_semaphore, #tpu.memory_space<semaphore_mem>>) src(%dma_wait3A_382 : memref<20224x128xf32, #tpu.memory_space<hbm>>) dst(%arg8 : memref<80x128xf32, #tpu.memory_space<vmem>>)
      %dma_start3A_383 = arith.constant 0 : i32
      %dma_start3A_384 = tpu.memref_slice %arg7[%mul3A_361, %dma_start3A_383] : memref<63x80xi32, #tpu.memory_space<vmem>> -> memref<1x80xi32, #tpu.memory_space<vmem>>
      %dma_start3A_385 = tpu.memref_squeeze %dma_start3A_384 : memref<1x80xi32, #tpu.memory_space<vmem>> -> memref<80xi32, #tpu.memory_space<vmem>>
      %dma_start3A_386 = arith.constant 0 : i32
      %dma_start3A_387 = arith.constant 0 : i32
      %dma_start3A_388 = tpu.memref_slice %arg17[%dma_start3A_386, %dma_start3A_387] : memref<10112x128xf32, #tpu.memory_space<vmem_shared>> -> memref<10112x128xf32, #tpu.memory_space<vmem_shared>>
      tpu.enqueue_indirect_dma source(%arg8 : memref<80x128xf32, #tpu.memory_space<vmem>>) target(%dma_start3A_388 : memref<10112x128xf32, #tpu.memory_space<vmem_shared>>) offsets(%dma_start3A_385 : memref<80xi32, #tpu.memory_space<vmem>>) semaphore(%arg14 : memref<!tpu.dma_semaphore, #tpu.memory_space<semaphore_mem>>) {add = true}
      %dma_wait3A_389 = arith.constant 0 : i32
      %dma_wait3A_390 = tpu.memref_slice %arg7[%mul3A_361, %dma_wait3A_389] : memref<63x80xi32, #tpu.memory_space<vmem>> -> memref<1x80xi32, #tpu.memory_space<vmem>>
      %dma_wait3A_391 = tpu.memref_squeeze %dma_wait3A_390 : memref<1x80xi32, #tpu.memory_space<vmem>> -> memref<80xi32, #tpu.memory_space<vmem>>
      %dma_wait3A_392 = arith.constant 0 : i32
      %dma_wait3A_393 = arith.constant 0 : i32
      %dma_wait3A_394 = tpu.memref_slice %arg17[%dma_wait3A_392, %dma_wait3A_393] : memref<10112x128xf32, #tpu.memory_space<vmem_shared>> -> memref<10112x128xf32, #tpu.memory_space<vmem_shared>>
      tpu.wait_indirect_dma semaphore(%arg14 : memref<!tpu.dma_semaphore, #tpu.memory_space<semaphore_mem>>) src(%arg8 : memref<80x128xf32, #tpu.memory_space<vmem>>) dst(%dma_wait3A_394 : memref<10112x128xf32, #tpu.memory_space<vmem_shared>>)
      %add3A_395 = arith.constant 3 : i32
      %add3A_396 = arith.addi %mul3A_361, %add3A_395 : i32
      %dma_start3A_397 = arith.constant 0 : i32
      %dma_start3A_398 = tpu.memref_slice %arg6[%add3A_396, %dma_start3A_397] : memref<63x80xi32, #tpu.memory_space<vmem>> -> memref<1x80xi32, #tpu.memory_space<vmem>>
      %dma_start3A_399 = tpu.memref_squeeze %dma_start3A_398 : memref<1x80xi32, #tpu.memory_space<vmem>> -> memref<80xi32, #tpu.memory_space<vmem>>
      %dma_start3A_400 = arith.constant 0 : i32
      %dma_start3A_401 = arith.constant 0 : i32
      %dma_start3A_402 = tpu.memref_slice %arg2[%dma_start3A_400, %dma_start3A_401] : memref<20224x128xf32, #tpu.memory_space<hbm>> -> memref<20224x128xf32, #tpu.memory_space<hbm>>
      tpu.enqueue_indirect_dma source(%dma_start3A_402 : memref<20224x128xf32, #tpu.memory_space<hbm>>) target(%arg8 : memref<80x128xf32, #tpu.memory_space<vmem>>) offsets(%dma_start3A_399 : memref<80xi32, #tpu.memory_space<vmem>>) semaphore(%arg11 : memref<!tpu.dma_semaphore, #tpu.memory_space<semaphore_mem>>)
      %add3A_403 = arith.constant 1 : i32
      %add3A_404 = arith.addi %mul3A_361, %add3A_403 : i32
      %dma_wait3A_405 = arith.constant 0 : i32
      %dma_wait3A_406 = tpu.memref_slice %arg6[%add3A_404, %dma_wait3A_405] : memref<63x80xi32, #tpu.memory_space<vmem>> -> memref<1x80xi32, #tpu.memory_space<vmem>>
      %dma_wait3A_407 = tpu.memref_squeeze %dma_wait3A_406 : memref<1x80xi32, #tpu.memory_space<vmem>> -> memref<80xi32, #tpu.memory_space<vmem>>
      %dma_wait3A_408 = arith.constant 0 : i32
      %dma_wait3A_409 = arith.constant 0 : i32
      %dma_wait3A_410 = tpu.memref_slice %arg2[%dma_wait3A_408, %dma_wait3A_409] : memref<20224x128xf32, #tpu.memory_space<hbm>> -> memref<20224x128xf32, #tpu.memory_space<hbm>>
      tpu.wait_indirect_dma semaphore(%arg12 : memref<!tpu.dma_semaphore, #tpu.memory_space<semaphore_mem>>) src(%dma_wait3A_410 : memref<20224x128xf32, #tpu.memory_space<hbm>>) dst(%arg9 : memref<80x128xf32, #tpu.memory_space<vmem>>)
      %add3A_411 = arith.constant 1 : i32
      %add3A_412 = arith.addi %mul3A_361, %add3A_411 : i32
      %dma_start3A_413 = arith.constant 0 : i32
      %dma_start3A_414 = tpu.memref_slice %arg7[%add3A_412, %dma_start3A_413] : memref<63x80xi32, #tpu.memory_space<vmem>> -> memref<1x80xi32, #tpu.memory_space<vmem>>
      %dma_start3A_415 = tpu.memref_squeeze %dma_start3A_414 : memref<1x80xi32, #tpu.memory_space<vmem>> -> memref<80xi32, #tpu.memory_space<vmem>>
      %dma_start3A_416 = arith.constant 0 : i32
      %dma_start3A_417 = arith.constant 0 : i32
      %dma_start3A_418 = tpu.memref_slice %arg17[%dma_start3A_416, %dma_start3A_417] : memref<10112x128xf32, #tpu.memory_space<vmem_shared>> -> memref<10112x128xf32, #tpu.memory_space<vmem_shared>>
      tpu.enqueue_indirect_dma source(%arg9 : memref<80x128xf32, #tpu.memory_space<vmem>>) target(%dma_start3A_418 : memref<10112x128xf32, #tpu.memory_space<vmem_shared>>) offsets(%dma_start3A_415 : memref<80xi32, #tpu.memory_space<vmem>>) semaphore(%arg15 : memref<!tpu.dma_semaphore, #tpu.memory_space<semaphore_mem>>) {add = true}
      %add3A_419 = arith.constant 1 : i32
      %add3A_420 = arith.addi %mul3A_361, %add3A_419 : i32
      %dma_wait3A_421 = arith.constant 0 : i32
      %dma_wait3A_422 = tpu.memref_slice %arg7[%add3A_420, %dma_wait3A_421] : memref<63x80xi32, #tpu.memory_space<vmem>> -> memref<1x80xi32, #tpu.memory_space<vmem>>
      %dma_wait3A_423 = tpu.memref_squeeze %dma_wait3A_422 : memref<1x80xi32, #tpu.memory_space<vmem>> -> memref<80xi32, #tpu.memory_space<vmem>>
      %dma_wait3A_424 = arith.constant 0 : i32
      %dma_wait3A_425 = arith.constant 0 : i32
      %dma_wait3A_426 = tpu.memref_slice %arg17[%dma_wait3A_424, %dma_wait3A_425] : memref<10112x128xf32, #tpu.memory_space<vmem_shared>> -> memref<10112x128xf32, #tpu.memory_space<vmem_shared>>
      tpu.wait_indirect_dma semaphore(%arg15 : memref<!tpu.dma_semaphore, #tpu.memory_space<semaphore_mem>>) src(%arg9 : memref<80x128xf32, #tpu.memory_space<vmem>>) dst(%dma_wait3A_426 : memref<10112x128xf32, #tpu.memory_space<vmem_shared>>)
      %add3A_427 = arith.constant 4 : i32
      %add3A_428 = arith.addi %mul3A_361, %add3A_427 : i32
      %dma_start3A_429 = arith.constant 0 : i32
      %dma_start3A_430 = tpu.memref_slice %arg6[%add3A_428, %dma_start3A_429] : memref<63x80xi32, #tpu.memory_space<vmem>> -> memref<1x80xi32, #tpu.memory_space<vmem>>
      %dma_start3A_431 = tpu.memref_squeeze %dma_start3A_430 : memref<1x80xi32, #tpu.memory_space<vmem>> -> memref<80xi32, #tpu.memory_space<vmem>>
      %dma_start3A_432 = arith.constant 0 : i32
      %dma_start3A_433 = arith.constant 0 : i32
      %dma_start3A_434 = tpu.memref_slice %arg2[%dma_start3A_432, %dma_start3A_433] : memref<20224x128xf32, #tpu.memory_space<hbm>> -> memref<20224x128xf32, #tpu.memory_space<hbm>>
      tpu.enqueue_indirect_dma source(%dma_start3A_434 : memref<20224x128xf32, #tpu.memory_space<hbm>>) target(%arg9 : memref<80x128xf32, #tpu.memory_space<vmem>>) offsets(%dma_start3A_431 : memref<80xi32, #tpu.memory_space<vmem>>) semaphore(%arg12 : memref<!tpu.dma_semaphore, #tpu.memory_space<semaphore_mem>>)
      %add3A_435 = arith.constant 2 : i32
      %add3A_436 = arith.addi %mul3A_361, %add3A_435 : i32
      %dma_wait3A_437 = arith.constant 0 : i32
      %dma_wait3A_438 = tpu.memref_slice %arg6[%add3A_436, %dma_wait3A_437] : memref<63x80xi32, #tpu.memory_space<vmem>> -> memref<1x80xi32, #tpu.memory_space<vmem>>
      %dma_wait3A_439 = tpu.memref_squeeze %dma_wait3A_438 : memref<1x80xi32, #tpu.memory_space<vmem>> -> memref<80xi32, #tpu.memory_space<vmem>>
      %dma_wait3A_440 = arith.constant 0 : i32
      %dma_wait3A_441 = arith.constant 0 : i32
      %dma_wait3A_442 = tpu.memref_slice %arg2[%dma_wait3A_440, %dma_wait3A_441] : memref<20224x128xf32, #tpu.memory_space<hbm>> -> memref<20224x128xf32, #tpu.memory_space<hbm>>
      tpu.wait_indirect_dma semaphore(%arg13 : memref<!tpu.dma_semaphore, #tpu.memory_space<semaphore_mem>>) src(%dma_wait3A_442 : memref<20224x128xf32, #tpu.memory_space<hbm>>) dst(%arg10 : memref<80x128xf32, #tpu.memory_space<vmem>>)
      %add3A_443 = arith.constant 2 : i32
      %add3A_444 = arith.addi %mul3A_361, %add3A_443 : i32
      %dma_start3A_445 = arith.constant 0 : i32
      %dma_start3A_446 = tpu.memref_slice %arg7[%add3A_444, %dma_start3A_445] : memref<63x80xi32, #tpu.memory_space<vmem>> -> memref<1x80xi32, #tpu.memory_space<vmem>>
      %dma_start3A_447 = tpu.memref_squeeze %dma_start3A_446 : memref<1x80xi32, #tpu.memory_space<vmem>> -> memref<80xi32, #tpu.memory_space<vmem>>
      %dma_start3A_448 = arith.constant 0 : i32
      %dma_start3A_449 = arith.constant 0 : i32
      %dma_start3A_450 = tpu.memref_slice %arg17[%dma_start3A_448, %dma_start3A_449] : memref<10112x128xf32, #tpu.memory_space<vmem_shared>> -> memref<10112x128xf32, #tpu.memory_space<vmem_shared>>
      tpu.enqueue_indirect_dma source(%arg10 : memref<80x128xf32, #tpu.memory_space<vmem>>) target(%dma_start3A_450 : memref<10112x128xf32, #tpu.memory_space<vmem_shared>>) offsets(%dma_start3A_447 : memref<80xi32, #tpu.memory_space<vmem>>) semaphore(%arg16 : memref<!tpu.dma_semaphore, #tpu.memory_space<semaphore_mem>>) {add = true}
      %scan3A_451 = arith.constant 0 : i32
      scf.yield %scan3A_451 : i32
    }
    %scan3A_100 = arith.constant 19 : i32
    %dma_wait3A_101 = arith.constant 59 : i32
    %dma_wait3A_102 = arith.constant 0 : i32
    %dma_wait3A_103 = tpu.memref_slice %arg7[%dma_wait3A_101, %dma_wait3A_102] : memref<63x80xi32, #tpu.memory_space<vmem>> -> memref<1x80xi32, #tpu.memory_space<vmem>>
    %dma_wait3A_104 = tpu.memref_squeeze %dma_wait3A_103 : memref<1x80xi32, #tpu.memory_space<vmem>> -> memref<80xi32, #tpu.memory_space<vmem>>
    %dma_wait3A_105 = arith.constant 0 : i32
    %dma_wait3A_106 = arith.constant 0 : i32
    %dma_wait3A_107 = tpu.memref_slice %arg17[%dma_wait3A_105, %dma_wait3A_106] : memref<10112x128xf32, #tpu.memory_space<vmem_shared>> -> memref<10112x128xf32, #tpu.memory_space<vmem_shared>>
    tpu.wait_indirect_dma semaphore(%arg16 : memref<!tpu.dma_semaphore, #tpu.memory_space<semaphore_mem>>) src(%arg10 : memref<80x128xf32, #tpu.memory_space<vmem>>) dst(%dma_wait3A_107 : memref<10112x128xf32, #tpu.memory_space<vmem_shared>>)
    %dma_start3A_108 = arith.constant 62 : i32
    %dma_start3A_109 = arith.constant 0 : i32
    %dma_start3A_110 = tpu.memref_slice %arg6[%dma_start3A_108, %dma_start3A_109] : memref<63x80xi32, #tpu.memory_space<vmem>> -> memref<1x80xi32, #tpu.memory_space<vmem>>
    %dma_start3A_111 = tpu.memref_squeeze %dma_start3A_110 : memref<1x80xi32, #tpu.memory_space<vmem>> -> memref<80xi32, #tpu.memory_space<vmem>>
    %dma_start3A_112 = arith.constant 0 : i32
    %dma_start3A_113 = arith.constant 0 : i32
    %dma_start3A_114 = tpu.memref_slice %arg2[%dma_start3A_112, %dma_start3A_113] : memref<20224x128xf32, #tpu.memory_space<hbm>> -> memref<20224x128xf32, #tpu.memory_space<hbm>>
    tpu.enqueue_indirect_dma source(%dma_start3A_114 : memref<20224x128xf32, #tpu.memory_space<hbm>>) target(%arg10 : memref<80x128xf32, #tpu.memory_space<vmem>>) offsets(%dma_start3A_111 : memref<80xi32, #tpu.memory_space<vmem>>) semaphore(%arg13 : memref<!tpu.dma_semaphore, #tpu.memory_space<semaphore_mem>>)
    %dma_wait3A_115 = arith.constant 60 : i32
    %dma_wait3A_116 = arith.constant 0 : i32
    %dma_wait3A_117 = tpu.memref_slice %arg6[%dma_wait3A_115, %dma_wait3A_116] : memref<63x80xi32, #tpu.memory_space<vmem>> -> memref<1x80xi32, #tpu.memory_space<vmem>>
    %dma_wait3A_118 = tpu.memref_squeeze %dma_wait3A_117 : memref<1x80xi32, #tpu.memory_space<vmem>> -> memref<80xi32, #tpu.memory_space<vmem>>
    %dma_wait3A_119 = arith.constant 0 : i32
    %dma_wait3A_120 = arith.constant 0 : i32
    %dma_wait3A_121 = tpu.memref_slice %arg2[%dma_wait3A_119, %dma_wait3A_120] : memref<20224x128xf32, #tpu.memory_space<hbm>> -> memref<20224x128xf32, #tpu.memory_space<hbm>>
    tpu.wait_indirect_dma semaphore(%arg11 : memref<!tpu.dma_semaphore, #tpu.memory_space<semaphore_mem>>) src(%dma_wait3A_121 : memref<20224x128xf32, #tpu.memory_space<hbm>>) dst(%arg8 : memref<80x128xf32, #tpu.memory_space<vmem>>)
    %dma_start3A_122 = arith.constant 60 : i32
    %dma_start3A_123 = arith.constant 0 : i32
    %dma_start3A_124 = tpu.memref_slice %arg7[%dma_start3A_122, %dma_start3A_123] : memref<63x80xi32, #tpu.memory_space<vmem>> -> memref<1x80xi32, #tpu.memory_space<vmem>>
    %dma_start3A_125 = tpu.memref_squeeze %dma_start3A_124 : memref<1x80xi32, #tpu.memory_space<vmem>> -> memref<80xi32, #tpu.memory_space<vmem>>
    %dma_start3A_126 = arith.constant 0 : i32
    %dma_start3A_127 = arith.constant 0 : i32
    %dma_start3A_128 = tpu.memref_slice %arg17[%dma_start3A_126, %dma_start3A_127] : memref<10112x128xf32, #tpu.memory_space<vmem_shared>> -> memref<10112x128xf32, #tpu.memory_space<vmem_shared>>
    tpu.enqueue_indirect_dma source(%arg8 : memref<80x128xf32, #tpu.memory_space<vmem>>) target(%dma_start3A_128 : memref<10112x128xf32, #tpu.memory_space<vmem_shared>>) offsets(%dma_start3A_125 : memref<80xi32, #tpu.memory_space<vmem>>) semaphore(%arg14 : memref<!tpu.dma_semaphore, #tpu.memory_space<semaphore_mem>>) {add = true}
    %dma_wait3A_129 = arith.constant 60 : i32
    %dma_wait3A_130 = arith.constant 0 : i32
    %dma_wait3A_131 = tpu.memref_slice %arg7[%dma_wait3A_129, %dma_wait3A_130] : memref<63x80xi32, #tpu.memory_space<vmem>> -> memref<1x80xi32, #tpu.memory_space<vmem>>
    %dma_wait3A_132 = tpu.memref_squeeze %dma_wait3A_131 : memref<1x80xi32, #tpu.memory_space<vmem>> -> memref<80xi32, #tpu.memory_space<vmem>>
    %dma_wait3A_133 = arith.constant 0 : i32
    %dma_wait3A_134 = arith.constant 0 : i32
    %dma_wait3A_135 = tpu.memref_slice %arg17[%dma_wait3A_133, %dma_wait3A_134] : memref<10112x128xf32, #tpu.memory_space<vmem_shared>> -> memref<10112x128xf32, #tpu.memory_space<vmem_shared>>
    tpu.wait_indirect_dma semaphore(%arg14 : memref<!tpu.dma_semaphore, #tpu.memory_space<semaphore_mem>>) src(%arg8 : memref<80x128xf32, #tpu.memory_space<vmem>>) dst(%dma_wait3A_135 : memref<10112x128xf32, #tpu.memory_space<vmem_shared>>)
    %dma_wait3A_136 = arith.constant 61 : i32
    %dma_wait3A_137 = arith.constant 0 : i32
    %dma_wait3A_138 = tpu.memref_slice %arg6[%dma_wait3A_136, %dma_wait3A_137] : memref<63x80xi32, #tpu.memory_space<vmem>> -> memref<1x80xi32, #tpu.memory_space<vmem>>
    %dma_wait3A_139 = tpu.memref_squeeze %dma_wait3A_138 : memref<1x80xi32, #tpu.memory_space<vmem>> -> memref<80xi32, #tpu.memory_space<vmem>>
    %dma_wait3A_140 = arith.constant 0 : i32
    %dma_wait3A_141 = arith.constant 0 : i32
    %dma_wait3A_142 = tpu.memref_slice %arg2[%dma_wait3A_140, %dma_wait3A_141] : memref<20224x128xf32, #tpu.memory_space<hbm>> -> memref<20224x128xf32, #tpu.memory_space<hbm>>
    tpu.wait_indirect_dma semaphore(%arg12 : memref<!tpu.dma_semaphore, #tpu.memory_space<semaphore_mem>>) src(%dma_wait3A_142 : memref<20224x128xf32, #tpu.memory_space<hbm>>) dst(%arg9 : memref<80x128xf32, #tpu.memory_space<vmem>>)
    %dma_start3A_143 = arith.constant 61 : i32
    %dma_start3A_144 = arith.constant 0 : i32
    %dma_start3A_145 = tpu.memref_slice %arg7[%dma_start3A_143, %dma_start3A_144] : memref<63x80xi32, #tpu.memory_space<vmem>> -> memref<1x80xi32, #tpu.memory_space<vmem>>
    %dma_start3A_146 = tpu.memref_squeeze %dma_start3A_145 : memref<1x80xi32, #tpu.memory_space<vmem>> -> memref<80xi32, #tpu.memory_space<vmem>>
    %dma_start3A_147 = arith.constant 0 : i32
    %dma_start3A_148 = arith.constant 0 : i32
    %dma_start3A_149 = tpu.memref_slice %arg17[%dma_start3A_147, %dma_start3A_148] : memref<10112x128xf32, #tpu.memory_space<vmem_shared>> -> memref<10112x128xf32, #tpu.memory_space<vmem_shared>>
    tpu.enqueue_indirect_dma source(%arg9 : memref<80x128xf32, #tpu.memory_space<vmem>>) target(%dma_start3A_149 : memref<10112x128xf32, #tpu.memory_space<vmem_shared>>) offsets(%dma_start3A_146 : memref<80xi32, #tpu.memory_space<vmem>>) semaphore(%arg15 : memref<!tpu.dma_semaphore, #tpu.memory_space<semaphore_mem>>) {add = true}
    %dma_wait3A_150 = arith.constant 61 : i32
    %dma_wait3A_151 = arith.constant 0 : i32
    %dma_wait3A_152 = tpu.memref_slice %arg7[%dma_wait3A_150, %dma_wait3A_151] : memref<63x80xi32, #tpu.memory_space<vmem>> -> memref<1x80xi32, #tpu.memory_space<vmem>>
    %dma_wait3A_153 = tpu.memref_squeeze %dma_wait3A_152 : memref<1x80xi32, #tpu.memory_space<vmem>> -> memref<80xi32, #tpu.memory_space<vmem>>
    %dma_wait3A_154 = arith.constant 0 : i32
    %dma_wait3A_155 = arith.constant 0 : i32
    %dma_wait3A_156 = tpu.memref_slice %arg17[%dma_wait3A_154, %dma_wait3A_155] : memref<10112x128xf32, #tpu.memory_space<vmem_shared>> -> memref<10112x128xf32, #tpu.memory_space<vmem_shared>>
    tpu.wait_indirect_dma semaphore(%arg15 : memref<!tpu.dma_semaphore, #tpu.memory_space<semaphore_mem>>) src(%arg9 : memref<80x128xf32, #tpu.memory_space<vmem>>) dst(%dma_wait3A_156 : memref<10112x128xf32, #tpu.memory_space<vmem_shared>>)
    %dma_wait3A_157 = arith.constant 62 : i32
    %dma_wait3A_158 = arith.constant 0 : i32
    %dma_wait3A_159 = tpu.memref_slice %arg6[%dma_wait3A_157, %dma_wait3A_158] : memref<63x80xi32, #tpu.memory_space<vmem>> -> memref<1x80xi32, #tpu.memory_space<vmem>>
    %dma_wait3A_160 = tpu.memref_squeeze %dma_wait3A_159 : memref<1x80xi32, #tpu.memory_space<vmem>> -> memref<80xi32, #tpu.memory_space<vmem>>
    %dma_wait3A_161 = arith.constant 0 : i32
    %dma_wait3A_162 = arith.constant 0 : i32
    %dma_wait3A_163 = tpu.memref_slice %arg2[%dma_wait3A_161, %dma_wait3A_162] : memref<20224x128xf32, #tpu.memory_space<hbm>> -> memref<20224x128xf32, #tpu.memory_space<hbm>>
    tpu.wait_indirect_dma semaphore(%arg13 : memref<!tpu.dma_semaphore, #tpu.memory_space<semaphore_mem>>) src(%dma_wait3A_163 : memref<20224x128xf32, #tpu.memory_space<hbm>>) dst(%arg10 : memref<80x128xf32, #tpu.memory_space<vmem>>)
    %dma_start3A_164 = arith.constant 62 : i32
    %dma_start3A_165 = arith.constant 0 : i32
    %dma_start3A_166 = tpu.memref_slice %arg7[%dma_start3A_164, %dma_start3A_165] : memref<63x80xi32, #tpu.memory_space<vmem>> -> memref<1x80xi32, #tpu.memory_space<vmem>>
    %dma_start3A_167 = tpu.memref_squeeze %dma_start3A_166 : memref<1x80xi32, #tpu.memory_space<vmem>> -> memref<80xi32, #tpu.memory_space<vmem>>
    %dma_start3A_168 = arith.constant 0 : i32
    %dma_start3A_169 = arith.constant 0 : i32
    %dma_start3A_170 = tpu.memref_slice %arg17[%dma_start3A_168, %dma_start3A_169] : memref<10112x128xf32, #tpu.memory_space<vmem_shared>> -> memref<10112x128xf32, #tpu.memory_space<vmem_shared>>
    tpu.enqueue_indirect_dma source(%arg10 : memref<80x128xf32, #tpu.memory_space<vmem>>) target(%dma_start3A_170 : memref<10112x128xf32, #tpu.memory_space<vmem_shared>>) offsets(%dma_start3A_167 : memref<80xi32, #tpu.memory_space<vmem>>) semaphore(%arg16 : memref<!tpu.dma_semaphore, #tpu.memory_space<semaphore_mem>>) {add = true}
    %dma_wait3A_171 = arith.constant 62 : i32
    %dma_wait3A_172 = arith.constant 0 : i32
    %dma_wait3A_173 = tpu.memref_slice %arg7[%dma_wait3A_171, %dma_wait3A_172] : memref<63x80xi32, #tpu.memory_space<vmem>> -> memref<1x80xi32, #tpu.memory_space<vmem>>
    %dma_wait3A_174 = tpu.memref_squeeze %dma_wait3A_173 : memref<1x80xi32, #tpu.memory_space<vmem>> -> memref<80xi32, #tpu.memory_space<vmem>>
    %dma_wait3A_175 = arith.constant 0 : i32
    %dma_wait3A_176 = arith.constant 0 : i32
    %dma_wait3A_177 = tpu.memref_slice %arg17[%dma_wait3A_175, %dma_wait3A_176] : memref<10112x128xf32, #tpu.memory_space<vmem_shared>> -> memref<10112x128xf32, #tpu.memory_space<vmem_shared>>
    tpu.wait_indirect_dma semaphore(%arg16 : memref<!tpu.dma_semaphore, #tpu.memory_space<semaphore_mem>>) src(%arg10 : memref<80x128xf32, #tpu.memory_space<vmem>>) dst(%dma_wait3A_177 : memref<10112x128xf32, #tpu.memory_space<vmem_shared>>)
    %run_scoped3A_178 = arith.constant 1 : i32
    "tpu.region"() ({
      %run_scoped3A_358 = tpu.sem_alloc : memref<!tpu.dma_semaphore, #tpu.memory_space<semaphore_mem>>
      %dma_start3A_359 = arith.constant 0 : i32
      %dma_start3A_360 = arith.constant 0 : i32
      %dma_start3A_361 = tpu.memref_slice %arg3[%arg0, %arg1, %run_scoped3A_178, %dma_start3A_359, %dma_start3A_360] : memref<2x16x2x63x80xi32, #tpu.memory_space<hbm>> -> memref<1x1x1x63x80xi32, #tpu.memory_space<hbm>>
      %dma_start3A_362 = tpu.memref_squeeze %dma_start3A_361 : memref<1x1x1x63x80xi32, #tpu.memory_space<hbm>> -> memref<63x80xi32, #tpu.memory_space<hbm>>
      %dma_start3A_363 = arith.constant 0 : i32
      %dma_start3A_364 = arith.constant 0 : i32
      %dma_start3A_365 = tpu.memref_slice %arg3[%arg0, %arg1, %run_scoped3A_178, %dma_start3A_363, %dma_start3A_364] : memref<2x16x2x63x80xi32, #tpu.memory_space<hbm>> -> memref<1x1x1x63x80xi32, #tpu.memory_space<hbm>>
      %dma_start3A_366 = tpu.memref_squeeze %dma_start3A_365 : memref<1x1x1x63x80xi32, #tpu.memory_space<hbm>> -> memref<63x80xi32, #tpu.memory_space<hbm>>
      tpu.enqueue_dma source(%dma_start3A_366 : memref<63x80xi32, #tpu.memory_space<hbm>>) target(%arg6 : memref<63x80xi32, #tpu.memory_space<vmem>>) target_semaphore(%run_scoped3A_358 : memref<!tpu.dma_semaphore, #tpu.memory_space<semaphore_mem>>)
      %dma_wait3A_367 = arith.constant 0 : i32
      %dma_wait3A_368 = arith.constant 0 : i32
      %dma_wait3A_369 = tpu.memref_slice %arg3[%arg0, %arg1, %run_scoped3A_178, %dma_wait3A_367, %dma_wait3A_368] : memref<2x16x2x63x80xi32, #tpu.memory_space<hbm>> -> memref<1x1x1x63x80xi32, #tpu.memory_space<hbm>>
      %dma_wait3A_370 = tpu.memref_squeeze %dma_wait3A_369 : memref<1x1x1x63x80xi32, #tpu.memory_space<hbm>> -> memref<63x80xi32, #tpu.memory_space<hbm>>
      %dma_wait3A_371 = arith.constant 0 : i32
      %dma_wait3A_372 = arith.constant 0 : i32
      %dma_wait3A_373 = tpu.memref_slice %arg3[%arg0, %arg1, %run_scoped3A_178, %dma_wait3A_371, %dma_wait3A_372] : memref<2x16x2x63x80xi32, #tpu.memory_space<hbm>> -> memref<1x1x1x63x80xi32, #tpu.memory_space<hbm>>
      %dma_wait3A_374 = tpu.memref_squeeze %dma_wait3A_373 : memref<1x1x1x63x80xi32, #tpu.memory_space<hbm>> -> memref<63x80xi32, #tpu.memory_space<hbm>>
      tpu.wait_dma2 semaphore(%run_scoped3A_358 : memref<!tpu.dma_semaphore, #tpu.memory_space<semaphore_mem>>) src(%dma_wait3A_374 : memref<63x80xi32, #tpu.memory_space<hbm>>) dst(%arg6 : memref<63x80xi32, #tpu.memory_space<vmem>>)
      tpu.yield
    }) : () -> ()
    %run_scoped3A_179 = arith.constant 1 : i32
    "tpu.region"() ({
      %run_scoped3A_358 = tpu.sem_alloc : memref<!tpu.dma_semaphore, #tpu.memory_space<semaphore_mem>>
      %dma_start3A_359 = arith.constant 0 : i32
      %dma_start3A_360 = arith.constant 0 : i32
      %dma_start3A_361 = tpu.memref_slice %arg4[%arg1, %run_scoped3A_179, %dma_start3A_359, %dma_start3A_360] : memref<16x2x63x80xi32, #tpu.memory_space<hbm>> -> memref<1x1x63x80xi32, #tpu.memory_space<hbm>>
      %dma_start3A_362 = tpu.memref_squeeze %dma_start3A_361 : memref<1x1x63x80xi32, #tpu.memory_space<hbm>> -> memref<63x80xi32, #tpu.memory_space<hbm>>
      %dma_start3A_363 = arith.constant 0 : i32
      %dma_start3A_364 = arith.constant 0 : i32
      %dma_start3A_365 = tpu.memref_slice %arg4[%arg1, %run_scoped3A_179, %dma_start3A_363, %dma_start3A_364] : memref<16x2x63x80xi32, #tpu.memory_space<hbm>> -> memref<1x1x63x80xi32, #tpu.memory_space<hbm>>
      %dma_start3A_366 = tpu.memref_squeeze %dma_start3A_365 : memref<1x1x63x80xi32, #tpu.memory_space<hbm>> -> memref<63x80xi32, #tpu.memory_space<hbm>>
      tpu.enqueue_dma source(%dma_start3A_366 : memref<63x80xi32, #tpu.memory_space<hbm>>) target(%arg7 : memref<63x80xi32, #tpu.memory_space<vmem>>) target_semaphore(%run_scoped3A_358 : memref<!tpu.dma_semaphore, #tpu.memory_space<semaphore_mem>>)
      %dma_wait3A_367 = arith.constant 0 : i32
      %dma_wait3A_368 = arith.constant 0 : i32
      %dma_wait3A_369 = tpu.memref_slice %arg4[%arg1, %run_scoped3A_179, %dma_wait3A_367, %dma_wait3A_368] : memref<16x2x63x80xi32, #tpu.memory_space<hbm>> -> memref<1x1x63x80xi32, #tpu.memory_space<hbm>>
      %dma_wait3A_370 = tpu.memref_squeeze %dma_wait3A_369 : memref<1x1x63x80xi32, #tpu.memory_space<hbm>> -> memref<63x80xi32, #tpu.memory_space<hbm>>
      %dma_wait3A_371 = arith.constant 0 : i32
      %dma_wait3A_372 = arith.constant 0 : i32
      %dma_wait3A_373 = tpu.memref_slice %arg4[%arg1, %run_scoped3A_179, %dma_wait3A_371, %dma_wait3A_372] : memref<16x2x63x80xi32, #tpu.memory_space<hbm>> -> memref<1x1x63x80xi32, #tpu.memory_space<hbm>>
      %dma_wait3A_374 = tpu.memref_squeeze %dma_wait3A_373 : memref<1x1x63x80xi32, #tpu.memory_space<hbm>> -> memref<63x80xi32, #tpu.memory_space<hbm>>
      tpu.wait_dma2 semaphore(%run_scoped3A_358 : memref<!tpu.dma_semaphore, #tpu.memory_space<semaphore_mem>>) src(%dma_wait3A_374 : memref<63x80xi32, #tpu.memory_space<hbm>>) dst(%arg7 : memref<63x80xi32, #tpu.memory_space<vmem>>)
      tpu.yield
    }) : () -> ()
    %dma_start3A_180 = arith.constant 0 : i32
    %dma_start3A_181 = arith.constant 0 : i32
    %dma_start3A_182 = tpu.memref_slice %arg6[%dma_start3A_180, %dma_start3A_181] : memref<63x80xi32, #tpu.memory_space<vmem>> -> memref<1x80xi32, #tpu.memory_space<vmem>>
    %dma_start3A_183 = tpu.memref_squeeze %dma_start3A_182 : memref<1x80xi32, #tpu.memory_space<vmem>> -> memref<80xi32, #tpu.memory_space<vmem>>
    %dma_start3A_184 = arith.constant 0 : i32
    %dma_start3A_185 = arith.constant 0 : i32
    %dma_start3A_186 = tpu.memref_slice %arg2[%dma_start3A_184, %dma_start3A_185] : memref<20224x128xf32, #tpu.memory_space<hbm>> -> memref<20224x128xf32, #tpu.memory_space<hbm>>
    tpu.enqueue_indirect_dma source(%dma_start3A_186 : memref<20224x128xf32, #tpu.memory_space<hbm>>) target(%arg8 : memref<80x128xf32, #tpu.memory_space<vmem>>) offsets(%dma_start3A_183 : memref<80xi32, #tpu.memory_space<vmem>>) semaphore(%arg11 : memref<!tpu.dma_semaphore, #tpu.memory_space<semaphore_mem>>)
    %dma_start3A_187 = arith.constant 1 : i32
    %dma_start3A_188 = arith.constant 0 : i32
    %dma_start3A_189 = tpu.memref_slice %arg6[%dma_start3A_187, %dma_start3A_188] : memref<63x80xi32, #tpu.memory_space<vmem>> -> memref<1x80xi32, #tpu.memory_space<vmem>>
    %dma_start3A_190 = tpu.memref_squeeze %dma_start3A_189 : memref<1x80xi32, #tpu.memory_space<vmem>> -> memref<80xi32, #tpu.memory_space<vmem>>
    %dma_start3A_191 = arith.constant 0 : i32
    %dma_start3A_192 = arith.constant 0 : i32
    %dma_start3A_193 = tpu.memref_slice %arg2[%dma_start3A_191, %dma_start3A_192] : memref<20224x128xf32, #tpu.memory_space<hbm>> -> memref<20224x128xf32, #tpu.memory_space<hbm>>
    tpu.enqueue_indirect_dma source(%dma_start3A_193 : memref<20224x128xf32, #tpu.memory_space<hbm>>) target(%arg9 : memref<80x128xf32, #tpu.memory_space<vmem>>) offsets(%dma_start3A_190 : memref<80xi32, #tpu.memory_space<vmem>>) semaphore(%arg12 : memref<!tpu.dma_semaphore, #tpu.memory_space<semaphore_mem>>)
    %dma_start3A_194 = arith.constant 2 : i32
    %dma_start3A_195 = arith.constant 0 : i32
    %dma_start3A_196 = tpu.memref_slice %arg6[%dma_start3A_194, %dma_start3A_195] : memref<63x80xi32, #tpu.memory_space<vmem>> -> memref<1x80xi32, #tpu.memory_space<vmem>>
    %dma_start3A_197 = tpu.memref_squeeze %dma_start3A_196 : memref<1x80xi32, #tpu.memory_space<vmem>> -> memref<80xi32, #tpu.memory_space<vmem>>
    %dma_start3A_198 = arith.constant 0 : i32
    %dma_start3A_199 = arith.constant 0 : i32
    %dma_start3A_200 = tpu.memref_slice %arg2[%dma_start3A_198, %dma_start3A_199] : memref<20224x128xf32, #tpu.memory_space<hbm>> -> memref<20224x128xf32, #tpu.memory_space<hbm>>
    tpu.enqueue_indirect_dma source(%dma_start3A_200 : memref<20224x128xf32, #tpu.memory_space<hbm>>) target(%arg10 : memref<80x128xf32, #tpu.memory_space<vmem>>) offsets(%dma_start3A_197 : memref<80xi32, #tpu.memory_space<vmem>>) semaphore(%arg13 : memref<!tpu.dma_semaphore, #tpu.memory_space<semaphore_mem>>)
    %dma_wait3A_201 = arith.constant 0 : i32
    %dma_wait3A_202 = arith.constant 0 : i32
    %dma_wait3A_203 = tpu.memref_slice %arg6[%dma_wait3A_201, %dma_wait3A_202] : memref<63x80xi32, #tpu.memory_space<vmem>> -> memref<1x80xi32, #tpu.memory_space<vmem>>
    %dma_wait3A_204 = tpu.memref_squeeze %dma_wait3A_203 : memref<1x80xi32, #tpu.memory_space<vmem>> -> memref<80xi32, #tpu.memory_space<vmem>>
    %dma_wait3A_205 = arith.constant 0 : i32
    %dma_wait3A_206 = arith.constant 0 : i32
    %dma_wait3A_207 = tpu.memref_slice %arg2[%dma_wait3A_205, %dma_wait3A_206] : memref<20224x128xf32, #tpu.memory_space<hbm>> -> memref<20224x128xf32, #tpu.memory_space<hbm>>
    tpu.wait_indirect_dma semaphore(%arg11 : memref<!tpu.dma_semaphore, #tpu.memory_space<semaphore_mem>>) src(%dma_wait3A_207 : memref<20224x128xf32, #tpu.memory_space<hbm>>) dst(%arg8 : memref<80x128xf32, #tpu.memory_space<vmem>>)
    %dma_start3A_208 = arith.constant 0 : i32
    %dma_start3A_209 = arith.constant 0 : i32
    %dma_start3A_210 = tpu.memref_slice %arg7[%dma_start3A_208, %dma_start3A_209] : memref<63x80xi32, #tpu.memory_space<vmem>> -> memref<1x80xi32, #tpu.memory_space<vmem>>
    %dma_start3A_211 = tpu.memref_squeeze %dma_start3A_210 : memref<1x80xi32, #tpu.memory_space<vmem>> -> memref<80xi32, #tpu.memory_space<vmem>>
    %dma_start3A_212 = arith.constant 0 : i32
    %dma_start3A_213 = arith.constant 0 : i32
    %dma_start3A_214 = tpu.memref_slice %arg17[%dma_start3A_212, %dma_start3A_213] : memref<10112x128xf32, #tpu.memory_space<vmem_shared>> -> memref<10112x128xf32, #tpu.memory_space<vmem_shared>>
    tpu.enqueue_indirect_dma source(%arg8 : memref<80x128xf32, #tpu.memory_space<vmem>>) target(%dma_start3A_214 : memref<10112x128xf32, #tpu.memory_space<vmem_shared>>) offsets(%dma_start3A_211 : memref<80xi32, #tpu.memory_space<vmem>>) semaphore(%arg14 : memref<!tpu.dma_semaphore, #tpu.memory_space<semaphore_mem>>) {add = true}
    %dma_wait3A_215 = arith.constant 0 : i32
    %dma_wait3A_216 = arith.constant 0 : i32
    %dma_wait3A_217 = tpu.memref_slice %arg7[%dma_wait3A_215, %dma_wait3A_216] : memref<63x80xi32, #tpu.memory_space<vmem>> -> memref<1x80xi32, #tpu.memory_space<vmem>>
    %dma_wait3A_218 = tpu.memref_squeeze %dma_wait3A_217 : memref<1x80xi32, #tpu.memory_space<vmem>> -> memref<80xi32, #tpu.memory_space<vmem>>
    %dma_wait3A_219 = arith.constant 0 : i32
    %dma_wait3A_220 = arith.constant 0 : i32
    %dma_wait3A_221 = tpu.memref_slice %arg17[%dma_wait3A_219, %dma_wait3A_220] : memref<10112x128xf32, #tpu.memory_space<vmem_shared>> -> memref<10112x128xf32, #tpu.memory_space<vmem_shared>>
    tpu.wait_indirect_dma semaphore(%arg14 : memref<!tpu.dma_semaphore, #tpu.memory_space<semaphore_mem>>) src(%arg8 : memref<80x128xf32, #tpu.memory_space<vmem>>) dst(%dma_wait3A_221 : memref<10112x128xf32, #tpu.memory_space<vmem_shared>>)
    %dma_start3A_222 = arith.constant 3 : i32
    %dma_start3A_223 = arith.constant 0 : i32
    %dma_start3A_224 = tpu.memref_slice %arg6[%dma_start3A_222, %dma_start3A_223] : memref<63x80xi32, #tpu.memory_space<vmem>> -> memref<1x80xi32, #tpu.memory_space<vmem>>
    %dma_start3A_225 = tpu.memref_squeeze %dma_start3A_224 : memref<1x80xi32, #tpu.memory_space<vmem>> -> memref<80xi32, #tpu.memory_space<vmem>>
    %dma_start3A_226 = arith.constant 0 : i32
    %dma_start3A_227 = arith.constant 0 : i32
    %dma_start3A_228 = tpu.memref_slice %arg2[%dma_start3A_226, %dma_start3A_227] : memref<20224x128xf32, #tpu.memory_space<hbm>> -> memref<20224x128xf32, #tpu.memory_space<hbm>>
    tpu.enqueue_indirect_dma source(%dma_start3A_228 : memref<20224x128xf32, #tpu.memory_space<hbm>>) target(%arg8 : memref<80x128xf32, #tpu.memory_space<vmem>>) offsets(%dma_start3A_225 : memref<80xi32, #tpu.memory_space<vmem>>) semaphore(%arg11 : memref<!tpu.dma_semaphore, #tpu.memory_space<semaphore_mem>>)
    %dma_wait3A_229 = arith.constant 1 : i32
    %dma_wait3A_230 = arith.constant 0 : i32
    %dma_wait3A_231 = tpu.memref_slice %arg6[%dma_wait3A_229, %dma_wait3A_230] : memref<63x80xi32, #tpu.memory_space<vmem>> -> memref<1x80xi32, #tpu.memory_space<vmem>>
    %dma_wait3A_232 = tpu.memref_squeeze %dma_wait3A_231 : memref<1x80xi32, #tpu.memory_space<vmem>> -> memref<80xi32, #tpu.memory_space<vmem>>
    %dma_wait3A_233 = arith.constant 0 : i32
    %dma_wait3A_234 = arith.constant 0 : i32
    %dma_wait3A_235 = tpu.memref_slice %arg2[%dma_wait3A_233, %dma_wait3A_234] : memref<20224x128xf32, #tpu.memory_space<hbm>> -> memref<20224x128xf32, #tpu.memory_space<hbm>>
    tpu.wait_indirect_dma semaphore(%arg12 : memref<!tpu.dma_semaphore, #tpu.memory_space<semaphore_mem>>) src(%dma_wait3A_235 : memref<20224x128xf32, #tpu.memory_space<hbm>>) dst(%arg9 : memref<80x128xf32, #tpu.memory_space<vmem>>)
    %dma_start3A_236 = arith.constant 1 : i32
    %dma_start3A_237 = arith.constant 0 : i32
    %dma_start3A_238 = tpu.memref_slice %arg7[%dma_start3A_236, %dma_start3A_237] : memref<63x80xi32, #tpu.memory_space<vmem>> -> memref<1x80xi32, #tpu.memory_space<vmem>>
    %dma_start3A_239 = tpu.memref_squeeze %dma_start3A_238 : memref<1x80xi32, #tpu.memory_space<vmem>> -> memref<80xi32, #tpu.memory_space<vmem>>
    %dma_start3A_240 = arith.constant 0 : i32
    %dma_start3A_241 = arith.constant 0 : i32
    %dma_start3A_242 = tpu.memref_slice %arg17[%dma_start3A_240, %dma_start3A_241] : memref<10112x128xf32, #tpu.memory_space<vmem_shared>> -> memref<10112x128xf32, #tpu.memory_space<vmem_shared>>
    tpu.enqueue_indirect_dma source(%arg9 : memref<80x128xf32, #tpu.memory_space<vmem>>) target(%dma_start3A_242 : memref<10112x128xf32, #tpu.memory_space<vmem_shared>>) offsets(%dma_start3A_239 : memref<80xi32, #tpu.memory_space<vmem>>) semaphore(%arg15 : memref<!tpu.dma_semaphore, #tpu.memory_space<semaphore_mem>>) {add = true}
    %dma_wait3A_243 = arith.constant 1 : i32
    %dma_wait3A_244 = arith.constant 0 : i32
    %dma_wait3A_245 = tpu.memref_slice %arg7[%dma_wait3A_243, %dma_wait3A_244] : memref<63x80xi32, #tpu.memory_space<vmem>> -> memref<1x80xi32, #tpu.memory_space<vmem>>
    %dma_wait3A_246 = tpu.memref_squeeze %dma_wait3A_245 : memref<1x80xi32, #tpu.memory_space<vmem>> -> memref<80xi32, #tpu.memory_space<vmem>>
    %dma_wait3A_247 = arith.constant 0 : i32
    %dma_wait3A_248 = arith.constant 0 : i32
    %dma_wait3A_249 = tpu.memref_slice %arg17[%dma_wait3A_247, %dma_wait3A_248] : memref<10112x128xf32, #tpu.memory_space<vmem_shared>> -> memref<10112x128xf32, #tpu.memory_space<vmem_shared>>
    tpu.wait_indirect_dma semaphore(%arg15 : memref<!tpu.dma_semaphore, #tpu.memory_space<semaphore_mem>>) src(%arg9 : memref<80x128xf32, #tpu.memory_space<vmem>>) dst(%dma_wait3A_249 : memref<10112x128xf32, #tpu.memory_space<vmem_shared>>)
    %dma_start3A_250 = arith.constant 4 : i32
    %dma_start3A_251 = arith.constant 0 : i32
    %dma_start3A_252 = tpu.memref_slice %arg6[%dma_start3A_250, %dma_start3A_251] : memref<63x80xi32, #tpu.memory_space<vmem>> -> memref<1x80xi32, #tpu.memory_space<vmem>>
    %dma_start3A_253 = tpu.memref_squeeze %dma_start3A_252 : memref<1x80xi32, #tpu.memory_space<vmem>> -> memref<80xi32, #tpu.memory_space<vmem>>
    %dma_start3A_254 = arith.constant 0 : i32
    %dma_start3A_255 = arith.constant 0 : i32
    %dma_start3A_256 = tpu.memref_slice %arg2[%dma_start3A_254, %dma_start3A_255] : memref<20224x128xf32, #tpu.memory_space<hbm>> -> memref<20224x128xf32, #tpu.memory_space<hbm>>
    tpu.enqueue_indirect_dma source(%dma_start3A_256 : memref<20224x128xf32, #tpu.memory_space<hbm>>) target(%arg9 : memref<80x128xf32, #tpu.memory_space<vmem>>) offsets(%dma_start3A_253 : memref<80xi32, #tpu.memory_space<vmem>>) semaphore(%arg12 : memref<!tpu.dma_semaphore, #tpu.memory_space<semaphore_mem>>)
    %dma_wait3A_257 = arith.constant 2 : i32
    %dma_wait3A_258 = arith.constant 0 : i32
    %dma_wait3A_259 = tpu.memref_slice %arg6[%dma_wait3A_257, %dma_wait3A_258] : memref<63x80xi32, #tpu.memory_space<vmem>> -> memref<1x80xi32, #tpu.memory_space<vmem>>
    %dma_wait3A_260 = tpu.memref_squeeze %dma_wait3A_259 : memref<1x80xi32, #tpu.memory_space<vmem>> -> memref<80xi32, #tpu.memory_space<vmem>>
    %dma_wait3A_261 = arith.constant 0 : i32
    %dma_wait3A_262 = arith.constant 0 : i32
    %dma_wait3A_263 = tpu.memref_slice %arg2[%dma_wait3A_261, %dma_wait3A_262] : memref<20224x128xf32, #tpu.memory_space<hbm>> -> memref<20224x128xf32, #tpu.memory_space<hbm>>
    tpu.wait_indirect_dma semaphore(%arg13 : memref<!tpu.dma_semaphore, #tpu.memory_space<semaphore_mem>>) src(%dma_wait3A_263 : memref<20224x128xf32, #tpu.memory_space<hbm>>) dst(%arg10 : memref<80x128xf32, #tpu.memory_space<vmem>>)
    %dma_start3A_264 = arith.constant 2 : i32
    %dma_start3A_265 = arith.constant 0 : i32
    %dma_start3A_266 = tpu.memref_slice %arg7[%dma_start3A_264, %dma_start3A_265] : memref<63x80xi32, #tpu.memory_space<vmem>> -> memref<1x80xi32, #tpu.memory_space<vmem>>
    %dma_start3A_267 = tpu.memref_squeeze %dma_start3A_266 : memref<1x80xi32, #tpu.memory_space<vmem>> -> memref<80xi32, #tpu.memory_space<vmem>>
    %dma_start3A_268 = arith.constant 0 : i32
    %dma_start3A_269 = arith.constant 0 : i32
    %dma_start3A_270 = tpu.memref_slice %arg17[%dma_start3A_268, %dma_start3A_269] : memref<10112x128xf32, #tpu.memory_space<vmem_shared>> -> memref<10112x128xf32, #tpu.memory_space<vmem_shared>>
    tpu.enqueue_indirect_dma source(%arg10 : memref<80x128xf32, #tpu.memory_space<vmem>>) target(%dma_start3A_270 : memref<10112x128xf32, #tpu.memory_space<vmem_shared>>) offsets(%dma_start3A_267 : memref<80xi32, #tpu.memory_space<vmem>>) semaphore(%arg16 : memref<!tpu.dma_semaphore, #tpu.memory_space<semaphore_mem>>) {add = true}
    %scan3A_271 = arith.constant 0 : i32
    %scan3A_272 = arith.constant 1 : i32
    %scan3A_273 = arith.constant 19 : i32
    %scan3A_274 = arith.addi %scan3A_272, %scan3A_273 : i32
    %scan3A_275 = arith.constant 1 : i32
    %scan3A_276 = scf.for %scan3A_358 = %scan3A_272 to %scan3A_274 step %scan3A_275 iter_args(%scan3A_359 = %scan3A_271) -> (i32)  : i32 {
      %mul3A_360 = arith.constant 3 : i32
      %mul3A_361 = arith.muli %mul3A_360, %scan3A_358 : i32
      %sub3A = arith.constant 1 : i32
      %sub3A_362 = arith.subi %mul3A_361, %sub3A : i32
      %dma_wait3A_363 = arith.constant 0 : i32
      %dma_wait3A_364 = tpu.memref_slice %arg7[%sub3A_362, %dma_wait3A_363] : memref<63x80xi32, #tpu.memory_space<vmem>> -> memref<1x80xi32, #tpu.memory_space<vmem>>
      %dma_wait3A_365 = tpu.memref_squeeze %dma_wait3A_364 : memref<1x80xi32, #tpu.memory_space<vmem>> -> memref<80xi32, #tpu.memory_space<vmem>>
      %dma_wait3A_366 = arith.constant 0 : i32
      %dma_wait3A_367 = arith.constant 0 : i32
      %dma_wait3A_368 = tpu.memref_slice %arg17[%dma_wait3A_366, %dma_wait3A_367] : memref<10112x128xf32, #tpu.memory_space<vmem_shared>> -> memref<10112x128xf32, #tpu.memory_space<vmem_shared>>
      tpu.wait_indirect_dma semaphore(%arg16 : memref<!tpu.dma_semaphore, #tpu.memory_space<semaphore_mem>>) src(%arg10 : memref<80x128xf32, #tpu.memory_space<vmem>>) dst(%dma_wait3A_368 : memref<10112x128xf32, #tpu.memory_space<vmem_shared>>)
      %add3A_369 = arith.constant 2 : i32
      %add3A_370 = arith.addi %mul3A_361, %add3A_369 : i32
      %dma_start3A_371 = arith.constant 0 : i32
      %dma_start3A_372 = tpu.memref_slice %arg6[%add3A_370, %dma_start3A_371] : memref<63x80xi32, #tpu.memory_space<vmem>> -> memref<1x80xi32, #tpu.memory_space<vmem>>
      %dma_start3A_373 = tpu.memref_squeeze %dma_start3A_372 : memref<1x80xi32, #tpu.memory_space<vmem>> -> memref<80xi32, #tpu.memory_space<vmem>>
      %dma_start3A_374 = arith.constant 0 : i32
      %dma_start3A_375 = arith.constant 0 : i32
      %dma_start3A_376 = tpu.memref_slice %arg2[%dma_start3A_374, %dma_start3A_375] : memref<20224x128xf32, #tpu.memory_space<hbm>> -> memref<20224x128xf32, #tpu.memory_space<hbm>>
      tpu.enqueue_indirect_dma source(%dma_start3A_376 : memref<20224x128xf32, #tpu.memory_space<hbm>>) target(%arg10 : memref<80x128xf32, #tpu.memory_space<vmem>>) offsets(%dma_start3A_373 : memref<80xi32, #tpu.memory_space<vmem>>) semaphore(%arg13 : memref<!tpu.dma_semaphore, #tpu.memory_space<semaphore_mem>>)
      %dma_wait3A_377 = arith.constant 0 : i32
      %dma_wait3A_378 = tpu.memref_slice %arg6[%mul3A_361, %dma_wait3A_377] : memref<63x80xi32, #tpu.memory_space<vmem>> -> memref<1x80xi32, #tpu.memory_space<vmem>>
      %dma_wait3A_379 = tpu.memref_squeeze %dma_wait3A_378 : memref<1x80xi32, #tpu.memory_space<vmem>> -> memref<80xi32, #tpu.memory_space<vmem>>
      %dma_wait3A_380 = arith.constant 0 : i32
      %dma_wait3A_381 = arith.constant 0 : i32
      %dma_wait3A_382 = tpu.memref_slice %arg2[%dma_wait3A_380, %dma_wait3A_381] : memref<20224x128xf32, #tpu.memory_space<hbm>> -> memref<20224x128xf32, #tpu.memory_space<hbm>>
      tpu.wait_indirect_dma semaphore(%arg11 : memref<!tpu.dma_semaphore, #tpu.memory_space<semaphore_mem>>) src(%dma_wait3A_382 : memref<20224x128xf32, #tpu.memory_space<hbm>>) dst(%arg8 : memref<80x128xf32, #tpu.memory_space<vmem>>)
      %dma_start3A_383 = arith.constant 0 : i32
      %dma_start3A_384 = tpu.memref_slice %arg7[%mul3A_361, %dma_start3A_383] : memref<63x80xi32, #tpu.memory_space<vmem>> -> memref<1x80xi32, #tpu.memory_space<vmem>>
      %dma_start3A_385 = tpu.memref_squeeze %dma_start3A_384 : memref<1x80xi32, #tpu.memory_space<vmem>> -> memref<80xi32, #tpu.memory_space<vmem>>
      %dma_start3A_386 = arith.constant 0 : i32
      %dma_start3A_387 = arith.constant 0 : i32
      %dma_start3A_388 = tpu.memref_slice %arg17[%dma_start3A_386, %dma_start3A_387] : memref<10112x128xf32, #tpu.memory_space<vmem_shared>> -> memref<10112x128xf32, #tpu.memory_space<vmem_shared>>
      tpu.enqueue_indirect_dma source(%arg8 : memref<80x128xf32, #tpu.memory_space<vmem>>) target(%dma_start3A_388 : memref<10112x128xf32, #tpu.memory_space<vmem_shared>>) offsets(%dma_start3A_385 : memref<80xi32, #tpu.memory_space<vmem>>) semaphore(%arg14 : memref<!tpu.dma_semaphore, #tpu.memory_space<semaphore_mem>>) {add = true}
      %dma_wait3A_389 = arith.constant 0 : i32
      %dma_wait3A_390 = tpu.memref_slice %arg7[%mul3A_361, %dma_wait3A_389] : memref<63x80xi32, #tpu.memory_space<vmem>> -> memref<1x80xi32, #tpu.memory_space<vmem>>
      %dma_wait3A_391 = tpu.memref_squeeze %dma_wait3A_390 : memref<1x80xi32, #tpu.memory_space<vmem>> -> memref<80xi32, #tpu.memory_space<vmem>>
      %dma_wait3A_392 = arith.constant 0 : i32
      %dma_wait3A_393 = arith.constant 0 : i32
      %dma_wait3A_394 = tpu.memref_slice %arg17[%dma_wait3A_392, %dma_wait3A_393] : memref<10112x128xf32, #tpu.memory_space<vmem_shared>> -> memref<10112x128xf32, #tpu.memory_space<vmem_shared>>
      tpu.wait_indirect_dma semaphore(%arg14 : memref<!tpu.dma_semaphore, #tpu.memory_space<semaphore_mem>>) src(%arg8 : memref<80x128xf32, #tpu.memory_space<vmem>>) dst(%dma_wait3A_394 : memref<10112x128xf32, #tpu.memory_space<vmem_shared>>)
      %add3A_395 = arith.constant 3 : i32
      %add3A_396 = arith.addi %mul3A_361, %add3A_395 : i32
      %dma_start3A_397 = arith.constant 0 : i32
      %dma_start3A_398 = tpu.memref_slice %arg6[%add3A_396, %dma_start3A_397] : memref<63x80xi32, #tpu.memory_space<vmem>> -> memref<1x80xi32, #tpu.memory_space<vmem>>
      %dma_start3A_399 = tpu.memref_squeeze %dma_start3A_398 : memref<1x80xi32, #tpu.memory_space<vmem>> -> memref<80xi32, #tpu.memory_space<vmem>>
      %dma_start3A_400 = arith.constant 0 : i32
      %dma_start3A_401 = arith.constant 0 : i32
      %dma_start3A_402 = tpu.memref_slice %arg2[%dma_start3A_400, %dma_start3A_401] : memref<20224x128xf32, #tpu.memory_space<hbm>> -> memref<20224x128xf32, #tpu.memory_space<hbm>>
      tpu.enqueue_indirect_dma source(%dma_start3A_402 : memref<20224x128xf32, #tpu.memory_space<hbm>>) target(%arg8 : memref<80x128xf32, #tpu.memory_space<vmem>>) offsets(%dma_start3A_399 : memref<80xi32, #tpu.memory_space<vmem>>) semaphore(%arg11 : memref<!tpu.dma_semaphore, #tpu.memory_space<semaphore_mem>>)
      %add3A_403 = arith.constant 1 : i32
      %add3A_404 = arith.addi %mul3A_361, %add3A_403 : i32
      %dma_wait3A_405 = arith.constant 0 : i32
      %dma_wait3A_406 = tpu.memref_slice %arg6[%add3A_404, %dma_wait3A_405] : memref<63x80xi32, #tpu.memory_space<vmem>> -> memref<1x80xi32, #tpu.memory_space<vmem>>
      %dma_wait3A_407 = tpu.memref_squeeze %dma_wait3A_406 : memref<1x80xi32, #tpu.memory_space<vmem>> -> memref<80xi32, #tpu.memory_space<vmem>>
      %dma_wait3A_408 = arith.constant 0 : i32
      %dma_wait3A_409 = arith.constant 0 : i32
      %dma_wait3A_410 = tpu.memref_slice %arg2[%dma_wait3A_408, %dma_wait3A_409] : memref<20224x128xf32, #tpu.memory_space<hbm>> -> memref<20224x128xf32, #tpu.memory_space<hbm>>
      tpu.wait_indirect_dma semaphore(%arg12 : memref<!tpu.dma_semaphore, #tpu.memory_space<semaphore_mem>>) src(%dma_wait3A_410 : memref<20224x128xf32, #tpu.memory_space<hbm>>) dst(%arg9 : memref<80x128xf32, #tpu.memory_space<vmem>>)
      %add3A_411 = arith.constant 1 : i32
      %add3A_412 = arith.addi %mul3A_361, %add3A_411 : i32
      %dma_start3A_413 = arith.constant 0 : i32
      %dma_start3A_414 = tpu.memref_slice %arg7[%add3A_412, %dma_start3A_413] : memref<63x80xi32, #tpu.memory_space<vmem>> -> memref<1x80xi32, #tpu.memory_space<vmem>>
      %dma_start3A_415 = tpu.memref_squeeze %dma_start3A_414 : memref<1x80xi32, #tpu.memory_space<vmem>> -> memref<80xi32, #tpu.memory_space<vmem>>
      %dma_start3A_416 = arith.constant 0 : i32
      %dma_start3A_417 = arith.constant 0 : i32
      %dma_start3A_418 = tpu.memref_slice %arg17[%dma_start3A_416, %dma_start3A_417] : memref<10112x128xf32, #tpu.memory_space<vmem_shared>> -> memref<10112x128xf32, #tpu.memory_space<vmem_shared>>
      tpu.enqueue_indirect_dma source(%arg9 : memref<80x128xf32, #tpu.memory_space<vmem>>) target(%dma_start3A_418 : memref<10112x128xf32, #tpu.memory_space<vmem_shared>>) offsets(%dma_start3A_415 : memref<80xi32, #tpu.memory_space<vmem>>) semaphore(%arg15 : memref<!tpu.dma_semaphore, #tpu.memory_space<semaphore_mem>>) {add = true}
      %add3A_419 = arith.constant 1 : i32
      %add3A_420 = arith.addi %mul3A_361, %add3A_419 : i32
      %dma_wait3A_421 = arith.constant 0 : i32
      %dma_wait3A_422 = tpu.memref_slice %arg7[%add3A_420, %dma_wait3A_421] : memref<63x80xi32, #tpu.memory_space<vmem>> -> memref<1x80xi32, #tpu.memory_space<vmem>>
      %dma_wait3A_423 = tpu.memref_squeeze %dma_wait3A_422 : memref<1x80xi32, #tpu.memory_space<vmem>> -> memref<80xi32, #tpu.memory_space<vmem>>
      %dma_wait3A_424 = arith.constant 0 : i32
      %dma_wait3A_425 = arith.constant 0 : i32
      %dma_wait3A_426 = tpu.memref_slice %arg17[%dma_wait3A_424, %dma_wait3A_425] : memref<10112x128xf32, #tpu.memory_space<vmem_shared>> -> memref<10112x128xf32, #tpu.memory_space<vmem_shared>>
      tpu.wait_indirect_dma semaphore(%arg15 : memref<!tpu.dma_semaphore, #tpu.memory_space<semaphore_mem>>) src(%arg9 : memref<80x128xf32, #tpu.memory_space<vmem>>) dst(%dma_wait3A_426 : memref<10112x128xf32, #tpu.memory_space<vmem_shared>>)
      %add3A_427 = arith.constant 4 : i32
      %add3A_428 = arith.addi %mul3A_361, %add3A_427 : i32
      %dma_start3A_429 = arith.constant 0 : i32
      %dma_start3A_430 = tpu.memref_slice %arg6[%add3A_428, %dma_start3A_429] : memref<63x80xi32, #tpu.memory_space<vmem>> -> memref<1x80xi32, #tpu.memory_space<vmem>>
      %dma_start3A_431 = tpu.memref_squeeze %dma_start3A_430 : memref<1x80xi32, #tpu.memory_space<vmem>> -> memref<80xi32, #tpu.memory_space<vmem>>
      %dma_start3A_432 = arith.constant 0 : i32
      %dma_start3A_433 = arith.constant 0 : i32
      %dma_start3A_434 = tpu.memref_slice %arg2[%dma_start3A_432, %dma_start3A_433] : memref<20224x128xf32, #tpu.memory_space<hbm>> -> memref<20224x128xf32, #tpu.memory_space<hbm>>
      tpu.enqueue_indirect_dma source(%dma_start3A_434 : memref<20224x128xf32, #tpu.memory_space<hbm>>) target(%arg9 : memref<80x128xf32, #tpu.memory_space<vmem>>) offsets(%dma_start3A_431 : memref<80xi32, #tpu.memory_space<vmem>>) semaphore(%arg12 : memref<!tpu.dma_semaphore, #tpu.memory_space<semaphore_mem>>)
      %add3A_435 = arith.constant 2 : i32
      %add3A_436 = arith.addi %mul3A_361, %add3A_435 : i32
      %dma_wait3A_437 = arith.constant 0 : i32
      %dma_wait3A_438 = tpu.memref_slice %arg6[%add3A_436, %dma_wait3A_437] : memref<63x80xi32, #tpu.memory_space<vmem>> -> memref<1x80xi32, #tpu.memory_space<vmem>>
      %dma_wait3A_439 = tpu.memref_squeeze %dma_wait3A_438 : memref<1x80xi32, #tpu.memory_space<vmem>> -> memref<80xi32, #tpu.memory_space<vmem>>
      %dma_wait3A_440 = arith.constant 0 : i32
      %dma_wait3A_441 = arith.constant 0 : i32
      %dma_wait3A_442 = tpu.memref_slice %arg2[%dma_wait3A_440, %dma_wait3A_441] : memref<20224x128xf32, #tpu.memory_space<hbm>> -> memref<20224x128xf32, #tpu.memory_space<hbm>>
      tpu.wait_indirect_dma semaphore(%arg13 : memref<!tpu.dma_semaphore, #tpu.memory_space<semaphore_mem>>) src(%dma_wait3A_442 : memref<20224x128xf32, #tpu.memory_space<hbm>>) dst(%arg10 : memref<80x128xf32, #tpu.memory_space<vmem>>)
      %add3A_443 = arith.constant 2 : i32
      %add3A_444 = arith.addi %mul3A_361, %add3A_443 : i32
      %dma_start3A_445 = arith.constant 0 : i32
      %dma_start3A_446 = tpu.memref_slice %arg7[%add3A_444, %dma_start3A_445] : memref<63x80xi32, #tpu.memory_space<vmem>> -> memref<1x80xi32, #tpu.memory_space<vmem>>
      %dma_start3A_447 = tpu.memref_squeeze %dma_start3A_446 : memref<1x80xi32, #tpu.memory_space<vmem>> -> memref<80xi32, #tpu.memory_space<vmem>>
      %dma_start3A_448 = arith.constant 0 : i32
      %dma_start3A_449 = arith.constant 0 : i32
      %dma_start3A_450 = tpu.memref_slice %arg17[%dma_start3A_448, %dma_start3A_449] : memref<10112x128xf32, #tpu.memory_space<vmem_shared>> -> memref<10112x128xf32, #tpu.memory_space<vmem_shared>>
      tpu.enqueue_indirect_dma source(%arg10 : memref<80x128xf32, #tpu.memory_space<vmem>>) target(%dma_start3A_450 : memref<10112x128xf32, #tpu.memory_space<vmem_shared>>) offsets(%dma_start3A_447 : memref<80xi32, #tpu.memory_space<vmem>>) semaphore(%arg16 : memref<!tpu.dma_semaphore, #tpu.memory_space<semaphore_mem>>) {add = true}
      %scan3A_451 = arith.constant 0 : i32
      scf.yield %scan3A_451 : i32
    }
    %scan3A_277 = arith.constant 19 : i32
    %dma_wait3A_278 = arith.constant 59 : i32
    %dma_wait3A_279 = arith.constant 0 : i32
    %dma_wait3A_280 = tpu.memref_slice %arg7[%dma_wait3A_278, %dma_wait3A_279] : memref<63x80xi32, #tpu.memory_space<vmem>> -> memref<1x80xi32, #tpu.memory_space<vmem>>
    %dma_wait3A_281 = tpu.memref_squeeze %dma_wait3A_280 : memref<1x80xi32, #tpu.memory_space<vmem>> -> memref<80xi32, #tpu.memory_space<vmem>>
    %dma_wait3A_282 = arith.constant 0 : i32
    %dma_wait3A_283 = arith.constant 0 : i32
    %dma_wait3A_284 = tpu.memref_slice %arg17[%dma_wait3A_282, %dma_wait3A_283] : memref<10112x128xf32, #tpu.memory_space<vmem_shared>> -> memref<10112x128xf32, #tpu.memory_space<vmem_shared>>
    tpu.wait_indirect_dma semaphore(%arg16 : memref<!tpu.dma_semaphore, #tpu.memory_space<semaphore_mem>>) src(%arg10 : memref<80x128xf32, #tpu.memory_space<vmem>>) dst(%dma_wait3A_284 : memref<10112x128xf32, #tpu.memory_space<vmem_shared>>)
    %dma_start3A_285 = arith.constant 62 : i32
    %dma_start3A_286 = arith.constant 0 : i32
    %dma_start3A_287 = tpu.memref_slice %arg6[%dma_start3A_285, %dma_start3A_286] : memref<63x80xi32, #tpu.memory_space<vmem>> -> memref<1x80xi32, #tpu.memory_space<vmem>>
    %dma_start3A_288 = tpu.memref_squeeze %dma_start3A_287 : memref<1x80xi32, #tpu.memory_space<vmem>> -> memref<80xi32, #tpu.memory_space<vmem>>
    %dma_start3A_289 = arith.constant 0 : i32
    %dma_start3A_290 = arith.constant 0 : i32
    %dma_start3A_291 = tpu.memref_slice %arg2[%dma_start3A_289, %dma_start3A_290] : memref<20224x128xf32, #tpu.memory_space<hbm>> -> memref<20224x128xf32, #tpu.memory_space<hbm>>
    tpu.enqueue_indirect_dma source(%dma_start3A_291 : memref<20224x128xf32, #tpu.memory_space<hbm>>) target(%arg10 : memref<80x128xf32, #tpu.memory_space<vmem>>) offsets(%dma_start3A_288 : memref<80xi32, #tpu.memory_space<vmem>>) semaphore(%arg13 : memref<!tpu.dma_semaphore, #tpu.memory_space<semaphore_mem>>)
    %dma_wait3A_292 = arith.constant 60 : i32
    %dma_wait3A_293 = arith.constant 0 : i32
    %dma_wait3A_294 = tpu.memref_slice %arg6[%dma_wait3A_292, %dma_wait3A_293] : memref<63x80xi32, #tpu.memory_space<vmem>> -> memref<1x80xi32, #tpu.memory_space<vmem>>
    %dma_wait3A_295 = tpu.memref_squeeze %dma_wait3A_294 : memref<1x80xi32, #tpu.memory_space<vmem>> -> memref<80xi32, #tpu.memory_space<vmem>>
    %dma_wait3A_296 = arith.constant 0 : i32
    %dma_wait3A_297 = arith.constant 0 : i32
    %dma_wait3A_298 = tpu.memref_slice %arg2[%dma_wait3A_296, %dma_wait3A_297] : memref<20224x128xf32, #tpu.memory_space<hbm>> -> memref<20224x128xf32, #tpu.memory_space<hbm>>
    tpu.wait_indirect_dma semaphore(%arg11 : memref<!tpu.dma_semaphore, #tpu.memory_space<semaphore_mem>>) src(%dma_wait3A_298 : memref<20224x128xf32, #tpu.memory_space<hbm>>) dst(%arg8 : memref<80x128xf32, #tpu.memory_space<vmem>>)
    %dma_start3A_299 = arith.constant 60 : i32
    %dma_start3A_300 = arith.constant 0 : i32
    %dma_start3A_301 = tpu.memref_slice %arg7[%dma_start3A_299, %dma_start3A_300] : memref<63x80xi32, #tpu.memory_space<vmem>> -> memref<1x80xi32, #tpu.memory_space<vmem>>
    %dma_start3A_302 = tpu.memref_squeeze %dma_start3A_301 : memref<1x80xi32, #tpu.memory_space<vmem>> -> memref<80xi32, #tpu.memory_space<vmem>>
    %dma_start3A_303 = arith.constant 0 : i32
    %dma_start3A_304 = arith.constant 0 : i32
    %dma_start3A_305 = tpu.memref_slice %arg17[%dma_start3A_303, %dma_start3A_304] : memref<10112x128xf32, #tpu.memory_space<vmem_shared>> -> memref<10112x128xf32, #tpu.memory_space<vmem_shared>>
    tpu.enqueue_indirect_dma source(%arg8 : memref<80x128xf32, #tpu.memory_space<vmem>>) target(%dma_start3A_305 : memref<10112x128xf32, #tpu.memory_space<vmem_shared>>) offsets(%dma_start3A_302 : memref<80xi32, #tpu.memory_space<vmem>>) semaphore(%arg14 : memref<!tpu.dma_semaphore, #tpu.memory_space<semaphore_mem>>) {add = true}
    %dma_wait3A_306 = arith.constant 60 : i32
    %dma_wait3A_307 = arith.constant 0 : i32
    %dma_wait3A_308 = tpu.memref_slice %arg7[%dma_wait3A_306, %dma_wait3A_307] : memref<63x80xi32, #tpu.memory_space<vmem>> -> memref<1x80xi32, #tpu.memory_space<vmem>>
    %dma_wait3A_309 = tpu.memref_squeeze %dma_wait3A_308 : memref<1x80xi32, #tpu.memory_space<vmem>> -> memref<80xi32, #tpu.memory_space<vmem>>
    %dma_wait3A_310 = arith.constant 0 : i32
    %dma_wait3A_311 = arith.constant 0 : i32
    %dma_wait3A_312 = tpu.memref_slice %arg17[%dma_wait3A_310, %dma_wait3A_311] : memref<10112x128xf32, #tpu.memory_space<vmem_shared>> -> memref<10112x128xf32, #tpu.memory_space<vmem_shared>>
    tpu.wait_indirect_dma semaphore(%arg14 : memref<!tpu.dma_semaphore, #tpu.memory_space<semaphore_mem>>) src(%arg8 : memref<80x128xf32, #tpu.memory_space<vmem>>) dst(%dma_wait3A_312 : memref<10112x128xf32, #tpu.memory_space<vmem_shared>>)
    %dma_wait3A_313 = arith.constant 61 : i32
    %dma_wait3A_314 = arith.constant 0 : i32
    %dma_wait3A_315 = tpu.memref_slice %arg6[%dma_wait3A_313, %dma_wait3A_314] : memref<63x80xi32, #tpu.memory_space<vmem>> -> memref<1x80xi32, #tpu.memory_space<vmem>>
    %dma_wait3A_316 = tpu.memref_squeeze %dma_wait3A_315 : memref<1x80xi32, #tpu.memory_space<vmem>> -> memref<80xi32, #tpu.memory_space<vmem>>
    %dma_wait3A_317 = arith.constant 0 : i32
    %dma_wait3A_318 = arith.constant 0 : i32
    %dma_wait3A_319 = tpu.memref_slice %arg2[%dma_wait3A_317, %dma_wait3A_318] : memref<20224x128xf32, #tpu.memory_space<hbm>> -> memref<20224x128xf32, #tpu.memory_space<hbm>>
    tpu.wait_indirect_dma semaphore(%arg12 : memref<!tpu.dma_semaphore, #tpu.memory_space<semaphore_mem>>) src(%dma_wait3A_319 : memref<20224x128xf32, #tpu.memory_space<hbm>>) dst(%arg9 : memref<80x128xf32, #tpu.memory_space<vmem>>)
    %dma_start3A_320 = arith.constant 61 : i32
    %dma_start3A_321 = arith.constant 0 : i32
    %dma_start3A_322 = tpu.memref_slice %arg7[%dma_start3A_320, %dma_start3A_321] : memref<63x80xi32, #tpu.memory_space<vmem>> -> memref<1x80xi32, #tpu.memory_space<vmem>>
    %dma_start3A_323 = tpu.memref_squeeze %dma_start3A_322 : memref<1x80xi32, #tpu.memory_space<vmem>> -> memref<80xi32, #tpu.memory_space<vmem>>
    %dma_start3A_324 = arith.constant 0 : i32
    %dma_start3A_325 = arith.constant 0 : i32
    %dma_start3A_326 = tpu.memref_slice %arg17[%dma_start3A_324, %dma_start3A_325] : memref<10112x128xf32, #tpu.memory_space<vmem_shared>> -> memref<10112x128xf32, #tpu.memory_space<vmem_shared>>
    tpu.enqueue_indirect_dma source(%arg9 : memref<80x128xf32, #tpu.memory_space<vmem>>) target(%dma_start3A_326 : memref<10112x128xf32, #tpu.memory_space<vmem_shared>>) offsets(%dma_start3A_323 : memref<80xi32, #tpu.memory_space<vmem>>) semaphore(%arg15 : memref<!tpu.dma_semaphore, #tpu.memory_space<semaphore_mem>>) {add = true}
    %dma_wait3A_327 = arith.constant 61 : i32
    %dma_wait3A_328 = arith.constant 0 : i32
    %dma_wait3A_329 = tpu.memref_slice %arg7[%dma_wait3A_327, %dma_wait3A_328] : memref<63x80xi32, #tpu.memory_space<vmem>> -> memref<1x80xi32, #tpu.memory_space<vmem>>
    %dma_wait3A_330 = tpu.memref_squeeze %dma_wait3A_329 : memref<1x80xi32, #tpu.memory_space<vmem>> -> memref<80xi32, #tpu.memory_space<vmem>>
    %dma_wait3A_331 = arith.constant 0 : i32
    %dma_wait3A_332 = arith.constant 0 : i32
    %dma_wait3A_333 = tpu.memref_slice %arg17[%dma_wait3A_331, %dma_wait3A_332] : memref<10112x128xf32, #tpu.memory_space<vmem_shared>> -> memref<10112x128xf32, #tpu.memory_space<vmem_shared>>
    tpu.wait_indirect_dma semaphore(%arg15 : memref<!tpu.dma_semaphore, #tpu.memory_space<semaphore_mem>>) src(%arg9 : memref<80x128xf32, #tpu.memory_space<vmem>>) dst(%dma_wait3A_333 : memref<10112x128xf32, #tpu.memory_space<vmem_shared>>)
    %dma_wait3A_334 = arith.constant 62 : i32
    %dma_wait3A_335 = arith.constant 0 : i32
    %dma_wait3A_336 = tpu.memref_slice %arg6[%dma_wait3A_334, %dma_wait3A_335] : memref<63x80xi32, #tpu.memory_space<vmem>> -> memref<1x80xi32, #tpu.memory_space<vmem>>
    %dma_wait3A_337 = tpu.memref_squeeze %dma_wait3A_336 : memref<1x80xi32, #tpu.memory_space<vmem>> -> memref<80xi32, #tpu.memory_space<vmem>>
    %dma_wait3A_338 = arith.constant 0 : i32
    %dma_wait3A_339 = arith.constant 0 : i32
    %dma_wait3A_340 = tpu.memref_slice %arg2[%dma_wait3A_338, %dma_wait3A_339] : memref<20224x128xf32, #tpu.memory_space<hbm>> -> memref<20224x128xf32, #tpu.memory_space<hbm>>
    tpu.wait_indirect_dma semaphore(%arg13 : memref<!tpu.dma_semaphore, #tpu.memory_space<semaphore_mem>>) src(%dma_wait3A_340 : memref<20224x128xf32, #tpu.memory_space<hbm>>) dst(%arg10 : memref<80x128xf32, #tpu.memory_space<vmem>>)
    %dma_start3A_341 = arith.constant 62 : i32
    %dma_start3A_342 = arith.constant 0 : i32
    %dma_start3A_343 = tpu.memref_slice %arg7[%dma_start3A_341, %dma_start3A_342] : memref<63x80xi32, #tpu.memory_space<vmem>> -> memref<1x80xi32, #tpu.memory_space<vmem>>
    %dma_start3A_344 = tpu.memref_squeeze %dma_start3A_343 : memref<1x80xi32, #tpu.memory_space<vmem>> -> memref<80xi32, #tpu.memory_space<vmem>>
    %dma_start3A_345 = arith.constant 0 : i32
    %dma_start3A_346 = arith.constant 0 : i32
    %dma_start3A_347 = tpu.memref_slice %arg17[%dma_start3A_345, %dma_start3A_346] : memref<10112x128xf32, #tpu.memory_space<vmem_shared>> -> memref<10112x128xf32, #tpu.memory_space<vmem_shared>>
    tpu.enqueue_indirect_dma source(%arg10 : memref<80x128xf32, #tpu.memory_space<vmem>>) target(%dma_start3A_347 : memref<10112x128xf32, #tpu.memory_space<vmem_shared>>) offsets(%dma_start3A_344 : memref<80xi32, #tpu.memory_space<vmem>>) semaphore(%arg16 : memref<!tpu.dma_semaphore, #tpu.memory_space<semaphore_mem>>) {add = true}
    %dma_wait3A_348 = arith.constant 62 : i32
    %dma_wait3A_349 = arith.constant 0 : i32
    %dma_wait3A_350 = tpu.memref_slice %arg7[%dma_wait3A_348, %dma_wait3A_349] : memref<63x80xi32, #tpu.memory_space<vmem>> -> memref<1x80xi32, #tpu.memory_space<vmem>>
    %dma_wait3A_351 = tpu.memref_squeeze %dma_wait3A_350 : memref<1x80xi32, #tpu.memory_space<vmem>> -> memref<80xi32, #tpu.memory_space<vmem>>
    %dma_wait3A_352 = arith.constant 0 : i32
    %dma_wait3A_353 = arith.constant 0 : i32
    %dma_wait3A_354 = tpu.memref_slice %arg17[%dma_wait3A_352, %dma_wait3A_353] : memref<10112x128xf32, #tpu.memory_space<vmem_shared>> -> memref<10112x128xf32, #tpu.memory_space<vmem_shared>>
    tpu.wait_indirect_dma semaphore(%arg16 : memref<!tpu.dma_semaphore, #tpu.memory_space<semaphore_mem>>) src(%arg10 : memref<80x128xf32, #tpu.memory_space<vmem>>) dst(%dma_wait3A_354 : memref<10112x128xf32, #tpu.memory_space<vmem_shared>>)
    %barrier3A_355 = arith.constant 0 : index
    tpu.barrier barrier_id(%barrier3A_355)
    %mul3A_356 = arith.constant 632 : i32
    %mul3A_357 = arith.muli %arg1, %mul3A_356 : i32
    "tpu.region"() ({
      %run_scoped3A_358 = tpu.sem_alloc : memref<!tpu.dma_semaphore, #tpu.memory_space<semaphore_mem>>
      %dma_start3A_359 = arith.constant 0 : i32
      %dma_start3A_360 = tpu.memref_slice %arg5[%add3A, %dma_start3A_359] : memref<20224x128xf32, #tpu.memory_space<hbm>> -> memref<632x128xf32, #tpu.memory_space<hbm>>
      %dma_start3A_361 = arith.constant 0 : i32
      %dma_start3A_362 = tpu.memref_slice %arg17[%mul3A_357, %dma_start3A_361] : memref<10112x128xf32, #tpu.memory_space<vmem_shared>> -> memref<632x128xf32, #tpu.memory_space<vmem_shared>>
      tpu.enqueue_dma source(%dma_start3A_362 : memref<632x128xf32, #tpu.memory_space<vmem_shared>>) target(%dma_start3A_360 : memref<632x128xf32, #tpu.memory_space<hbm>>) target_semaphore(%run_scoped3A_358 : memref<!tpu.dma_semaphore, #tpu.memory_space<semaphore_mem>>)
      %dma_wait3A_363 = arith.constant 0 : i32
      %dma_wait3A_364 = tpu.memref_slice %arg5[%add3A, %dma_wait3A_363] : memref<20224x128xf32, #tpu.memory_space<hbm>> -> memref<632x128xf32, #tpu.memory_space<hbm>>
      %dma_wait3A_365 = arith.constant 0 : i32
      %dma_wait3A_366 = tpu.memref_slice %arg17[%mul3A_357, %dma_wait3A_365] : memref<10112x128xf32, #tpu.memory_space<vmem_shared>> -> memref<632x128xf32, #tpu.memory_space<vmem_shared>>
      tpu.wait_dma2 semaphore(%run_scoped3A_358 : memref<!tpu.dma_semaphore, #tpu.memory_space<semaphore_mem>>) src(%dma_wait3A_366 : memref<632x128xf32, #tpu.memory_space<vmem_shared>>) dst(%dma_wait3A_364 : memref<632x128xf32, #tpu.memory_space<hbm>>)
      tpu.yield
    }) : () -> ()
    return
  }
}

#map = affine_map<(d0, d1) -> (0, 0)>
#map1 = affine_map<(d0, d1) -> (0, 0, 0, 0)>
module attributes {stable_mosaic.version = 14 : i64} {
  func.func @deg_kernel(%arg0: i32, %arg1: i32, %arg2: memref<632x128xf32, #tpu.memory_space<hbm>>, %arg3: memref<16x2x63x80xi32, #tpu.memory_space<hbm>>, %arg4: memref<20224x128xf32, #tpu.memory_space<hbm>>, %arg5: memref<63x80xi32, #tpu.memory_space<vmem>>, %arg6: memref<80x128xf32, #tpu.memory_space<vmem>>, %arg7: memref<!tpu.dma_semaphore, #tpu.memory_space<semaphore_mem>>, %arg8: memref<!tpu.dma_semaphore, #tpu.memory_space<semaphore_mem>>, %arg9: memref<!tpu.dma_semaphore, #tpu.memory_space<semaphore_mem>>, %arg10: memref<10112x128xf32, #tpu.memory_space<vmem_shared>>) attributes {dimension_semantics = [#tpu.dimension_semantics<core_parallel>, #tpu.dimension_semantics<subcore_parallel>], iteration_bounds = array<i64: 2, 16>, scalar_prefetch = 0 : i64, scratch_operands = 6 : i64, tpu.core_type = #tpu.core_type<sc_vector_subcore>, window_params = [{transform_indices = #map}, {transform_indices = #map1}, {transform_indices = #map}]} {
    "tpu.region"() ({
      %run_scoped3A = tpu.sem_alloc : memref<!tpu.dma_semaphore, #tpu.memory_space<semaphore_mem>>
      %dma_start3A = arith.constant 0 : i32
      %dma_start3A_10 = arith.constant 0 : i32
      %dma_start3A_11 = tpu.memref_slice %arg3[%arg1, %arg0, %dma_start3A, %dma_start3A_10] : memref<16x2x63x80xi32, #tpu.memory_space<hbm>> -> memref<1x1x63x80xi32, #tpu.memory_space<hbm>>
      %dma_start3A_12 = tpu.memref_squeeze %dma_start3A_11 : memref<1x1x63x80xi32, #tpu.memory_space<hbm>> -> memref<63x80xi32, #tpu.memory_space<hbm>>
      %dma_start3A_13 = arith.constant 0 : i32
      %dma_start3A_14 = arith.constant 0 : i32
      %dma_start3A_15 = tpu.memref_slice %arg3[%arg1, %arg0, %dma_start3A_13, %dma_start3A_14] : memref<16x2x63x80xi32, #tpu.memory_space<hbm>> -> memref<1x1x63x80xi32, #tpu.memory_space<hbm>>
      %dma_start3A_16 = tpu.memref_squeeze %dma_start3A_15 : memref<1x1x63x80xi32, #tpu.memory_space<hbm>> -> memref<63x80xi32, #tpu.memory_space<hbm>>
      tpu.enqueue_dma source(%dma_start3A_16 : memref<63x80xi32, #tpu.memory_space<hbm>>) target(%arg5 : memref<63x80xi32, #tpu.memory_space<vmem>>) target_semaphore(%run_scoped3A : memref<!tpu.dma_semaphore, #tpu.memory_space<semaphore_mem>>)
      %dma_wait3A = arith.constant 0 : i32
      %dma_wait3A_17 = arith.constant 0 : i32
      %dma_wait3A_18 = tpu.memref_slice %arg3[%arg1, %arg0, %dma_wait3A, %dma_wait3A_17] : memref<16x2x63x80xi32, #tpu.memory_space<hbm>> -> memref<1x1x63x80xi32, #tpu.memory_space<hbm>>
      %dma_wait3A_19 = tpu.memref_squeeze %dma_wait3A_18 : memref<1x1x63x80xi32, #tpu.memory_space<hbm>> -> memref<63x80xi32, #tpu.memory_space<hbm>>
      %dma_wait3A_20 = arith.constant 0 : i32
      %dma_wait3A_21 = arith.constant 0 : i32
      %dma_wait3A_22 = tpu.memref_slice %arg3[%arg1, %arg0, %dma_wait3A_20, %dma_wait3A_21] : memref<16x2x63x80xi32, #tpu.memory_space<hbm>> -> memref<1x1x63x80xi32, #tpu.memory_space<hbm>>
      %dma_wait3A_23 = tpu.memref_squeeze %dma_wait3A_22 : memref<1x1x63x80xi32, #tpu.memory_space<hbm>> -> memref<63x80xi32, #tpu.memory_space<hbm>>
      tpu.wait_dma2 semaphore(%run_scoped3A : memref<!tpu.dma_semaphore, #tpu.memory_space<semaphore_mem>>) src(%dma_wait3A_23 : memref<63x80xi32, #tpu.memory_space<hbm>>) dst(%arg5 : memref<63x80xi32, #tpu.memory_space<vmem>>)
      tpu.yield
    }) : () -> ()
    "tpu.region"() ({
      %run_scoped3A = tpu.sem_alloc : memref<!tpu.dma_semaphore, #tpu.memory_space<semaphore_mem>>
      %dma_start3A = arith.constant 0 : i32
      %dma_start3A_10 = arith.constant 0 : i32
      %dma_start3A_11 = tpu.memref_slice %arg2[%dma_start3A, %dma_start3A_10] : memref<632x128xf32, #tpu.memory_space<hbm>> -> memref<80x128xf32, #tpu.memory_space<hbm>>
      %dma_start3A_12 = arith.constant 0 : i32
      %dma_start3A_13 = arith.constant 0 : i32
      %dma_start3A_14 = tpu.memref_slice %arg2[%dma_start3A_12, %dma_start3A_13] : memref<632x128xf32, #tpu.memory_space<hbm>> -> memref<80x128xf32, #tpu.memory_space<hbm>>
      tpu.enqueue_dma source(%dma_start3A_14 : memref<80x128xf32, #tpu.memory_space<hbm>>) target(%arg6 : memref<80x128xf32, #tpu.memory_space<vmem>>) target_semaphore(%run_scoped3A : memref<!tpu.dma_semaphore, #tpu.memory_space<semaphore_mem>>)
      %dma_wait3A = arith.constant 0 : i32
      %dma_wait3A_15 = arith.constant 0 : i32
      %dma_wait3A_16 = tpu.memref_slice %arg2[%dma_wait3A, %dma_wait3A_15] : memref<632x128xf32, #tpu.memory_space<hbm>> -> memref<80x128xf32, #tpu.memory_space<hbm>>
      %dma_wait3A_17 = arith.constant 0 : i32
      %dma_wait3A_18 = arith.constant 0 : i32
      %dma_wait3A_19 = tpu.memref_slice %arg2[%dma_wait3A_17, %dma_wait3A_18] : memref<632x128xf32, #tpu.memory_space<hbm>> -> memref<80x128xf32, #tpu.memory_space<hbm>>
      tpu.wait_dma2 semaphore(%run_scoped3A : memref<!tpu.dma_semaphore, #tpu.memory_space<semaphore_mem>>) src(%dma_wait3A_19 : memref<80x128xf32, #tpu.memory_space<hbm>>) dst(%arg6 : memref<80x128xf32, #tpu.memory_space<vmem>>)
      tpu.yield
    }) : () -> ()
    %mul3A = arith.constant 632 : i32
    %mul3A_0 = arith.muli %arg1, %mul3A : i32
    "tpu.region"() ({
      %run_scoped3A = tpu.sem_alloc : memref<!tpu.dma_semaphore, #tpu.memory_space<semaphore_mem>>
      %dma_start3A = arith.constant 0 : i32
      %dma_start3A_10 = tpu.memref_slice %arg10[%mul3A_0, %dma_start3A] : memref<10112x128xf32, #tpu.memory_space<vmem_shared>> -> memref<632x128xf32, #tpu.memory_space<vmem_shared>>
      tpu.enqueue_dma source(%arg2 : memref<632x128xf32, #tpu.memory_space<hbm>>) target(%dma_start3A_10 : memref<632x128xf32, #tpu.memory_space<vmem_shared>>) target_semaphore(%run_scoped3A : memref<!tpu.dma_semaphore, #tpu.memory_space<semaphore_mem>>)
      %dma_wait3A = arith.constant 0 : i32
      %dma_wait3A_11 = tpu.memref_slice %arg10[%mul3A_0, %dma_wait3A] : memref<10112x128xf32, #tpu.memory_space<vmem_shared>> -> memref<632x128xf32, #tpu.memory_space<vmem_shared>>
      tpu.wait_dma2 semaphore(%run_scoped3A : memref<!tpu.dma_semaphore, #tpu.memory_space<semaphore_mem>>) src(%arg2 : memref<632x128xf32, #tpu.memory_space<hbm>>) dst(%dma_wait3A_11 : memref<632x128xf32, #tpu.memory_space<vmem_shared>>)
      tpu.yield
    }) : () -> ()
    %barrier3A = arith.constant 0 : index
    tpu.barrier barrier_id(%barrier3A)
    %scan3A = arith.constant 0 : i32
    %scan3A_1 = arith.constant 0 : i32
    %scan3A_2 = arith.constant 21 : i32
    %scan3A_3 = arith.addi %scan3A_1, %scan3A_2 : i32
    %scan3A_4 = arith.constant 1 : i32
    %scan3A_5 = scf.for %scan3A_10 = %scan3A_1 to %scan3A_3 step %scan3A_4 iter_args(%scan3A_11 = %scan3A) -> (i32)  : i32 {
      %mul3A_12 = arith.constant 3 : i32
      %mul3A_13 = arith.muli %mul3A_12, %scan3A_10 : i32
      %add3A_14 = arith.constant 0 : i32
      %add3A_15 = arith.addi %mul3A_13, %add3A_14 : i32
      %dma_start3A = arith.constant 0 : i32
      %dma_start3A_16 = tpu.memref_slice %arg5[%add3A_15, %dma_start3A] : memref<63x80xi32, #tpu.memory_space<vmem>> -> memref<1x80xi32, #tpu.memory_space<vmem>>
      %dma_start3A_17 = tpu.memref_squeeze %dma_start3A_16 : memref<1x80xi32, #tpu.memory_space<vmem>> -> memref<80xi32, #tpu.memory_space<vmem>>
      %dma_start3A_18 = arith.constant 0 : i32
      %dma_start3A_19 = arith.constant 0 : i32
      %dma_start3A_20 = tpu.memref_slice %arg10[%dma_start3A_18, %dma_start3A_19] : memref<10112x128xf32, #tpu.memory_space<vmem_shared>> -> memref<10112x128xf32, #tpu.memory_space<vmem_shared>>
      tpu.enqueue_indirect_dma source(%arg6 : memref<80x128xf32, #tpu.memory_space<vmem>>) target(%dma_start3A_20 : memref<10112x128xf32, #tpu.memory_space<vmem_shared>>) offsets(%dma_start3A_17 : memref<80xi32, #tpu.memory_space<vmem>>) semaphore(%arg7 : memref<!tpu.dma_semaphore, #tpu.memory_space<semaphore_mem>>) {add = true}
      %add3A_21 = arith.constant 1 : i32
      %add3A_22 = arith.addi %mul3A_13, %add3A_21 : i32
      %dma_start3A_23 = arith.constant 0 : i32
      %dma_start3A_24 = tpu.memref_slice %arg5[%add3A_22, %dma_start3A_23] : memref<63x80xi32, #tpu.memory_space<vmem>> -> memref<1x80xi32, #tpu.memory_space<vmem>>
      %dma_start3A_25 = tpu.memref_squeeze %dma_start3A_24 : memref<1x80xi32, #tpu.memory_space<vmem>> -> memref<80xi32, #tpu.memory_space<vmem>>
      %dma_start3A_26 = arith.constant 0 : i32
      %dma_start3A_27 = arith.constant 0 : i32
      %dma_start3A_28 = tpu.memref_slice %arg10[%dma_start3A_26, %dma_start3A_27] : memref<10112x128xf32, #tpu.memory_space<vmem_shared>> -> memref<10112x128xf32, #tpu.memory_space<vmem_shared>>
      tpu.enqueue_indirect_dma source(%arg6 : memref<80x128xf32, #tpu.memory_space<vmem>>) target(%dma_start3A_28 : memref<10112x128xf32, #tpu.memory_space<vmem_shared>>) offsets(%dma_start3A_25 : memref<80xi32, #tpu.memory_space<vmem>>) semaphore(%arg8 : memref<!tpu.dma_semaphore, #tpu.memory_space<semaphore_mem>>) {add = true}
      %add3A_29 = arith.constant 2 : i32
      %add3A_30 = arith.addi %mul3A_13, %add3A_29 : i32
      %dma_start3A_31 = arith.constant 0 : i32
      %dma_start3A_32 = tpu.memref_slice %arg5[%add3A_30, %dma_start3A_31] : memref<63x80xi32, #tpu.memory_space<vmem>> -> memref<1x80xi32, #tpu.memory_space<vmem>>
      %dma_start3A_33 = tpu.memref_squeeze %dma_start3A_32 : memref<1x80xi32, #tpu.memory_space<vmem>> -> memref<80xi32, #tpu.memory_space<vmem>>
      %dma_start3A_34 = arith.constant 0 : i32
      %dma_start3A_35 = arith.constant 0 : i32
      %dma_start3A_36 = tpu.memref_slice %arg10[%dma_start3A_34, %dma_start3A_35] : memref<10112x128xf32, #tpu.memory_space<vmem_shared>> -> memref<10112x128xf32, #tpu.memory_space<vmem_shared>>
      tpu.enqueue_indirect_dma source(%arg6 : memref<80x128xf32, #tpu.memory_space<vmem>>) target(%dma_start3A_36 : memref<10112x128xf32, #tpu.memory_space<vmem_shared>>) offsets(%dma_start3A_33 : memref<80xi32, #tpu.memory_space<vmem>>) semaphore(%arg9 : memref<!tpu.dma_semaphore, #tpu.memory_space<semaphore_mem>>) {add = true}
      %add3A_37 = arith.constant 0 : i32
      %add3A_38 = arith.addi %mul3A_13, %add3A_37 : i32
      %dma_wait3A = arith.constant 0 : i32
      %dma_wait3A_39 = tpu.memref_slice %arg5[%add3A_38, %dma_wait3A] : memref<63x80xi32, #tpu.memory_space<vmem>> -> memref<1x80xi32, #tpu.memory_space<vmem>>
      %dma_wait3A_40 = tpu.memref_squeeze %dma_wait3A_39 : memref<1x80xi32, #tpu.memory_space<vmem>> -> memref<80xi32, #tpu.memory_space<vmem>>
      %dma_wait3A_41 = arith.constant 0 : i32
      %dma_wait3A_42 = arith.constant 0 : i32
      %dma_wait3A_43 = tpu.memref_slice %arg10[%dma_wait3A_41, %dma_wait3A_42] : memref<10112x128xf32, #tpu.memory_space<vmem_shared>> -> memref<10112x128xf32, #tpu.memory_space<vmem_shared>>
      tpu.wait_indirect_dma semaphore(%arg7 : memref<!tpu.dma_semaphore, #tpu.memory_space<semaphore_mem>>) src(%arg6 : memref<80x128xf32, #tpu.memory_space<vmem>>) dst(%dma_wait3A_43 : memref<10112x128xf32, #tpu.memory_space<vmem_shared>>)
      %add3A_44 = arith.constant 1 : i32
      %add3A_45 = arith.addi %mul3A_13, %add3A_44 : i32
      %dma_wait3A_46 = arith.constant 0 : i32
      %dma_wait3A_47 = tpu.memref_slice %arg5[%add3A_45, %dma_wait3A_46] : memref<63x80xi32, #tpu.memory_space<vmem>> -> memref<1x80xi32, #tpu.memory_space<vmem>>
      %dma_wait3A_48 = tpu.memref_squeeze %dma_wait3A_47 : memref<1x80xi32, #tpu.memory_space<vmem>> -> memref<80xi32, #tpu.memory_space<vmem>>
      %dma_wait3A_49 = arith.constant 0 : i32
      %dma_wait3A_50 = arith.constant 0 : i32
      %dma_wait3A_51 = tpu.memref_slice %arg10[%dma_wait3A_49, %dma_wait3A_50] : memref<10112x128xf32, #tpu.memory_space<vmem_shared>> -> memref<10112x128xf32, #tpu.memory_space<vmem_shared>>
      tpu.wait_indirect_dma semaphore(%arg8 : memref<!tpu.dma_semaphore, #tpu.memory_space<semaphore_mem>>) src(%arg6 : memref<80x128xf32, #tpu.memory_space<vmem>>) dst(%dma_wait3A_51 : memref<10112x128xf32, #tpu.memory_space<vmem_shared>>)
      %add3A_52 = arith.constant 2 : i32
      %add3A_53 = arith.addi %mul3A_13, %add3A_52 : i32
      %dma_wait3A_54 = arith.constant 0 : i32
      %dma_wait3A_55 = tpu.memref_slice %arg5[%add3A_53, %dma_wait3A_54] : memref<63x80xi32, #tpu.memory_space<vmem>> -> memref<1x80xi32, #tpu.memory_space<vmem>>
      %dma_wait3A_56 = tpu.memref_squeeze %dma_wait3A_55 : memref<1x80xi32, #tpu.memory_space<vmem>> -> memref<80xi32, #tpu.memory_space<vmem>>
      %dma_wait3A_57 = arith.constant 0 : i32
      %dma_wait3A_58 = arith.constant 0 : i32
      %dma_wait3A_59 = tpu.memref_slice %arg10[%dma_wait3A_57, %dma_wait3A_58] : memref<10112x128xf32, #tpu.memory_space<vmem_shared>> -> memref<10112x128xf32, #tpu.memory_space<vmem_shared>>
      tpu.wait_indirect_dma semaphore(%arg9 : memref<!tpu.dma_semaphore, #tpu.memory_space<semaphore_mem>>) src(%arg6 : memref<80x128xf32, #tpu.memory_space<vmem>>) dst(%dma_wait3A_59 : memref<10112x128xf32, #tpu.memory_space<vmem_shared>>)
      %scan3A_60 = arith.constant 0 : i32
      scf.yield %scan3A_60 : i32
    }
    %scan3A_6 = arith.constant 21 : i32
    %barrier3A_7 = arith.constant 0 : index
    tpu.barrier barrier_id(%barrier3A_7)
    %mul3A_8 = arith.constant 10112 : i32
    %mul3A_9 = arith.muli %arg0, %mul3A_8 : i32
    %add3A = arith.addi %mul3A_9, %mul3A_0 : i32
    "tpu.region"() ({
      %run_scoped3A = tpu.sem_alloc : memref<!tpu.dma_semaphore, #tpu.memory_space<semaphore_mem>>
      %dma_start3A = arith.constant 0 : i32
      %dma_start3A_10 = tpu.memref_slice %arg4[%add3A, %dma_start3A] : memref<20224x128xf32, #tpu.memory_space<hbm>> -> memref<632x128xf32, #tpu.memory_space<hbm>>
      %dma_start3A_11 = arith.constant 0 : i32
      %dma_start3A_12 = tpu.memref_slice %arg10[%mul3A_0, %dma_start3A_11] : memref<10112x128xf32, #tpu.memory_space<vmem_shared>> -> memref<632x128xf32, #tpu.memory_space<vmem_shared>>
      tpu.enqueue_dma source(%dma_start3A_12 : memref<632x128xf32, #tpu.memory_space<vmem_shared>>) target(%dma_start3A_10 : memref<632x128xf32, #tpu.memory_space<hbm>>) target_semaphore(%run_scoped3A : memref<!tpu.dma_semaphore, #tpu.memory_space<semaphore_mem>>)
      %dma_wait3A = arith.constant 0 : i32
      %dma_wait3A_13 = tpu.memref_slice %arg4[%add3A, %dma_wait3A] : memref<20224x128xf32, #tpu.memory_space<hbm>> -> memref<632x128xf32, #tpu.memory_space<hbm>>
      %dma_wait3A_14 = arith.constant 0 : i32
      %dma_wait3A_15 = tpu.memref_slice %arg10[%mul3A_0, %dma_wait3A_14] : memref<10112x128xf32, #tpu.memory_space<vmem_shared>> -> memref<632x128xf32, #tpu.memory_space<vmem_shared>>
      tpu.wait_dma2 semaphore(%run_scoped3A : memref<!tpu.dma_semaphore, #tpu.memory_space<semaphore_mem>>) src(%dma_wait3A_15 : memref<632x128xf32, #tpu.memory_space<vmem_shared>>) dst(%dma_wait3A_13 : memref<632x128xf32, #tpu.memory_space<hbm>>)
      tpu.yield
    }) : () -> ()
    return
  }
}

module attributes {stable_mosaic.version = 14 : i64} {
  func.func @body(%arg0: i32, %arg1: memref<2x2000x128xf32, #tpu.memory_space<vmem>>, %arg2: memref<2000x256xf32, #tpu.memory_space<vmem>>, %arg3: memref<2000x8xf32, #tpu.memory_space<vmem>>, %arg4: memref<2x2000x128xf32, #tpu.memory_space<vmem>>) attributes {dimension_semantics = [#tpu.dimension_semantics<arbitrary>], iteration_bounds = array<i64: 5>, scalar_prefetch = 0 : i64, scratch_operands = 0 : i64, tpu.core_type = #tpu.core_type<tc>, window_params = [{transform_indices = @transform_0, window_bounds = array<i64: 2, 2000, 128>}, {transform_indices = @transform_1, window_bounds = array<i64: 2000, 256>}, {transform_indices = @transform_2, window_bounds = array<i64: 2000, 8>}, {transform_indices = @transform_3, window_bounds = array<i64: 2, 2000, 128>}]} {
    %get3A = arith.constant 0 : index
    %get3A_0 = arith.constant 0 : index
    %get3A_1 = arith.constant 0 : index
    %get3A_2 = vector.load %arg1[%get3A, %get3A_0, %get3A_1] : memref<2x2000x128xf32, #tpu.memory_space<vmem>>, vector<1x2000x128xf32>
    %get3A_3 = vector.shape_cast %get3A_2 : vector<1x2000x128xf32> to vector<2000x128xf32>
    %slice3A = vector.extract_strided_slice %get3A_3 {offsets = [0, 0], sizes = [2000, 1], strides = [1, 1]} : vector<2000x128xf32> to vector<2000x1xf32>
    %get3A_4 = arith.constant 1 : index
    %get3A_5 = arith.constant 0 : index
    %get3A_6 = arith.constant 0 : index
    %get3A_7 = vector.load %arg1[%get3A_4, %get3A_5, %get3A_6] : memref<2x2000x128xf32, #tpu.memory_space<vmem>>, vector<1x2000x128xf32>
    %get3A_8 = vector.shape_cast %get3A_7 : vector<1x2000x128xf32> to vector<2000x128xf32>
    %slice3A_9 = vector.extract_strided_slice %get3A_8 {offsets = [0, 0], sizes = [2000, 1], strides = [1, 1]} : vector<2000x128xf32> to vector<2000x1xf32>
    %add3A = arith.addf %slice3A, %slice3A_9 : vector<2000x1xf32>
    %sub3A = arith.constant 1.000000e+00 : f32
    %sub3A_10 = vector.broadcast %sub3A : f32 to vector<2000x1xf32>
    %sub3A_11 = arith.subf %add3A, %sub3A_10 : vector<2000x1xf32>
    %rsqrt3A = math.rsqrt %sub3A_11 : vector<2000x1xf32>
    %broadcast_in_dim3A = vector.shape_cast %rsqrt3A : vector<2000x1xf32> to vector<2000x1xf32>
    %broadcast_in_dim3A_12 = vector.broadcast %broadcast_in_dim3A : vector<2000x1xf32> to vector<2000x8xf32>
    %swap3A = arith.constant 0 : index
    %swap3A_13 = arith.constant 0 : index
    %swap3A_14 = vector.load %arg3[%swap3A, %swap3A_13] : memref<2000x8xf32, #tpu.memory_space<vmem>>, vector<2000x8xf32>
    tpu.vector_store %arg3[%swap3A, %swap3A_13], %broadcast_in_dim3A_12 {strides = array<i32>} : memref<2000x8xf32, #tpu.memory_space<vmem>>, vector<2000x8xf32>,
    %get3A_15 = arith.constant 0 : index
    %get3A_16 = arith.constant 0 : index
    %get3A_17 = vector.load %arg2[%get3A_15, %get3A_16] : memref<2000x256xf32, #tpu.memory_space<vmem>>, vector<2000x256xf32>
    %mul3A = vector.broadcast %rsqrt3A : vector<2000x1xf32> to vector<2000x256xf32>
    %mul3A_18 = arith.mulf %get3A_17, %mul3A : vector<2000x256xf32>
    %slice3A_19 = vector.extract_strided_slice %mul3A_18 {offsets = [0, 0], sizes = [2000, 128], strides = [1, 1]} : vector<2000x256xf32> to vector<2000x128xf32>
    %swap3A_20 = arith.constant 0 : index
    %swap3A_21 = arith.constant 0 : index
    %swap3A_22 = arith.constant 0 : index
    %swap3A_23 = vector.load %arg4[%swap3A_20, %swap3A_21, %swap3A_22] : memref<2x2000x128xf32, #tpu.memory_space<vmem>>, vector<1x2000x128xf32>
    %swap3A_24 = vector.shape_cast %swap3A_23 : vector<1x2000x128xf32> to vector<2000x128xf32>
    %swap3A_25 = vector.shape_cast %slice3A_19 : vector<2000x128xf32> to vector<1x2000x128xf32>
    tpu.vector_store %arg4[%swap3A_20, %swap3A_21, %swap3A_22], %swap3A_25 {strides = array<i32>} : memref<2x2000x128xf32, #tpu.memory_space<vmem>>, vector<1x2000x128xf32>,
    %slice3A_26 = vector.extract_strided_slice %mul3A_18 {offsets = [0, 128], sizes = [2000, 128], strides = [1, 1]} : vector<2000x256xf32> to vector<2000x128xf32>
    %swap3A_27 = arith.constant 1 : index
    %swap3A_28 = arith.constant 0 : index
    %swap3A_29 = arith.constant 0 : index
    %swap3A_30 = vector.load %arg4[%swap3A_27, %swap3A_28, %swap3A_29] : memref<2x2000x128xf32, #tpu.memory_space<vmem>>, vector<1x2000x128xf32>
    %swap3A_31 = vector.shape_cast %swap3A_30 : vector<1x2000x128xf32> to vector<2000x128xf32>
    %swap3A_32 = vector.shape_cast %slice3A_26 : vector<2000x128xf32> to vector<1x2000x128xf32>
    tpu.vector_store %arg4[%swap3A_27, %swap3A_28, %swap3A_29], %swap3A_32 {strides = array<i32>} : memref<2x2000x128xf32, #tpu.memory_space<vmem>>, vector<1x2000x128xf32>,
    return
  }
  func.func @transform_0(%arg0: i32) -> (i32, i32, i32) {
    %c0_i32 = arith.constant 0 : i32
    %c0_i32_0 = arith.constant 0 : i32
    %c0_i32_1 = arith.constant 0 : i32
    return %c0_i32, %arg0, %c0_i32_0 : i32, i32, i32
  }
  func.func @transform_1(%arg0: i32) -> (i32, i32) {
    %c0_i32 = arith.constant 0 : i32
    %c0_i32_0 = arith.constant 0 : i32
    return %arg0, %c0_i32 : i32, i32
  }
  func.func @transform_2(%arg0: i32) -> (i32, i32) {
    %c0_i32 = arith.constant 0 : i32
    %c0_i32_0 = arith.constant 0 : i32
    return %arg0, %c0_i32 : i32, i32
  }
  func.func @transform_3(%arg0: i32) -> (i32, i32, i32) {
    %c0_i32 = arith.constant 0 : i32
    %c0_i32_0 = arith.constant 0 : i32
    %c0_i32_1 = arith.constant 0 : i32
    return %c0_i32, %arg0, %c0_i32_0 : i32, i32, i32
  }
}

module attributes {stable_mosaic.version = 14 : i64} {
  func.func @body(%arg0: i32, %arg1: memref<2x2000x128xf32, #tpu.memory_space<vmem>>, %arg2: memref<2000x8xf32, #tpu.memory_space<vmem>>, %arg3: memref<256x512xf32, #tpu.memory_space<vmem>>, %arg4: memref<1x512xf32, #tpu.memory_space<vmem>>, %arg5: memref<512x256xf32, #tpu.memory_space<vmem>>, %arg6: memref<2x2000x128xf32, #tpu.memory_space<vmem>>) attributes {dimension_semantics = [#tpu.dimension_semantics<arbitrary>], iteration_bounds = array<i64: 5>, scalar_prefetch = 0 : i64, scratch_operands = 0 : i64, tpu.core_type = #tpu.core_type<tc>, window_params = [{transform_indices = @transform_0, window_bounds = array<i64: 2, 2000, 128>}, {transform_indices = @transform_1, window_bounds = array<i64: 2000, 8>}, {pipeline_mode = #tpu.pipeline_mode<synchronous>, transform_indices = @transform_2, window_bounds = array<i64: 256, 512>}, {pipeline_mode = #tpu.pipeline_mode<synchronous>, transform_indices = @transform_3, window_bounds = array<i64: 1, 512>}, {pipeline_mode = #tpu.pipeline_mode<synchronous>, transform_indices = @transform_4, window_bounds = array<i64: 512, 256>}, {transform_indices = @transform_5, window_bounds = array<i64: 2, 2000, 128>}]} {
    %get3A = arith.constant 0 : index
    %get3A_0 = arith.constant 0 : index
    %get3A_1 = arith.constant 0 : index
    %get3A_2 = vector.load %arg1[%get3A, %get3A_0, %get3A_1] : memref<2x2000x128xf32, #tpu.memory_space<vmem>>, vector<1x2000x128xf32>
    %get3A_3 = vector.shape_cast %get3A_2 : vector<1x2000x128xf32> to vector<2000x128xf32>
    %get3A_4 = arith.constant 1 : index
    %get3A_5 = arith.constant 0 : index
    %get3A_6 = arith.constant 0 : index
    %get3A_7 = vector.load %arg1[%get3A_4, %get3A_5, %get3A_6] : memref<2x2000x128xf32, #tpu.memory_space<vmem>>, vector<1x2000x128xf32>
    %get3A_8 = vector.shape_cast %get3A_7 : vector<1x2000x128xf32> to vector<2000x128xf32>
    %concatenate3A = tpu.concatenate %get3A_3, %get3A_8 in 1 : vector<2000x128xf32>, vector<2000x128xf32> -> vector<2000x256xf32>
    %get3A_9 = arith.constant 0 : index
    %get3A_10 = arith.constant 0 : index
    %get3A_11 = vector.load %arg2[%get3A_9, %get3A_10] : memref<2000x8xf32, #tpu.memory_space<vmem>>, vector<2000x8xf32>
    %slice3A = vector.extract_strided_slice %get3A_11 {offsets = [0, 0], sizes = [2000, 1], strides = [1, 1]} : vector<2000x8xf32> to vector<2000x1xf32>
    %mul3A = vector.broadcast %slice3A : vector<2000x1xf32> to vector<2000x256xf32>
    %mul3A_12 = arith.mulf %concatenate3A, %mul3A : vector<2000x256xf32>
    %get3A_13 = arith.constant 0 : index
    %get3A_14 = arith.constant 0 : index
    %get3A_15 = vector.load %arg3[%get3A_13, %get3A_14] : memref<256x512xf32, #tpu.memory_space<vmem>>, vector<256x512xf32>
    %dot_general3A = arith.constant dense<0.000000e+00> : vector<2000x512xf32>
    %dot_general3A_16 = tpu.matmul %mul3A_12, %get3A_15, %dot_general3A {dimension_numbers = #tpu.dot_dimension_numbers<[1], [0], [0], [1], [0, 0, 1, 1], [], []>, transpose_lhs_hint = false} : vector<2000x256xf32>, vector<256x512xf32>, vector<2000x512xf32> -> vector<2000x512xf32>
    %get3A_17 = arith.constant 0 : index
    %get3A_18 = arith.constant 0 : index
    %get3A_19 = vector.load %arg4[%get3A_17, %get3A_18] : memref<1x512xf32, #tpu.memory_space<vmem>>, vector<1x512xf32>
    %add3A = vector.broadcast %get3A_19 : vector<1x512xf32> to vector<2000x512xf32>
    %add3A_20 = arith.addf %dot_general3A_16, %add3A : vector<2000x512xf32>
    %max3A = arith.constant 0.000000e+00 : f32
    %max3A_21 = vector.broadcast %max3A : f32 to vector<2000x512xf32>
    %max3A_22 = arith.maximumf %add3A_20, %max3A_21 : vector<2000x512xf32>
    %get3A_23 = arith.constant 0 : index
    %get3A_24 = arith.constant 0 : index
    %get3A_25 = vector.load %arg5[%get3A_23, %get3A_24] : memref<512x256xf32, #tpu.memory_space<vmem>>, vector<512x256xf32>
    %dot_general3A_26 = arith.constant dense<0.000000e+00> : vector<2000x256xf32>
    %dot_general3A_27 = tpu.matmul %max3A_22, %get3A_25, %dot_general3A_26 {dimension_numbers = #tpu.dot_dimension_numbers<[1], [0], [0], [1], [0, 0, 1, 1], [], []>, transpose_lhs_hint = false} : vector<2000x512xf32>, vector<512x256xf32>, vector<2000x256xf32> -> vector<2000x256xf32>
    %mul3A_28 = vector.broadcast %slice3A : vector<2000x1xf32> to vector<2000x256xf32>
    %mul3A_29 = arith.mulf %dot_general3A_27, %mul3A_28 : vector<2000x256xf32>
    %slice3A_30 = vector.extract_strided_slice %mul3A_29 {offsets = [0, 0], sizes = [2000, 128], strides = [1, 1]} : vector<2000x256xf32> to vector<2000x128xf32>
    %swap3A = arith.constant 0 : index
    %swap3A_31 = arith.constant 0 : index
    %swap3A_32 = arith.constant 0 : index
    %swap3A_33 = vector.load %arg6[%swap3A, %swap3A_31, %swap3A_32] : memref<2x2000x128xf32, #tpu.memory_space<vmem>>, vector<1x2000x128xf32>
    %swap3A_34 = vector.shape_cast %swap3A_33 : vector<1x2000x128xf32> to vector<2000x128xf32>
    %swap3A_35 = vector.shape_cast %slice3A_30 : vector<2000x128xf32> to vector<1x2000x128xf32>
    tpu.vector_store %arg6[%swap3A, %swap3A_31, %swap3A_32], %swap3A_35 {strides = array<i32>} : memref<2x2000x128xf32, #tpu.memory_space<vmem>>, vector<1x2000x128xf32>,
    %slice3A_36 = vector.extract_strided_slice %mul3A_29 {offsets = [0, 128], sizes = [2000, 128], strides = [1, 1]} : vector<2000x256xf32> to vector<2000x128xf32>
    %swap3A_37 = arith.constant 1 : index
    %swap3A_38 = arith.constant 0 : index
    %swap3A_39 = arith.constant 0 : index
    %swap3A_40 = vector.load %arg6[%swap3A_37, %swap3A_38, %swap3A_39] : memref<2x2000x128xf32, #tpu.memory_space<vmem>>, vector<1x2000x128xf32>
    %swap3A_41 = vector.shape_cast %swap3A_40 : vector<1x2000x128xf32> to vector<2000x128xf32>
    %swap3A_42 = vector.shape_cast %slice3A_36 : vector<2000x128xf32> to vector<1x2000x128xf32>
    tpu.vector_store %arg6[%swap3A_37, %swap3A_38, %swap3A_39], %swap3A_42 {strides = array<i32>} : memref<2x2000x128xf32, #tpu.memory_space<vmem>>, vector<1x2000x128xf32>,
    return
  }
  func.func @transform_0(%arg0: i32) -> (i32, i32, i32) {
    %c0_i32 = arith.constant 0 : i32
    %c0_i32_0 = arith.constant 0 : i32
    %c0_i32_1 = arith.constant 0 : i32
    return %c0_i32, %arg0, %c0_i32_0 : i32, i32, i32
  }
  func.func @transform_1(%arg0: i32) -> (i32, i32) {
    %c0_i32 = arith.constant 0 : i32
    %c0_i32_0 = arith.constant 0 : i32
    return %arg0, %c0_i32 : i32, i32
  }
  func.func @transform_2(%arg0: i32) -> (i32, i32) {
    %c0_i32 = arith.constant 0 : i32
    %c0_i32_0 = arith.constant 0 : i32
    %c0_i32_1 = arith.constant 0 : i32
    return %c0_i32, %c0_i32_0 : i32, i32
  }
  func.func @transform_3(%arg0: i32) -> (i32, i32) {
    %c0_i32 = arith.constant 0 : i32
    %c0_i32_0 = arith.constant 0 : i32
    %c0_i32_1 = arith.constant 0 : i32
    return %c0_i32, %c0_i32_0 : i32, i32
  }
  func.func @transform_4(%arg0: i32) -> (i32, i32) {
    %c0_i32 = arith.constant 0 : i32
    %c0_i32_0 = arith.constant 0 : i32
    %c0_i32_1 = arith.constant 0 : i32
    return %c0_i32, %c0_i32_0 : i32, i32
  }
  func.func @transform_5(%arg0: i32) -> (i32, i32, i32) {
    %c0_i32 = arith.constant 0 : i32
    %c0_i32_0 = arith.constant 0 : i32
    %c0_i32_1 = arith.constant 0 : i32
    return %c0_i32, %arg0, %c0_i32_0 : i32, i32, i32
  }
}

module attributes {stable_mosaic.version = 14 : i64} {
  func.func @body(%arg0: i32, %arg1: memref<2x2000x128xf32, #tpu.memory_space<vmem>>, %arg2: memref<2000x8xf32, #tpu.memory_space<vmem>>, %arg3: memref<1x256xf32, #tpu.memory_space<vmem>>, %arg4: memref<2000x256xf32, #tpu.memory_space<vmem>>) attributes {dimension_semantics = [#tpu.dimension_semantics<arbitrary>], iteration_bounds = array<i64: 5>, scalar_prefetch = 0 : i64, scratch_operands = 0 : i64, tpu.core_type = #tpu.core_type<tc>, window_params = [{transform_indices = @transform_0, window_bounds = array<i64: 2, 2000, 128>}, {transform_indices = @transform_1, window_bounds = array<i64: 2000, 8>}, {pipeline_mode = #tpu.pipeline_mode<synchronous>, transform_indices = @transform_2, window_bounds = array<i64: 1, 256>}, {transform_indices = @transform_3, window_bounds = array<i64: 2000, 256>}]} {
    %get3A = arith.constant 0 : index
    %get3A_0 = arith.constant 0 : index
    %get3A_1 = arith.constant 0 : index
    %get3A_2 = vector.load %arg1[%get3A, %get3A_0, %get3A_1] : memref<2x2000x128xf32, #tpu.memory_space<vmem>>, vector<1x2000x128xf32>
    %get3A_3 = vector.shape_cast %get3A_2 : vector<1x2000x128xf32> to vector<2000x128xf32>
    %get3A_4 = arith.constant 1 : index
    %get3A_5 = arith.constant 0 : index
    %get3A_6 = arith.constant 0 : index
    %get3A_7 = vector.load %arg1[%get3A_4, %get3A_5, %get3A_6] : memref<2x2000x128xf32, #tpu.memory_space<vmem>>, vector<1x2000x128xf32>
    %get3A_8 = vector.shape_cast %get3A_7 : vector<1x2000x128xf32> to vector<2000x128xf32>
    %concatenate3A = tpu.concatenate %get3A_3, %get3A_8 in 1 : vector<2000x128xf32>, vector<2000x128xf32> -> vector<2000x256xf32>
    %get3A_9 = arith.constant 0 : index
    %get3A_10 = arith.constant 0 : index
    %get3A_11 = vector.load %arg2[%get3A_9, %get3A_10] : memref<2000x8xf32, #tpu.memory_space<vmem>>, vector<2000x8xf32>
    %slice3A = vector.extract_strided_slice %get3A_11 {offsets = [0, 0], sizes = [2000, 1], strides = [1, 1]} : vector<2000x8xf32> to vector<2000x1xf32>
    %mul3A = vector.broadcast %slice3A : vector<2000x1xf32> to vector<2000x256xf32>
    %mul3A_12 = arith.mulf %concatenate3A, %mul3A : vector<2000x256xf32>
    %get3A_13 = arith.constant 0 : index
    %get3A_14 = arith.constant 0 : index
    %get3A_15 = vector.load %arg3[%get3A_13, %get3A_14] : memref<1x256xf32, #tpu.memory_space<vmem>>, vector<1x256xf32>
    %add3A = vector.broadcast %get3A_15 : vector<1x256xf32> to vector<2000x256xf32>
    %add3A_16 = arith.addf %mul3A_12, %add3A : vector<2000x256xf32>
    %swap3A = arith.constant 0 : index
    %swap3A_17 = arith.constant 0 : index
    %swap3A_18 = vector.load %arg4[%swap3A, %swap3A_17] : memref<2000x256xf32, #tpu.memory_space<vmem>>, vector<2000x256xf32>
    tpu.vector_store %arg4[%swap3A, %swap3A_17], %add3A_16 {strides = array<i32>} : memref<2000x256xf32, #tpu.memory_space<vmem>>, vector<2000x256xf32>,
    return
  }
  func.func @transform_0(%arg0: i32) -> (i32, i32, i32) {
    %c0_i32 = arith.constant 0 : i32
    %c0_i32_0 = arith.constant 0 : i32
    %c0_i32_1 = arith.constant 0 : i32
    return %c0_i32, %arg0, %c0_i32_0 : i32, i32, i32
  }
  func.func @transform_1(%arg0: i32) -> (i32, i32) {
    %c0_i32 = arith.constant 0 : i32
    %c0_i32_0 = arith.constant 0 : i32
    return %arg0, %c0_i32 : i32, i32
  }
  func.func @transform_2(%arg0: i32) -> (i32, i32) {
    %c0_i32 = arith.constant 0 : i32
    %c0_i32_0 = arith.constant 0 : i32
    %c0_i32_1 = arith.constant 0 : i32
    return %c0_i32, %c0_i32_0 : i32, i32
  }
  func.func @transform_3(%arg0: i32) -> (i32, i32) {
    %c0_i32 = arith.constant 0 : i32
    %c0_i32_0 = arith.constant 0 : i32
    return %arg0, %c0_i32 : i32, i32
  }
}

</mosaic_0001>

<sc_bundles>
// kernel: kernel.11.cloned.1.call-start
scs
__scs_entry_jumppad:
0x0: {  	(pc) =	sbr.rel $0x88, $3  }
0x1: {  	(tag) =	ssettag $0x0;
	lr =	simm.s32 $0x1  }
0x2: {  	[smem:$0x3F9B] =	sst lr;
	_ =	strace $0xD0000000  }
0x3: {  	_ = 	snop  }
0x4: {  	_ = 	snop  }
0x5: {  	_ = 	snop  }
0x6: {  	_ = 	snop  }
0x7: {  	_ = 	snop  }
__scs_overlays_trampoline_lowered:
0x8: {  	[smem:$0x3FAA] =	sst s0  }
0x9: {  	[smem:$0x3FAB] =	sst s1  }
0xa: {  	[smem:$0x3FAC] =	sst s2  }
0xb: {  	[smem:$0x3FAD] =	sst s3  }
0xc: {  	[smem:$0x3FAE] =	sst s4  }
0xd: {  	[smem:$0x3FAF] =	sst s5  }
0xe: {  	[smem:$0x3FB0] =	sst s6  }
0xf: {  	[smem:$0x3FB1] =	sst s7  }
0x10: {  	[smem:$0x3FB2] =	sst s8  }
0x11: {  	[smem:$0x3FB3] =	sst s9;
	s0 =	simm.s32 @!p0 $0x0  }
0x12: {  	s1 =	sld [smem:$0x3F99];
	s0 =	simm.s32 @p0 $0x1  }
0x13: {  	[smem:$0x3FB4] =	sst s0;
	s0 =	simm.s32 @!p1 $0x0  }
0x14: {  	s2 =	sld [smem:$0x3F98];
	s0 =	simm.s32 @p1 $0x1  }
0x15: {  	[smem:$0x3FB5] =	sst s0;
	s0 =	simm.s32 @!p2 $0x0  }
0x16: {  	s3 =	sld [smem:$0x3FDB];
	s0 =	simm.s32 @p2 $0x1  }
0x17: {  	s4 =	simm.s32 $0x1BF5;
	[smem:$0x3FB7] =	sst s0  }
0x18: {  	s0 =	sld [smem:$0x3F9A];
	_ =	swait.ge [sflag:s4], $0x0  }
0x19: {  	s7 =	sld [smem:$0x3F9B]  }
0x1a: {  	s8 =	sadd.s32 $0xFFFFE003, lr  }
0x1b: {  	s9 =	sadd.s32 $0xFFFFFEF7, lr;
	s5 =	simm.s32 $0xFFFFFFFF;
	p2 =	slt.u32 s8, $0xFFFFF086  }
0x1c: {  	p1 =	slt.u32 s9, $0xF7A;
	s5 =	simm.s32 @!p2 $0x0  }
0x1d: {  	s5 =	simm.s32 @p1 $0x1;
	p0 =	seq.s32 s7, s2  }
0x1e: {  	s7 =	smul.u32 @!p0 $0xF7A, s2;
	p2 =	seq.s32 @!p0 s5, $0x0  }
0x1f: {  	s9 =	smul.u32 $0xF7A, s1;
	s8 =	simm.s32 @!p0 $0x1BF5;
	p2 =	por !p2, p0  }
0x20: {  	[sflag:s8] =	ssyncset.s32 @!p0 $0xFFFFF086;
	s6 =	sadd.s32 @!p0 s3, s7;
	s7 =	simm.s32 @!p0 $0x108  }
0x21: {  	s3 =	sadd.s32 s3, s9;
	s6 =	sadd.s32 @!p0 $0x88, s6;
	s7 =	simm.s32 @p2 $0x1082  }
0x22: {  	[simem:s7], [sflag:s8] =	dma.local @!p0 [hbm:s6], $0xF7A  }
0x23: {  	s9 =	sor.u32 $0xD0000000, s2;
	s6 =	simm.s32 $0x108;
	_ =	swait.ge @!p0 [sflag:s8], $0x0  }
0x24: {  	s3 =	sadd.s32 $0x88, s3;
	s6 =	simm.s32 @!p1 $0x1082;
	[sflag:s4] =	ssyncset.s32 $0xFFFFF086  }
0x25: {  	[simem:s6], [sflag:s4] =	dma.local [hbm:s3], $0xF7A  }
0x26: {  	[smem:$0x3F9B] =	sst s1;
	(tag) =	ssettag s2;
	_ =	strace s9  }
0x27: {  	s1 =	sld [smem:$0x3FAB]  }
0x28: {  	s2 =	sld [smem:$0x3FAC]  }
0x29: {  	s4 =	sld [smem:$0x3FAE]  }
0x2a: {  	p0 =	seq.s32 s5, $0x0;
	s5 =	sld [smem:$0x3FAF]  }
0x2b: {  	s6 =	sld [smem:$0x3FB0]  }
0x2c: {  	s7 =	sld [smem:$0x3FB1]  }
0x2d: {  	s3 =	simm.s32 $0x108;
	s8 =	sld [smem:$0x3FB2]  }
0x2e: {  	s3 =	simm.s32 @!p0 $0x1082;
	s9 =	sld [smem:$0x3FB3]  }
0x2f: {  	lr =	sadd.s32 s0, s3;
	s0 =	sld [smem:$0x3FAA]  }
0x30: {  	s3 =	sld [smem:$0x3FAD]  }
0x31: {  	[smem:$0x3FB6] =	sst s10  }
0x32: {  	s10 =	sld [smem:$0x3FB4];
	_ =	sdelay $0x3  }
0x33: {  	p0 =	seq.s32 s10, $0x1;
	s10 =	sld [smem:$0x3FB6];
	_ =	sdelay $0x3  }
0x34: {  	[smem:$0x3FB6] =	sst s10  }
0x35: {  	s10 =	sld [smem:$0x3FB5];
	_ =	sdelay $0x3  }
0x36: {  	p1 =	seq.s32 s10, $0x1;
	s10 =	sld [smem:$0x3FB6];
	_ =	sdelay $0x3  }
0x37: {  	[smem:$0x3FB6] =	sst s10  }
0x38: {  	s10 =	sld [smem:$0x3FB7]  }
0x39: {  	_ = 	snop;
	(pc) =	sbr.ind lr, $3  }
0x3a: {  	_ = 	snop  }
0x3b: {  	_ = 	snop  }
0x3c: {  	p2 =	seq.s32 s10, $0x1;
	s10 =	sld [smem:$0x3FB6]  }
0x3d: {  	_ =	shalt  }
0x3e: {  	_ =	shalt  }
0x3f: {  	_ =	shalt  }
0x40: {  	_ =	shalt  }
0x41: {  	_ =	shalt  }
0x42: {  	_ =	shalt  }
0x43: {  	_ =	shalt  }
0x44: {  	_ =	shalt  }
0x45: {  	_ =	shalt  }
0x46: {  	_ =	shalt  }
0x47: {  	_ =	shalt  }
0x48: {  	_ =	shalt  }
0x49: {  	_ =	shalt  }
0x4a: {  	_ =	shalt  }
0x4b: {  	_ =	shalt  }
0x4c: {  	_ =	shalt  }
0x4d: {  	_ =	shalt  }
0x4e: {  	_ =	shalt  }
0x4f: {  	_ =	shalt  }
0x50: {  	_ =	shalt  }
0x51: {  	_ =	shalt  }
0x52: {  	_ =	shalt  }
0x53: {  	_ =	shalt  }
0x54: {  	_ =	shalt  }
0x55: {  	_ =	shalt  }
0x56: {  	_ =	shalt  }
0x57: {  	_ =	shalt  }
0x58: {  	_ =	shalt  }
0x59: {  	_ =	shalt  }
0x5a: {  	_ =	shalt  }
0x5b: {  	_ =	shalt  }
0x5c: {  	_ =	shalt  }
0x5d: {  	_ =	shalt  }
0x5e: {  	_ =	shalt  }
0x5f: {  	_ =	shalt  }
0x60: {  	_ =	shalt  }
0x61: {  	_ =	shalt  }
0x62: {  	_ =	shalt  }
0x63: {  	_ =	shalt  }
0x64: {  	_ =	shalt  }
0x65: {  	_ =	shalt  }
0x66: {  	_ =	shalt  }
0x67: {  	_ =	shalt  }
0x68: {  	_ =	shalt  }
0x69: {  	_ =	shalt  }
0x6a: {  	_ =	shalt  }
0x6b: {  	_ =	shalt  }
0x6c: {  	_ =	shalt  }
0x6d: {  	_ =	shalt  }
0x6e: {  	_ =	shalt  }
0x6f: {  	_ =	shalt  }
0x70: {  	_ =	shalt  }
0x71: {  	_ =	shalt  }
0x72: {  	_ =	shalt  }
0x73: {  	_ =	shalt  }
0x74: {  	_ =	shalt  }
0x75: {  	_ =	shalt  }
0x76: {  	_ =	shalt  }
0x77: {  	_ =	shalt  }
0x78: {  	_ =	shalt  }
0x79: {  	_ =	shalt  }
0x7a: {  	_ =	shalt  }
0x7b: {  	_ =	shalt  }
0x7c: {  	_ =	shalt  }
0x7d: {  	_ =	shalt  }
0x7e: {  	_ =	shalt  }
0x7f: {  	_ =	shalt  }
0x80: {  	_ =	shalt  }
0x81: {  	_ =	shalt  }
0x82: {  	_ =	shalt  }
0x83: {  	_ =	shalt  }
0x84: {  	_ =	shalt  }
0x85: {  	_ =	shalt  }
0x86: {  	_ =	shalt  }
0x87: {  	_ =	shalt  }
.Lfunc_end0:
.L_simem_size_0:
called_computation.1_lowered:
.L_overlay_start_0:
0x88: {  	s2 =	sld [smem:$0x3FD9]  }
0x89: {  	s3 =	sld [smem:$0x3FFE];
	_ =	sdelay $0x1  }
0x8a: {  	s1 =	srdreg.scid  }
0x8b: {  	s0 =	sand.u32 $0x1, s1  }
0x8c: {  	s17 =	sshll.u32 s0, $0xA;
	s2 =	sadd.s32 s3, s2  }
0x8d: {  	s2 =	sadd.s32 s2, s17  }
0x8e: {  	[smem:$0x3FC2] =	sst s2  }
0x8f: {  	_ = 	snop  }
0x90: {  	s2 =	sld [smem:$0x3FD0];
	(tm) =	ssettm $0x1  }
0x91: {  	s18 =	sld [smem:$0x3FFB];
	_ =	sdelay $0x3  }
0x92: {  	_ =	strace s18  }
0x93: {  	s3 =	sld [smem:$0x3FFC];
	_ =	sdelay $0x3  }
0x94: {  	_ =	strace s3  }
0x95: {  	s3 =	sld [smem:$0x3FFD];
	_ =	sdelay $0x3  }
0x96: {  	_ =	strace s3  }
0x97: {  	_ =	strace $0x8FFFFFFF  }
0x98: {  	s19 =	sld [smem:$0x3FDB];
	_ =	sdelay $0x1  }
0x99: {  	s4 =	simm.s32 $_scs_section_size  }
0x9a: {  	s5 =	simm.s32 $_size__tile_overlayer_lowered;
	s6 =	simm.s32 $_tile_overlayer_lowered  }
0x9b: {  	s22 =	simm.s32 $0x1BFF;
	s21 =	sshll.u32 s6, $0x1;
	s3 =	sadd.s32 s4, s19  }
0x9c: {  	s7 =	simm.s32 $0x0;
	s20 =	sshll.u32 s5, $0x1;
	s5 =	sadd.s32 s21, s3  }
0x9d: {  	[timem:s7], [sflag:s22] =	dma.local [hbm:s5], s20  }
0x9e: {  	_ =	swait.ge [sflag:s22], s20  }
0x9f: {  	s4 =	ssub.s32 $0x0, s20;
	[sflag:s22] =	ssyncset.done $0x0  }
0xa0: {  	[sflag:s22] =	ssyncadd.s32 s4;
	_ =	sdelay $0x1  }
0xa1: {  	s23 =	simm.s32 $0x1B8B  }
0xa2: {  	_ =	swait.ge [sflag:s23], $0x1  }
0xa3: {  	[sflag:s23] =	ssyncset.done $0x0  }
0xa4: {  	s25 =	simm.s32 $0x1B8E;
	s24 =	sld [smem:$0x3FFE];
	[sflag:s23] =	ssyncadd.s32 $0xFFFFFFFF  }
0xa5: {  	s26 =	simm.s32 $execute0_lowered;
	[smem:$0x3FD2] =	sst s25  }
0xa6: {  	s5 =	sshll.u32 s26, $0x1;
	_ =	strace $0x80000049;
	[dreg:$0x1] =	wrdreg $0xFFFFFFFF  }
0xa7: {  	s28 =	simm.s32 $_size_execute0_lowered;
	s3 =	sadd.s32 s3, s5;
	[dreg:$0x0] =	wrdreg $0x0  }
0xa8: {  	s5 =	sshll.u32 s28, $0x1;
	[dreg:$0x2] =	wrdreg s3  }
0xa9: {  	[dreg:$0x3] =	wrdreg s5  }
0xaa: {  	[dreg:$0x4] =	wrdreg $0xC0  }
0xab: {  	_ =	task [dreg:s7], $0x5FFFF  }
0xac: {  	[dreg:$0x1] =	wrdreg $0xFFFFFFFF  }
0xad: {  	[dreg:$0x0] =	wrdreg $0x60  }
0xae: {  	[dreg:$0x2] =	wrdreg s24  }
0xaf: {  	[dreg:$0x3] =	wrdreg s2  }
0xb0: {  	[dreg:$0x4] =	wrdreg $0xB8000  }
0xb1: {  	[dreg:$0x5] =	wrdreg $0x9  }
0xb2: {  	_ =	task.clear_ibuf [dreg:s7], $0x6FFFF;
	_ =	strace $0x90000049  }
0xb3: {  	s29 =	simm.s32 $0x9;
	_ =	strace $0x8000004B  }
0xb4: {  	_ =	swait.ge [sflag:s29], $0x1  }
0xb5: {  	[sflag:s29] =	ssyncadd.s32 $0xFFFFFFFF  }
0xb6: {  	_ =	strace $0x9000004B  }
0xb7: {  	_ =	sfence  }
0xb8: {  	s30 =	sld [smem:$0x0];
	_ =	sdelay $0x2  }
0xb9: {  	s31 =	sshll.u32 s1, $0xD;
	s1 =	sshrl.u32 s1, $0x2  }
0xba: {  	s3 =	sand.u32 $0x4000, s31;
	s1 =	sadd.s32 s1, s30  }
0xbb: {  	s0 =	sor.u32 s3, s0;
	s1 =	sshll.u32 s1, $0x11  }
0xbc: {  	s0 =	sor.u32 s1, s0  }
0xbd: {  	s0 =	sadd.s32 $0x8F2B, s0  }
0xbe: {  	[sflag:s0] =	ssyncadd.remote.s32 $0x1  }
0xbf: {  	_ =	sfence.sel $0xFFFF  }
0xc0: {  	[dreg:$0x0] =	wrdreg $0xFFFFFFFF;
	(pc) =	sbr.abs _section_cstart, $3  }
0xc1: {  	[dreg:$0x1] =	wrdreg $0xFFFFFFFF  }
0xc2: {  	_ =	task.clear_ibuf [dreg:s7], $0x2FFFF;
	_ =	strace $0x9FFFFFFF  }
0xc3: {  	(tm) =	ssettm $0x7FFFFFFF  }
tec
execute0_lowered:
.L_overlay_start_1:
0x0: {  	(tag) =	ssettag $0x1  }
0x1: {  	s0 =	rddreg [dreg:$0x0]  }
0x2: {  	s1 =	rddreg [dreg:$0x1];
	s3 =	srdreg.scid  }
0x3: {  	s2 =	rddreg [dreg:$0x2];
	s12 =	stileid.u32;
	s14 =	simm.s32 $0x7  }
0x4: {  	s15 =	simm.s32 $0x2000;
	s16 =	simm.s32 $0x50;
	s17 =	simm.s32 $0x4000  }
0x5: {  	s19 =	simm.s32 $0x6800;
	s20 =	simm.s32 $0x100;
	s28 =	simm.s32 $0x5  }
0x6: {  	s29 =	simm.s32 $0x200;
	s30 =	simm.s32 $0x3;
	s31 =	simm.s32 $0x2100  }
0x7: {  	s5 =	sand.u32 $0x1, s3;
	s3 =	simm.s32 $0x0;
	s7 =	smul.u32 $0x278, s12  }
0x8: {  	s4 =	sadd.s32 $0x5B600, s0;
	s21 =	sshll.u32 s12, $0xB;
	s8 =	smul.u32 $0x4F000, s12  }
0x9: {  	s22 =	sshll.u32 s12, $0x6;
	s6 =	smul.u32 $0x2780, s5;
	[smem:$0x7FF] =	sst s3  }
0xa: {  	s9 =	sadd.s32 s21, s0;
	s10 =	ssub.s32 $0x2, s5;
	s5 =	sshll.u32 s5, $0xF  }
0xb: {  	_ =	strace $0x8000004A;
	s11 =	sshrl.u32 s10, $0x1;
	s8 =	sshrl.u32 s8, $0x2  }
0xc: {  	s5 =	sor.u32 s21, s5;
	s23 =	sadd.s32 $0x1E00, s9;
	s25 =	sadd.s32 $0x2200, s9  }
0xd: {  	s21 =	simm.s32 $0x9000;
	s9 =	simm.s32 $0x3F00;
	s6 =	sadd.s32 s7, s6  }
0xe: {  	s10 =	ssub.s32 s10, s11;
	s8 =	sadd.s32 s8, s2;
	[dreg:$0x5] =	wrdreg s23  }
0xf: {  	s7 =	sor.u32 $0x1C07, s22;
	[dreg:$0x7] =	wrdreg s25;
	s22 =	simm.s32 $0x1  }
0x10: {  	s23 =	simm.s32 $0x4;
	s25 =	simm.s32 $0x2;
	s6 =	sshll.u32 s6, $0x4  }
0x11: {  	s26 =	smax.u32 s10, $0x1;
	s13 =	sshrl.u32 s8, $0x3;
	s8 =	simm.s32 $0x3E80  }
0x12: {  	s0 =	sadd.s32 s6, s0;
	s6 =	sadd.s32 s4, s6;
	[dreg:$0x9] =	wrdreg s26  }
0x13: {  	s10 =	simm.s32 $0x0;
	s26 =	simm.s32 $0x2080;
	[dreg:$0x4] =	wrdreg s6  }
0x14: {  	s6 =	sadd.s32 s1, s5;
	s0 =	sadd.s32 $0x9E00, s0;
	s1 =	simm.s32 $0x1F00  }
0x15: {  	s5 =	simm.s32 $0x3E00;
	s24 =	sadd.s32 $0x400, s6;
	[dreg:$0x8] =	wrdreg s0  }
0x16: {  	s0 =	simm.s32 $0x6;
	[dreg:$0x6] =	wrdreg s24;
	s24 =	simm.s32 $0x180  }
.LBB2_1:
0x17: {  	s11 =	rddreg [dreg:$0x4]  }
0x18: {  	[spmem:s13], [sflag:s7] =	dma.local [hbm:s11], $0x2780  }
0x19: {  	_ =	swait.ge [sflag:s14], $0x2780  }
0x1a: {  	[sflag:s14] =	ssyncset.done $0x0  }
0x1b: {  	[sflag:s14] =	ssyncadd.s32 $0xFFFFD880  }
0x1c: {  	[bflag:$0x0] =	sbarrier.arrive $0xFFFF  }
0x1d: {  	[tilespmem:s3], [sflag:$0x7] =	stream.linear.gather [hbm4b:s6+s3], $0x1F80, $0x38;
	[tilespmem:$0x1F400] =	vst v63  }
0x1e: {  	_ =	swait.ge [sflag:s14], $0x1F80  }
0x1f: {  	[sflag:s14] =	ssyncset.done $0x0  }
0x20: {  	s18 =	rddreg [dreg:$0x5];
	[sflag:s14] =	ssyncadd.s32 $0xFFFFE080  }
0x21: {  	[tilespmem:s15], [sflag:$0x7] =	stream.linear.gather [hbm4b:s18+s3], $0x1F80, $0x38;
	[tilespmem:$0x1F400] =	vst v63  }
0x22: {  	_ =	swait.ge [sflag:s14], $0x1F80  }
0x23: {  	[sflag:s14] =	ssyncset.done $0x0  }
0x24: {  	[sflag:s14] =	ssyncadd.s32 $0xFFFFE080  }
0x25: {  	[tilespmem:s17], [sflag:$0x1] =	stream.indirect.gather [hbm4b:s4+s16], $0x80, s3, s16, $0xb8;
	[tilespmem:$0x1F400] =	vst v63  }
0x26: {  	s12 =	simm.s32 $0x80  }
0x27: {  	[tilespmem:s19], [sflag:$0x2] =	stream.indirect.gather [hbm4b:s4+s16], $0x80, s12, s16, $0xb8;
	[tilespmem:$0x1F400] =	vst v63  }
0x28: {  	_ = 	snop  }
0x29: {  	[tilespmem:s21], [sflag:$0x3] =	stream.indirect.gather [hbm4b:s4+s16], $0x80, s20, s16, $0xb8;
	[tilespmem:$0x1F400] =	vst v63  }
0x2a: {  	_ =	swait.ge [sflag:s22], $0x2800  }
0x2b: {  	[sflag:s22] =	ssyncset.done $0x0  }
0x2c: {  	[sflag:s22] =	ssyncadd.s32 $0xFFFFD800  }
0x2d: {  	[spmem:s2] =	stream.indirect.scatter.add.f32 [tilespmem:s17], [sflag:$0x4], $0x80, s15, s16, $0xb8;
	[tilespmem:$0x1F400] =	vst v63  }
0x2e: {  	_ =	swait.ge [sflag:s23], $0x2800  }
0x2f: {  	[sflag:s23] =	ssyncset.done $0x0  }
0x30: {  	[sflag:s23] =	ssyncadd.s32 $0xFFFFD800  }
0x31: {  	[tilespmem:s17], [sflag:$0x1] =	stream.indirect.gather [hbm4b:s4+s16], $0x80, s24, s16, $0xb8;
	[tilespmem:$0x1F400] =	vst v63  }
0x32: {  	_ =	swait.ge [sflag:s25], $0x2800  }
0x33: {  	[sflag:s25] =	ssyncset.done $0x0  }
0x34: {  	[sflag:s25] =	ssyncadd.s32 $0xFFFFD800  }
0x35: {  	[spmem:s2] =	stream.indirect.scatter.add.f32 [tilespmem:s19], [sflag:$0x5], $0x80, s26, s16, $0xb8;
	[tilespmem:$0x1F400] =	vst v63  }
0x36: {  	_ =	swait.ge [sflag:s28], $0x2800  }
0x37: {  	[sflag:s28] =	ssyncset.done $0x0  }
0x38: {  	[sflag:s28] =	ssyncadd.s32 $0xFFFFD800  }
0x39: {  	[tilespmem:s19], [sflag:$0x2] =	stream.indirect.gather [hbm4b:s4+s16], $0x80, s29, s16, $0xb8;
	[tilespmem:$0x1F400] =	vst v63  }
0x3a: {  	_ =	swait.ge [sflag:s30], $0x2800  }
0x3b: {  	[sflag:s30] =	ssyncset.done $0x0  }
0x3c: {  	[sflag:s30] =	ssyncadd.s32 $0xFFFFD800  }
0x3d: {  	[spmem:s2] =	stream.indirect.scatter.add.f32 [tilespmem:s21], [sflag:$0x6], $0x80, s31, s16, $0xb8;
	[tilespmem:$0x1F400] =	vst v63  }
0x3e: {  	_ =	swait.ge [sflag:s0], $0x2800  }
0x3f: {  	[sflag:s0] =	ssyncset.done $0x0  }
0x40: {  	s18 =	simm.s32 $0x280;
	[sflag:s0] =	ssyncadd.s32 $0xFFFFD800  }
0x41: {  	[tilespmem:s21], [sflag:$0x3] =	stream.indirect.gather [hbm4b:s4+s16], $0x80, s18, s16, $0xb8;
	[tilespmem:$0x1F400] =	vst v63  }
0x42: {  	_ =	swait.ge [sflag:s22], $0x2800  }
0x43: {  	[sflag:s22] =	ssyncset.done $0x0  }
0x44: {  	s12 =	simm.s32 $0x2180;
	[sflag:s22] =	ssyncadd.s32 $0xFFFFD800  }
0x45: {  	[spmem:s2] =	stream.indirect.scatter.add.f32 [tilespmem:s17], [sflag:$0x4], $0x80, s12, s16, $0xb8;
	[tilespmem:$0x1F400] =	vst v63  }
0x46: {  	_ =	swait.ge [sflag:s23], $0x2800  }
0x47: {  	[sflag:s23] =	ssyncset.done $0x0  }
0x48: {  	s18 =	simm.s32 $0x300;
	[sflag:s23] =	ssyncadd.s32 $0xFFFFD800  }
0x49: {  	[tilespmem:s17], [sflag:$0x1] =	stream.indirect.gather [hbm4b:s4+s16], $0x80, s18, s16, $0xb8;
	[tilespmem:$0x1F400] =	vst v63  }
0x4a: {  	_ =	swait.ge [sflag:s25], $0x2800  }
0x4b: {  	[sflag:s25] =	ssyncset.done $0x0  }
0x4c: {  	s12 =	simm.s32 $0x2200;
	[sflag:s25] =	ssyncadd.s32 $0xFFFFD800  }
0x4d: {  	[spmem:s2] =	stream.indirect.scatter.add.f32 [tilespmem:s19], [sflag:$0x5], $0x80, s12, s16, $0xb8;
	[tilespmem:$0x1F400] =	vst v63  }
0x4e: {  	_ =	swait.ge [sflag:s28], $0x2800  }
0x4f: {  	[sflag:s28] =	ssyncset.done $0x0  }
0x50: {  	s18 =	simm.s32 $0x380;
	[sflag:s28] =	ssyncadd.s32 $0xFFFFD800  }
0x51: {  	[tilespmem:s19], [sflag:$0x2] =	stream.indirect.gather [hbm4b:s4+s16], $0x80, s18, s16, $0xb8;
	[tilespmem:$0x1F400] =	vst v63  }
0x52: {  	_ =	swait.ge [sflag:s30], $0x2800  }
0x53: {  	[sflag:s30] =	ssyncset.done $0x0  }
0x54: {  	s11 =	simm.s32 $0x600;
	s12 =	simm.s32 $0x2280;
	[sflag:s30] =	ssyncadd.s32 $0xFFFFD800  }
.LBB2_2:
0x55: {  	[spmem:s2] =	stream.indirect.scatter.add.f32 [tilespmem:s21], [sflag:$0x6], $0x80, s12, s16, $0xb8;
	[tilespmem:$0x1F400] =	vst v63  }
0x56: {  	s12 =	smov.u32 s11  }
0x57: {  	p0 =	sne.s32 s11, $0x6C00;
	s11 =	sadd.s32 $0x600, s11;
	_ =	swait.ge [sflag:s0], $0x2800  }
0x58: {  	s12 =	sshra.s32 s12, $0x2;
	[sflag:s0] =	ssyncset.done $0x0  }
0x59: {  	s18 =	sadd.s32 $0x280, s12;
	[sflag:s0] =	ssyncadd.s32 $0xFFFFD800  }
0x5a: {  	[tilespmem:s21], [sflag:$0x3] =	stream.indirect.gather [hbm4b:s4+s16], $0x80, s18, s16, $0xb8;
	[tilespmem:$0x1F400] =	vst v63  }
0x5b: {  	_ =	swait.ge [sflag:s22], $0x2800  }
0x5c: {  	[sflag:s22] =	ssyncset.done $0x0  }
0x5d: {  	s18 =	sadd.s32 $0x2180, s12;
	[sflag:s22] =	ssyncadd.s32 $0xFFFFD800  }
0x5e: {  	[spmem:s2] =	stream.indirect.scatter.add.f32 [tilespmem:s17], [sflag:$0x4], $0x80, s18, s16, $0xb8;
	[tilespmem:$0x1F400] =	vst v63  }
0x5f: {  	_ =	swait.ge [sflag:s23], $0x2800  }
0x60: {  	[sflag:s23] =	ssyncset.done $0x0  }
0x61: {  	s18 =	sadd.s32 $0x300, s12;
	[sflag:s23] =	ssyncadd.s32 $0xFFFFD800  }
0x62: {  	[tilespmem:s17], [sflag:$0x1] =	stream.indirect.gather [hbm4b:s4+s16], $0x80, s18, s16, $0xb8;
	[tilespmem:$0x1F400] =	vst v63  }
0x63: {  	_ =	swait.ge [sflag:s25], $0x2800  }
0x64: {  	[sflag:s25] =	ssyncset.done $0x0  }
0x65: {  	s18 =	sadd.s32 $0x2200, s12;
	[sflag:s25] =	ssyncadd.s32 $0xFFFFD800  }
0x66: {  	[spmem:s2] =	stream.indirect.scatter.add.f32 [tilespmem:s19], [sflag:$0x5], $0x80, s18, s16, $0xb8;
	[tilespmem:$0x1F400] =	vst v63  }
0x67: {  	_ =	swait.ge [sflag:s28], $0x2800  }
0x68: {  	[sflag:s28] =	ssyncset.done $0x0  }
.Ltmp0:
0x69: {  	s18 =	sadd.s32 $0x380, s12;
	[sflag:s28] =	ssyncadd.s32 $0xFFFFD800;
	(pc) =	sbr.rel @p0 .LBB2_2-.Ltmp0, $4  }
0x6a: {  	[tilespmem:s19], [sflag:$0x2] =	stream.indirect.gather [hbm4b:s4+s16], $0x80, s18, s16, $0xb8;
	[tilespmem:$0x1F400] =	vst v63  }
0x6b: {  	_ =	swait.ge [sflag:s30], $0x2800  }
0x6c: {  	[sflag:s30] =	ssyncset.done $0x0  }
0x6d: {  	s12 =	sadd.s32 $0x2280, s12;
	[sflag:s30] =	ssyncadd.s32 $0xFFFFD800  }
0x6e: {  	[spmem:s2] =	stream.indirect.scatter.add.f32 [tilespmem:s21], [sflag:$0x6], $0x80, s12, s16, $0xb8;
	[tilespmem:$0x1F400] =	vst v63  }
0x6f: {  	_ =	swait.ge [sflag:s0], $0x2800  }
0x70: {  	[sflag:s0] =	ssyncset.done $0x0  }
0x71: {  	[sflag:s0] =	ssyncadd.s32 $0xFFFFD800  }
0x72: {  	[tilespmem:s21], [sflag:$0x3] =	stream.indirect.gather [hbm4b:s4+s16], $0x80, s1, s16, $0xb8;
	[tilespmem:$0x1F400] =	vst v63  }
0x73: {  	_ =	swait.ge [sflag:s22], $0x2800  }
0x74: {  	[sflag:s22] =	ssyncset.done $0x0  }
0x75: {  	[sflag:s22] =	ssyncadd.s32 $0xFFFFD800  }
0x76: {  	[spmem:s2] =	stream.indirect.scatter.add.f32 [tilespmem:s17], [sflag:$0x4], $0x80, s5, s16, $0xb8;
	[tilespmem:$0x1F400] =	vst v63  }
0x77: {  	_ =	swait.ge [sflag:s23], $0x2800  }
0x78: {  	[sflag:s23] =	ssyncset.done $0x0  }
0x79: {  	[sflag:s23] =	ssyncadd.s32 $0xFFFFD800  }
0x7a: {  	_ =	swait.ge [sflag:s25], $0x2800  }
0x7b: {  	[sflag:s25] =	ssyncset.done $0x0  }
0x7c: {  	[sflag:s25] =	ssyncadd.s32 $0xFFFFD800  }
0x7d: {  	[spmem:s2] =	stream.indirect.scatter.add.f32 [tilespmem:s19], [sflag:$0x5], $0x80, s8, s16, $0xb8;
	[tilespmem:$0x1F400] =	vst v63  }
0x7e: {  	_ =	swait.ge [sflag:s28], $0x2800  }
0x7f: {  	[sflag:s28] =	ssyncset.done $0x0  }
0x80: {  	[sflag:s28] =	ssyncadd.s32 $0xFFFFD800  }
0x81: {  	_ =	swait.ge [sflag:s30], $0x2800  }
0x82: {  	[sflag:s30] =	ssyncset.done $0x0  }
0x83: {  	[sflag:s30] =	ssyncadd.s32 $0xFFFFD800  }
0x84: {  	[spmem:s2] =	stream.indirect.scatter.add.f32 [tilespmem:s21], [sflag:$0x6], $0x80, s9, s16, $0xb8;
	[tilespmem:$0x1F400] =	vst v63  }
0x85: {  	_ =	swait.ge [sflag:s0], $0x2800  }
0x86: {  	[sflag:s0] =	ssyncset.done $0x0  }
0x87: {  	s11 =	simm.s32 $0x0;
	s18 =	rddreg [dreg:$0x6];
	[sflag:s0] =	ssyncadd.s32 $0xFFFFD800  }
0x88: {  	[tilespmem:s11], [sflag:$0x7] =	stream.linear.gather [hbm4b:s18+s11], $0x1F80, $0x38;
	[tilespmem:$0x1F400] =	vst v63  }
0x89: {  	_ =	swait.ge [sflag:s14], $0x1F80  }
0x8a: {  	[sflag:s14] =	ssyncset.done $0x0  }
0x8b: {  	s18 =	rddreg [dreg:$0x7];
	[sflag:s14] =	ssyncadd.s32 $0xFFFFE080  }
0x8c: {  	[tilespmem:s15], [sflag:$0x7] =	stream.linear.gather [hbm4b:s18+s11], $0x1F80, $0x38;
	[tilespmem:$0x1F400] =	vst v63  }
0x8d: {  	_ =	swait.ge [sflag:s14], $0x1F80  }
0x8e: {  	[sflag:s14] =	ssyncset.done $0x0  }
0x8f: {  	[sflag:s14] =	ssyncadd.s32 $0xFFFFE080  }
0x90: {  	[tilespmem:s17], [sflag:$0x1] =	stream.indirect.gather [hbm4b:s4+s16], $0x80, s11, s16, $0xb8;
	[tilespmem:$0x1F400] =	vst v63  }
0x91: {  	s12 =	simm.s32 $0x80  }
0x92: {  	[tilespmem:s19], [sflag:$0x2] =	stream.indirect.gather [hbm4b:s4+s16], $0x80, s12, s16, $0xb8;
	[tilespmem:$0x1F400] =	vst v63  }
0x93: {  	_ = 	snop  }
0x94: {  	[tilespmem:s21], [sflag:$0x3] =	stream.indirect.gather [hbm4b:s4+s16], $0x80, s20, s16, $0xb8;
	[tilespmem:$0x1F400] =	vst v63  }
0x95: {  	_ =	swait.ge [sflag:s22], $0x2800  }
0x96: {  	[sflag:s22] =	ssyncset.done $0x0  }
0x97: {  	[sflag:s22] =	ssyncadd.s32 $0xFFFFD800  }
0x98: {  	[spmem:s2] =	stream.indirect.scatter.add.f32 [tilespmem:s17], [sflag:$0x4], $0x80, s15, s16, $0xb8;
	[tilespmem:$0x1F400] =	vst v63  }
0x99: {  	_ =	swait.ge [sflag:s23], $0x2800  }
0x9a: {  	[sflag:s23] =	ssyncset.done $0x0  }
0x9b: {  	[sflag:s23] =	ssyncadd.s32 $0xFFFFD800  }
0x9c: {  	[tilespmem:s17], [sflag:$0x1] =	stream.indirect.gather [hbm4b:s4+s16], $0x80, s24, s16, $0xb8;
	[tilespmem:$0x1F400] =	vst v63  }
0x9d: {  	_ =	swait.ge [sflag:s25], $0x2800  }
0x9e: {  	[sflag:s25] =	ssyncset.done $0x0  }
0x9f: {  	[sflag:s25] =	ssyncadd.s32 $0xFFFFD800  }
0xa0: {  	[spmem:s2] =	stream.indirect.scatter.add.f32 [tilespmem:s19], [sflag:$0x5], $0x80, s26, s16, $0xb8;
	[tilespmem:$0x1F400] =	vst v63  }
0xa1: {  	_ =	swait.ge [sflag:s28], $0x2800  }
0xa2: {  	[sflag:s28] =	ssyncset.done $0x0  }
0xa3: {  	[sflag:s28] =	ssyncadd.s32 $0xFFFFD800  }
0xa4: {  	[tilespmem:s19], [sflag:$0x2] =	stream.indirect.gather [hbm4b:s4+s16], $0x80, s29, s16, $0xb8;
	[tilespmem:$0x1F400] =	vst v63  }
0xa5: {  	_ =	swait.ge [sflag:s30], $0x2800  }
0xa6: {  	[sflag:s30] =	ssyncset.done $0x0  }
0xa7: {  	[sflag:s30] =	ssyncadd.s32 $0xFFFFD800  }
0xa8: {  	[spmem:s2] =	stream.indirect.scatter.add.f32 [tilespmem:s21], [sflag:$0x6], $0x80, s31, s16, $0xb8;
	[tilespmem:$0x1F400] =	vst v63  }
0xa9: {  	_ =	swait.ge [sflag:s0], $0x2800  }
0xaa: {  	[sflag:s0] =	ssyncset.done $0x0  }
0xab: {  	s18 =	simm.s32 $0x280;
	[sflag:s0] =	ssyncadd.s32 $0xFFFFD800  }
0xac: {  	[tilespmem:s21], [sflag:$0x3] =	stream.indirect.gather [hbm4b:s4+s16], $0x80, s18, s16, $0xb8;
	[tilespmem:$0x1F400] =	vst v63  }
0xad: {  	_ =	swait.ge [sflag:s22], $0x2800  }
0xae: {  	[sflag:s22] =	ssyncset.done $0x0  }
0xaf: {  	s12 =	simm.s32 $0x2180;
	[sflag:s22] =	ssyncadd.s32 $0xFFFFD800  }
0xb0: {  	[spmem:s2] =	stream.indirect.scatter.add.f32 [tilespmem:s17], [sflag:$0x4], $0x80, s12, s16, $0xb8;
	[tilespmem:$0x1F400] =	vst v63  }
0xb1: {  	_ =	swait.ge [sflag:s23], $0x2800  }
0xb2: {  	[sflag:s23] =	ssyncset.done $0x0  }
0xb3: {  	s18 =	simm.s32 $0x300;
	[sflag:s23] =	ssyncadd.s32 $0xFFFFD800  }
0xb4: {  	[tilespmem:s17], [sflag:$0x1] =	stream.indirect.gather [hbm4b:s4+s16], $0x80, s18, s16, $0xb8;
	[tilespmem:$0x1F400] =	vst v63  }
0xb5: {  	_ =	swait.ge [sflag:s25], $0x2800  }
0xb6: {  	[sflag:s25] =	ssyncset.done $0x0  }
0xb7: {  	s12 =	simm.s32 $0x2200;
	[sflag:s25] =	ssyncadd.s32 $0xFFFFD800  }
0xb8: {  	[spmem:s2] =	stream.indirect.scatter.add.f32 [tilespmem:s19], [sflag:$0x5], $0x80, s12, s16, $0xb8;
	[tilespmem:$0x1F400] =	vst v63  }
0xb9: {  	_ =	swait.ge [sflag:s28], $0x2800  }
0xba: {  	[sflag:s28] =	ssyncset.done $0x0  }
0xbb: {  	s18 =	simm.s32 $0x380;
	[sflag:s28] =	ssyncadd.s32 $0xFFFFD800  }
0xbc: {  	[tilespmem:s19], [sflag:$0x2] =	stream.indirect.gather [hbm4b:s4+s16], $0x80, s18, s16, $0xb8;
	[tilespmem:$0x1F400] =	vst v63  }
0xbd: {  	_ =	swait.ge [sflag:s30], $0x2800  }
0xbe: {  	[sflag:s30] =	ssyncset.done $0x0  }
0xbf: {  	s11 =	simm.s32 $0x600;
	s12 =	simm.s32 $0x2280;
	[sflag:s30] =	ssyncadd.s32 $0xFFFFD800  }
.LBB2_4:
0xc0: {  	[spmem:s2] =	stream.indirect.scatter.add.f32 [tilespmem:s21], [sflag:$0x6], $0x80, s12, s16, $0xb8;
	[tilespmem:$0x1F400] =	vst v63  }
0xc1: {  	s12 =	smov.u32 s11  }
0xc2: {  	p0 =	sne.s32 s11, $0x6C00;
	s11 =	sadd.s32 $0x600, s11;
	_ =	swait.ge [sflag:s0], $0x2800  }
0xc3: {  	s12 =	sshra.s32 s12, $0x2;
	[sflag:s0] =	ssyncset.done $0x0  }
0xc4: {  	s18 =	sadd.s32 $0x280, s12;
	[sflag:s0] =	ssyncadd.s32 $0xFFFFD800  }
0xc5: {  	[tilespmem:s21], [sflag:$0x3] =	stream.indirect.gather [hbm4b:s4+s16], $0x80, s18, s16, $0xb8;
	[tilespmem:$0x1F400] =	vst v63  }
0xc6: {  	_ =	swait.ge [sflag:s22], $0x2800  }
0xc7: {  	[sflag:s22] =	ssyncset.done $0x0  }
0xc8: {  	s18 =	sadd.s32 $0x2180, s12;
	[sflag:s22] =	ssyncadd.s32 $0xFFFFD800  }
0xc9: {  	[spmem:s2] =	stream.indirect.scatter.add.f32 [tilespmem:s17], [sflag:$0x4], $0x80, s18, s16, $0xb8;
	[tilespmem:$0x1F400] =	vst v63  }
0xca: {  	_ =	swait.ge [sflag:s23], $0x2800  }
0xcb: {  	[sflag:s23] =	ssyncset.done $0x0  }
0xcc: {  	s18 =	sadd.s32 $0x300, s12;
	[sflag:s23] =	ssyncadd.s32 $0xFFFFD800  }
0xcd: {  	[tilespmem:s17], [sflag:$0x1] =	stream.indirect.gather [hbm4b:s4+s16], $0x80, s18, s16, $0xb8;
	[tilespmem:$0x1F400] =	vst v63  }
0xce: {  	_ =	swait.ge [sflag:s25], $0x2800  }
0xcf: {  	[sflag:s25] =	ssyncset.done $0x0  }
0xd0: {  	s18 =	sadd.s32 $0x2200, s12;
	[sflag:s25] =	ssyncadd.s32 $0xFFFFD800  }
0xd1: {  	[spmem:s2] =	stream.indirect.scatter.add.f32 [tilespmem:s19], [sflag:$0x5], $0x80, s18, s16, $0xb8;
	[tilespmem:$0x1F400] =	vst v63  }
0xd2: {  	_ =	swait.ge [sflag:s28], $0x2800  }
0xd3: {  	[sflag:s28] =	ssyncset.done $0x0  }
.Ltmp1:
0xd4: {  	s18 =	sadd.s32 $0x380, s12;
	[sflag:s28] =	ssyncadd.s32 $0xFFFFD800;
	(pc) =	sbr.rel @p0 .LBB2_4-.Ltmp1, $4  }
0xd5: {  	[tilespmem:s19], [sflag:$0x2] =	stream.indirect.gather [hbm4b:s4+s16], $0x80, s18, s16, $0xb8;
	[tilespmem:$0x1F400] =	vst v63  }
0xd6: {  	_ =	swait.ge [sflag:s30], $0x2800  }
0xd7: {  	[sflag:s30] =	ssyncset.done $0x0  }
0xd8: {  	s12 =	sadd.s32 $0x2280, s12;
	[sflag:s30] =	ssyncadd.s32 $0xFFFFD800  }
0xd9: {  	[spmem:s2] =	stream.indirect.scatter.add.f32 [tilespmem:s21], [sflag:$0x6], $0x80, s12, s16, $0xb8;
	[tilespmem:$0x1F400] =	vst v63  }
0xda: {  	_ =	swait.ge [sflag:s0], $0x2800  }
0xdb: {  	[sflag:s0] =	ssyncset.done $0x0  }
0xdc: {  	[sflag:s0] =	ssyncadd.s32 $0xFFFFD800  }
0xdd: {  	[tilespmem:s21], [sflag:$0x3] =	stream.indirect.gather [hbm4b:s4+s16], $0x80, s1, s16, $0xb8;
	[tilespmem:$0x1F400] =	vst v63  }
0xde: {  	_ =	swait.ge [sflag:s22], $0x2800  }
0xdf: {  	[sflag:s22] =	ssyncset.done $0x0  }
0xe0: {  	[sflag:s22] =	ssyncadd.s32 $0xFFFFD800  }
0xe1: {  	[spmem:s2] =	stream.indirect.scatter.add.f32 [tilespmem:s17], [sflag:$0x4], $0x80, s5, s16, $0xb8;
	[tilespmem:$0x1F400] =	vst v63  }
0xe2: {  	_ =	swait.ge [sflag:s23], $0x2800  }
0xe3: {  	[sflag:s23] =	ssyncset.done $0x0  }
0xe4: {  	[sflag:s23] =	ssyncadd.s32 $0xFFFFD800  }
0xe5: {  	_ =	swait.ge [sflag:s25], $0x2800  }
0xe6: {  	[sflag:s25] =	ssyncset.done $0x0  }
0xe7: {  	[sflag:s25] =	ssyncadd.s32 $0xFFFFD800  }
0xe8: {  	[spmem:s2] =	stream.indirect.scatter.add.f32 [tilespmem:s19], [sflag:$0x5], $0x80, s8, s16, $0xb8;
	[tilespmem:$0x1F400] =	vst v63  }
0xe9: {  	_ =	swait.ge [sflag:s28], $0x2800  }
0xea: {  	[sflag:s28] =	ssyncset.done $0x0  }
0xeb: {  	[sflag:s28] =	ssyncadd.s32 $0xFFFFD800  }
0xec: {  	_ =	swait.ge [sflag:s30], $0x2800  }
0xed: {  	[sflag:s30] =	ssyncset.done $0x0  }
0xee: {  	[sflag:s30] =	ssyncadd.s32 $0xFFFFD800  }
0xef: {  	[spmem:s2] =	stream.indirect.scatter.add.f32 [tilespmem:s21], [sflag:$0x6], $0x80, s9, s16, $0xb8;
	[tilespmem:$0x1F400] =	vst v63  }
0xf0: {  	_ =	swait.ge [sflag:s0], $0x2800  }
0xf1: {  	[sflag:s0] =	ssyncset.done $0x0  }
0xf2: {  	[sflag:s0] =	ssyncadd.s32 $0xFFFFD800  }
0xf3: {  	[bflag:$0x0] =	sbarrier.arrive $0xFFFF  }
0xf4: {  	s11 =	rddreg [dreg:$0x8]  }
0xf5: {  	[hbm:s11], [sflag:s7] =	dma.local [spmem:s13], $0x2780  }
0xf6: {  	_ =	swait.ge [sflag:s14], $0x2780  }
0xf7: {  	s10 =	sadd.s32 $0x1, s10;
	s18 =	rddreg [dreg:$0x9]  }
0xf8: {  	p0 =	sne.s32 s10, s18  }
.Ltmp2:
0xf9: {  	_ = 	snop;
	(pc) =	sbr.rel @p0 .LBB2_1-.Ltmp2, $3  }
0xfa: {  	_ =	sdelay $0x1  }
0xfb: {  	[sflag:s14] =	ssyncset.done $0x0  }
0xfc: {  	[sflag:s14] =	ssyncadd.s32 $0xFFFFD880  }
0xfd: {  	_ =	sfence.sel $0x180000  }
0xfe: {  	[bflag:$0x0] =	sbarrier.arrive $0xFFFF  }
0xff: {  	_ =	strace $0x9000004A  }
0x100: {  	s0 =	stileid.u32;
	[bflag:$0x2] =	sbarrier.arrive $0xFFFF  }
0x101: {  	p0 =	sne.s32 s0, $0x0;
	s0 =	rddreg [dreg:$0x3]  }
0x102: {  	s0 =	sadd.s32 @!p0 $0x100000, s0  }
0x103: {  	[sflag:s0] =	ssyncadd.tile.s32 @!p0 $0x1;
	_ =	shalt  }
.Lfunc_end2:
_tile_overlayer_lowered:
.L_overlay_start_2:
0x104: {  	(tag) =	ssettag $0x2  }
0x105: {  	s0 =	rddreg [dreg:$0x0];
	s2 =	stileid.u32  }
0x106: {  	s1 =	rddreg [dreg:$0x1];
	p0 =	sne.s32 s2, $0x0  }
0x107: {  	s3 =	rddreg [dreg:$0x2];
	[bflag:$0x3] =	sbarrier.arrive $0xFFFF;
	s2 =	simm.s32 @!p0 $0x1C07  }
0x108: {  	[timem:s3], [sflag:s2] =	dma.local @!p0 [hbm:s0], s1  }
0x109: {  	s0 =	simm.s32 @!p0 $0x7  }
0x10a: {  	_ =	swait.ge @!p0 [sflag:s0], s1  }
0x10b: {  	s1 =	ssub.s32 @!p0 $0x0, s1;
	[sflag:s0] =	ssyncset.done @!p0 $0x0  }
0x10c: {  	[sflag:s0] =	ssyncadd.s32 @!p0 s1  }
0x10d: {  	[bflag:$0x3] =	sbarrier.arrive $0xFFFF  }
0x10e: {  	_ =	shalt  }

// kernel: kernel.14.cloned.1.call-start
scs
__scs_entry_jumppad:
0x0: {  	(pc) =	sbr.rel $0x88, $3  }
0x1: {  	(tag) =	ssettag $0x0;
	lr =	simm.s32 $0x1  }
0x2: {  	[smem:$0x3F9B] =	sst lr;
	_ =	strace $0xD0000000  }
0x3: {  	_ = 	snop  }
0x4: {  	_ = 	snop  }
0x5: {  	_ = 	snop  }
0x6: {  	_ = 	snop  }
0x7: {  	_ = 	snop  }
__scs_overlays_trampoline_lowered:
0x8: {  	[smem:$0x3FAA] =	sst s0  }
0x9: {  	[smem:$0x3FAB] =	sst s1  }
0xa: {  	[smem:$0x3FAC] =	sst s2  }
0xb: {  	[smem:$0x3FAD] =	sst s3  }
0xc: {  	[smem:$0x3FAE] =	sst s4  }
0xd: {  	[smem:$0x3FAF] =	sst s5  }
0xe: {  	[smem:$0x3FB0] =	sst s6  }
0xf: {  	[smem:$0x3FB1] =	sst s7  }
0x10: {  	[smem:$0x3FB2] =	sst s8  }
0x11: {  	[smem:$0x3FB3] =	sst s9;
	s0 =	simm.s32 @!p0 $0x0  }
0x12: {  	s1 =	sld [smem:$0x3F99];
	s0 =	simm.s32 @p0 $0x1  }
0x13: {  	[smem:$0x3FB4] =	sst s0;
	s0 =	simm.s32 @!p1 $0x0  }
0x14: {  	s2 =	sld [smem:$0x3F98];
	s0 =	simm.s32 @p1 $0x1  }
0x15: {  	[smem:$0x3FB5] =	sst s0;
	s0 =	simm.s32 @!p2 $0x0  }
0x16: {  	s3 =	sld [smem:$0x3FDB];
	s0 =	simm.s32 @p2 $0x1  }
0x17: {  	s4 =	simm.s32 $0x1BF5;
	[smem:$0x3FB7] =	sst s0  }
0x18: {  	s0 =	sld [smem:$0x3F9A];
	_ =	swait.ge [sflag:s4], $0x0  }
0x19: {  	s7 =	sld [smem:$0x3F9B]  }
0x1a: {  	s8 =	sadd.s32 $0xFFFFE003, lr  }
0x1b: {  	s9 =	sadd.s32 $0xFFFFFEF7, lr;
	s5 =	simm.s32 $0xFFFFFFFF;
	p2 =	slt.u32 s8, $0xFFFFF086  }
0x1c: {  	p1 =	slt.u32 s9, $0xF7A;
	s5 =	simm.s32 @!p2 $0x0  }
0x1d: {  	s5 =	simm.s32 @p1 $0x1;
	p0 =	seq.s32 s7, s2  }
0x1e: {  	s7 =	smul.u32 @!p0 $0xF7A, s2;
	p2 =	seq.s32 @!p0 s5, $0x0  }
0x1f: {  	s9 =	smul.u32 $0xF7A, s1;
	s8 =	simm.s32 @!p0 $0x1BF5;
	p2 =	por !p2, p0  }
0x20: {  	[sflag:s8] =	ssyncset.s32 @!p0 $0xFFFFF086;
	s6 =	sadd.s32 @!p0 s3, s7;
	s7 =	simm.s32 @!p0 $0x108  }
0x21: {  	s3 =	sadd.s32 s3, s9;
	s6 =	sadd.s32 @!p0 $0x88, s6;
	s7 =	simm.s32 @p2 $0x1082  }
0x22: {  	[simem:s7], [sflag:s8] =	dma.local @!p0 [hbm:s6], $0xF7A  }
0x23: {  	s9 =	sor.u32 $0xD0000000, s2;
	s6 =	simm.s32 $0x108;
	_ =	swait.ge @!p0 [sflag:s8], $0x0  }
0x24: {  	s3 =	sadd.s32 $0x88, s3;
	s6 =	simm.s32 @!p1 $0x1082;
	[sflag:s4] =	ssyncset.s32 $0xFFFFF086  }
0x25: {  	[simem:s6], [sflag:s4] =	dma.local [hbm:s3], $0xF7A  }
0x26: {  	[smem:$0x3F9B] =	sst s1;
	(tag) =	ssettag s2;
	_ =	strace s9  }
0x27: {  	s1 =	sld [smem:$0x3FAB]  }
0x28: {  	s2 =	sld [smem:$0x3FAC]  }
0x29: {  	s4 =	sld [smem:$0x3FAE]  }
0x2a: {  	p0 =	seq.s32 s5, $0x0;
	s5 =	sld [smem:$0x3FAF]  }
0x2b: {  	s6 =	sld [smem:$0x3FB0]  }
0x2c: {  	s7 =	sld [smem:$0x3FB1]  }
0x2d: {  	s3 =	simm.s32 $0x108;
	s8 =	sld [smem:$0x3FB2]  }
0x2e: {  	s3 =	simm.s32 @!p0 $0x1082;
	s9 =	sld [smem:$0x3FB3]  }
0x2f: {  	lr =	sadd.s32 s0, s3;
	s0 =	sld [smem:$0x3FAA]  }
0x30: {  	s3 =	sld [smem:$0x3FAD]  }
0x31: {  	[smem:$0x3FB6] =	sst s10  }
0x32: {  	s10 =	sld [smem:$0x3FB4];
	_ =	sdelay $0x3  }
0x33: {  	p0 =	seq.s32 s10, $0x1;
	s10 =	sld [smem:$0x3FB6];
	_ =	sdelay $0x3  }
0x34: {  	[smem:$0x3FB6] =	sst s10  }
0x35: {  	s10 =	sld [smem:$0x3FB5];
	_ =	sdelay $0x3  }
0x36: {  	p1 =	seq.s32 s10, $0x1;
	s10 =	sld [smem:$0x3FB6];
	_ =	sdelay $0x3  }
0x37: {  	[smem:$0x3FB6] =	sst s10  }
0x38: {  	s10 =	sld [smem:$0x3FB7]  }
0x39: {  	_ = 	snop;
	(pc) =	sbr.ind lr, $3  }
0x3a: {  	_ = 	snop  }
0x3b: {  	_ = 	snop  }
0x3c: {  	p2 =	seq.s32 s10, $0x1;
	s10 =	sld [smem:$0x3FB6]  }
0x3d: {  	_ =	shalt  }
0x3e: {  	_ =	shalt  }
0x3f: {  	_ =	shalt  }
0x40: {  	_ =	shalt  }
0x41: {  	_ =	shalt  }
0x42: {  	_ =	shalt  }
0x43: {  	_ =	shalt  }
0x44: {  	_ =	shalt  }
0x45: {  	_ =	shalt  }
0x46: {  	_ =	shalt  }
0x47: {  	_ =	shalt  }
0x48: {  	_ =	shalt  }
0x49: {  	_ =	shalt  }
0x4a: {  	_ =	shalt  }
0x4b: {  	_ =	shalt  }
0x4c: {  	_ =	shalt  }
0x4d: {  	_ =	shalt  }
0x4e: {  	_ =	shalt  }
0x4f: {  	_ =	shalt  }
0x50: {  	_ =	shalt  }
0x51: {  	_ =	shalt  }
0x52: {  	_ =	shalt  }
0x53: {  	_ =	shalt  }
0x54: {  	_ =	shalt  }
0x55: {  	_ =	shalt  }
0x56: {  	_ =	shalt  }
0x57: {  	_ =	shalt  }
0x58: {  	_ =	shalt  }
0x59: {  	_ =	shalt  }
0x5a: {  	_ =	shalt  }
0x5b: {  	_ =	shalt  }
0x5c: {  	_ =	shalt  }
0x5d: {  	_ =	shalt  }
0x5e: {  	_ =	shalt  }
0x5f: {  	_ =	shalt  }
0x60: {  	_ =	shalt  }
0x61: {  	_ =	shalt  }
0x62: {  	_ =	shalt  }
0x63: {  	_ =	shalt  }
0x64: {  	_ =	shalt  }
0x65: {  	_ =	shalt  }
0x66: {  	_ =	shalt  }
0x67: {  	_ =	shalt  }
0x68: {  	_ =	shalt  }
0x69: {  	_ =	shalt  }
0x6a: {  	_ =	shalt  }
0x6b: {  	_ =	shalt  }
0x6c: {  	_ =	shalt  }
0x6d: {  	_ =	shalt  }
0x6e: {  	_ =	shalt  }
0x6f: {  	_ =	shalt  }
0x70: {  	_ =	shalt  }
0x71: {  	_ =	shalt  }
0x72: {  	_ =	shalt  }
0x73: {  	_ =	shalt  }
0x74: {  	_ =	shalt  }
0x75: {  	_ =	shalt  }
0x76: {  	_ =	shalt  }
0x77: {  	_ =	shalt  }
0x78: {  	_ =	shalt  }
0x79: {  	_ =	shalt  }
0x7a: {  	_ =	shalt  }
0x7b: {  	_ =	shalt  }
0x7c: {  	_ =	shalt  }
0x7d: {  	_ =	shalt  }
0x7e: {  	_ =	shalt  }
0x7f: {  	_ =	shalt  }
0x80: {  	_ =	shalt  }
0x81: {  	_ =	shalt  }
0x82: {  	_ =	shalt  }
0x83: {  	_ =	shalt  }
0x84: {  	_ =	shalt  }
0x85: {  	_ =	shalt  }
0x86: {  	_ =	shalt  }
0x87: {  	_ =	shalt  }
.Lfunc_end0:
.L_simem_size_0:
called_computation.2_lowered:
.L_overlay_start_0:
0x88: {  	s2 =	sld [smem:$0x3FD9]  }
0x89: {  	s3 =	sld [smem:$0x3FFE];
	_ =	sdelay $0x1  }
0x8a: {  	s1 =	srdreg.scid  }
0x8b: {  	s0 =	sand.u32 $0x1, s1  }
0x8c: {  	s17 =	sshll.u32 s0, $0xA;
	s2 =	sadd.s32 s3, s2  }
0x8d: {  	s2 =	sadd.s32 s2, s17  }
0x8e: {  	[smem:$0x3FC2] =	sst s2  }
0x8f: {  	_ = 	snop  }
0x90: {  	s2 =	sld [smem:$0x3FD0];
	(tm) =	ssettm $0x1  }
0x91: {  	s18 =	sld [smem:$0x3FFB];
	_ =	sdelay $0x3  }
0x92: {  	_ =	strace s18  }
0x93: {  	s3 =	sld [smem:$0x3FFC];
	_ =	sdelay $0x3  }
0x94: {  	_ =	strace s3  }
0x95: {  	s3 =	sld [smem:$0x3FFD];
	_ =	sdelay $0x3  }
0x96: {  	_ =	strace s3  }
0x97: {  	_ =	strace $0x8FFFFFFF  }
0x98: {  	s19 =	sld [smem:$0x3FDB];
	_ =	sdelay $0x1  }
0x99: {  	s4 =	simm.s32 $_scs_section_size  }
0x9a: {  	s5 =	simm.s32 $_size__tile_overlayer_lowered;
	s6 =	simm.s32 $_tile_overlayer_lowered  }
0x9b: {  	s22 =	simm.s32 $0x1BFF;
	s21 =	sshll.u32 s6, $0x1;
	s3 =	sadd.s32 s4, s19  }
0x9c: {  	s7 =	simm.s32 $0x0;
	s20 =	sshll.u32 s5, $0x1;
	s5 =	sadd.s32 s21, s3  }
0x9d: {  	[timem:s7], [sflag:s22] =	dma.local [hbm:s5], s20  }
0x9e: {  	_ =	swait.ge [sflag:s22], s20  }
0x9f: {  	s4 =	ssub.s32 $0x0, s20;
	[sflag:s22] =	ssyncset.done $0x0  }
0xa0: {  	[sflag:s22] =	ssyncadd.s32 s4;
	_ =	sdelay $0x1  }
0xa1: {  	s23 =	simm.s32 $0x1B8B  }
0xa2: {  	_ =	swait.ge [sflag:s23], $0x1  }
0xa3: {  	[sflag:s23] =	ssyncset.done $0x0  }
0xa4: {  	s25 =	simm.s32 $0x1B8E;
	s24 =	sld [smem:$0x3FFE];
	[sflag:s23] =	ssyncadd.s32 $0xFFFFFFFF  }
0xa5: {  	s26 =	simm.s32 $execute0_lowered;
	[smem:$0x3FD2] =	sst s25  }
0xa6: {  	s5 =	sshll.u32 s26, $0x1;
	_ =	strace $0x8000004C;
	[dreg:$0x1] =	wrdreg $0xFFFFFFFF  }
0xa7: {  	s28 =	simm.s32 $_size_execute0_lowered;
	s3 =	sadd.s32 s3, s5;
	[dreg:$0x0] =	wrdreg $0x0  }
0xa8: {  	s5 =	sshll.u32 s28, $0x1;
	[dreg:$0x2] =	wrdreg s3  }
0xa9: {  	[dreg:$0x3] =	wrdreg s5  }
0xaa: {  	[dreg:$0x4] =	wrdreg $0xC0  }
0xab: {  	_ =	task [dreg:s7], $0x5FFFF  }
0xac: {  	[dreg:$0x1] =	wrdreg $0xFFFFFFFF  }
0xad: {  	[dreg:$0x0] =	wrdreg $0x60  }
0xae: {  	[dreg:$0x2] =	wrdreg s24  }
0xaf: {  	[dreg:$0x3] =	wrdreg s2  }
0xb0: {  	[dreg:$0x4] =	wrdreg $0xB8000  }
0xb1: {  	[dreg:$0x5] =	wrdreg $0x9  }
0xb2: {  	_ =	task.clear_ibuf [dreg:s7], $0x6FFFF;
	_ =	strace $0x9000004C  }
0xb3: {  	s29 =	simm.s32 $0x9;
	_ =	strace $0x8000004E  }
0xb4: {  	_ =	swait.ge [sflag:s29], $0x1  }
0xb5: {  	[sflag:s29] =	ssyncadd.s32 $0xFFFFFFFF  }
0xb6: {  	_ =	strace $0x9000004E  }
0xb7: {  	_ =	sfence  }
0xb8: {  	s30 =	sld [smem:$0x0];
	_ =	sdelay $0x2  }
0xb9: {  	s31 =	sshll.u32 s1, $0xD;
	s1 =	sshrl.u32 s1, $0x2  }
0xba: {  	s3 =	sand.u32 $0x4000, s31;
	s1 =	sadd.s32 s1, s30  }
0xbb: {  	s0 =	sor.u32 s3, s0;
	s1 =	sshll.u32 s1, $0x11  }
0xbc: {  	s0 =	sor.u32 s1, s0  }
0xbd: {  	s0 =	sadd.s32 $0x8F2B, s0  }
0xbe: {  	[sflag:s0] =	ssyncadd.remote.s32 $0x1  }
0xbf: {  	_ =	sfence.sel $0xFFFF  }
0xc0: {  	[dreg:$0x0] =	wrdreg $0xFFFFFFFF;
	(pc) =	sbr.abs _section_cstart, $3  }
0xc1: {  	[dreg:$0x1] =	wrdreg $0xFFFFFFFF  }
0xc2: {  	_ =	task.clear_ibuf [dreg:s7], $0x2FFFF;
	_ =	strace $0x9FFFFFFF  }
0xc3: {  	(tm) =	ssettm $0x7FFFFFFF  }
tec
execute0_lowered:
.L_overlay_start_1:
0x0: {  	(tag) =	ssettag $0x1  }
0x1: {  	s0 =	rddreg [dreg:$0x0]  }
0x2: {  	s1 =	rddreg [dreg:$0x1];
	s3 =	srdreg.scid  }
0x3: {  	s2 =	rddreg [dreg:$0x2];
	s12 =	stileid.u32;
	s14 =	simm.s32 $0x7  }
0x4: {  	s15 =	simm.s32 $0x2000;
	s16 =	simm.s32 $0x50;
	s17 =	simm.s32 $0x4000  }
0x5: {  	s19 =	simm.s32 $0x6800;
	s20 =	simm.s32 $0x100;
	s28 =	simm.s32 $0x5  }
0x6: {  	s29 =	simm.s32 $0x200;
	s30 =	simm.s32 $0x3;
	s31 =	simm.s32 $0x2100  }
0x7: {  	s5 =	sand.u32 $0x1, s3;
	s3 =	simm.s32 $0x0;
	s7 =	smul.u32 $0x278, s12  }
0x8: {  	s4 =	sadd.s32 $0x9E00, s0;
	s21 =	sshll.u32 s12, $0xB;
	s8 =	smul.u32 $0x4F000, s12  }
0x9: {  	s22 =	sshll.u32 s12, $0x6;
	s6 =	smul.u32 $0x2780, s5;
	[smem:$0x7FF] =	sst s3  }
0xa: {  	s9 =	sadd.s32 s21, s0;
	s10 =	ssub.s32 $0x2, s5;
	s5 =	sshll.u32 s5, $0xF  }
0xb: {  	_ =	strace $0x8000004D;
	s11 =	sshrl.u32 s10, $0x1;
	s8 =	sshrl.u32 s8, $0x2  }
0xc: {  	s5 =	sor.u32 s21, s5;
	s23 =	sadd.s32 $0x1E00, s9;
	s25 =	sadd.s32 $0x2200, s9  }
0xd: {  	s21 =	simm.s32 $0x9000;
	s9 =	simm.s32 $0x3F00;
	s6 =	sadd.s32 s7, s6  }
0xe: {  	s10 =	ssub.s32 s10, s11;
	s8 =	sadd.s32 s8, s2;
	[dreg:$0x5] =	wrdreg s23  }
0xf: {  	s7 =	sor.u32 $0x1C07, s22;
	[dreg:$0x7] =	wrdreg s25;
	s22 =	simm.s32 $0x1  }
0x10: {  	s23 =	simm.s32 $0x4;
	s25 =	simm.s32 $0x2;
	s6 =	sshll.u32 s6, $0x4  }
0x11: {  	s26 =	smax.u32 s10, $0x1;
	s13 =	sshrl.u32 s8, $0x3;
	s8 =	simm.s32 $0x3E80  }
0x12: {  	s0 =	sadd.s32 s6, s0;
	s6 =	sadd.s32 s4, s6;
	[dreg:$0x9] =	wrdreg s26  }
0x13: {  	s10 =	simm.s32 $0x0;
	s26 =	simm.s32 $0x2080;
	[dreg:$0x4] =	wrdreg s6  }
0x14: {  	s6 =	sadd.s32 s1, s5;
	s0 =	sadd.s32 $0x58E00, s0;
	s1 =	simm.s32 $0x1F00  }
0x15: {  	s5 =	simm.s32 $0x3E00;
	s24 =	sadd.s32 $0x400, s6;
	[dreg:$0x8] =	wrdreg s0  }
0x16: {  	s0 =	simm.s32 $0x6;
	[dreg:$0x6] =	wrdreg s24;
	s24 =	simm.s32 $0x180  }
.LBB2_1:
0x17: {  	s11 =	rddreg [dreg:$0x4]  }
0x18: {  	[spmem:s13], [sflag:s7] =	dma.local [hbm:s11], $0x2780  }
0x19: {  	_ =	swait.ge [sflag:s14], $0x2780  }
0x1a: {  	[sflag:s14] =	ssyncset.done $0x0  }
0x1b: {  	[sflag:s14] =	ssyncadd.s32 $0xFFFFD880  }
0x1c: {  	[bflag:$0x0] =	sbarrier.arrive $0xFFFF  }
0x1d: {  	[tilespmem:s3], [sflag:$0x7] =	stream.linear.gather [hbm4b:s6+s3], $0x1F80, $0x38;
	[tilespmem:$0x1F400] =	vst v63  }
0x1e: {  	_ =	swait.ge [sflag:s14], $0x1F80  }
0x1f: {  	[sflag:s14] =	ssyncset.done $0x0  }
0x20: {  	s18 =	rddreg [dreg:$0x5];
	[sflag:s14] =	ssyncadd.s32 $0xFFFFE080  }
0x21: {  	[tilespmem:s15], [sflag:$0x7] =	stream.linear.gather [hbm4b:s18+s3], $0x1F80, $0x38;
	[tilespmem:$0x1F400] =	vst v63  }
0x22: {  	_ =	swait.ge [sflag:s14], $0x1F80  }
0x23: {  	[sflag:s14] =	ssyncset.done $0x0  }
0x24: {  	[sflag:s14] =	ssyncadd.s32 $0xFFFFE080  }
0x25: {  	[tilespmem:s17], [sflag:$0x1] =	stream.indirect.gather [hbm4b:s4+s16], $0x80, s3, s16, $0xb8;
	[tilespmem:$0x1F400] =	vst v63  }
0x26: {  	s12 =	simm.s32 $0x80  }
0x27: {  	[tilespmem:s19], [sflag:$0x2] =	stream.indirect.gather [hbm4b:s4+s16], $0x80, s12, s16, $0xb8;
	[tilespmem:$0x1F400] =	vst v63  }
0x28: {  	_ = 	snop  }
0x29: {  	[tilespmem:s21], [sflag:$0x3] =	stream.indirect.gather [hbm4b:s4+s16], $0x80, s20, s16, $0xb8;
	[tilespmem:$0x1F400] =	vst v63  }
0x2a: {  	_ =	swait.ge [sflag:s22], $0x2800  }
0x2b: {  	[sflag:s22] =	ssyncset.done $0x0  }
0x2c: {  	[sflag:s22] =	ssyncadd.s32 $0xFFFFD800  }
0x2d: {  	[spmem:s2] =	stream.indirect.scatter.add.f32 [tilespmem:s17], [sflag:$0x4], $0x80, s15, s16, $0xb8;
	[tilespmem:$0x1F400] =	vst v63  }
0x2e: {  	_ =	swait.ge [sflag:s23], $0x2800  }
0x2f: {  	[sflag:s23] =	ssyncset.done $0x0  }
0x30: {  	[sflag:s23] =	ssyncadd.s32 $0xFFFFD800  }
0x31: {  	[tilespmem:s17], [sflag:$0x1] =	stream.indirect.gather [hbm4b:s4+s16], $0x80, s24, s16, $0xb8;
	[tilespmem:$0x1F400] =	vst v63  }
0x32: {  	_ =	swait.ge [sflag:s25], $0x2800  }
0x33: {  	[sflag:s25] =	ssyncset.done $0x0  }
0x34: {  	[sflag:s25] =	ssyncadd.s32 $0xFFFFD800  }
0x35: {  	[spmem:s2] =	stream.indirect.scatter.add.f32 [tilespmem:s19], [sflag:$0x5], $0x80, s26, s16, $0xb8;
	[tilespmem:$0x1F400] =	vst v63  }
0x36: {  	_ =	swait.ge [sflag:s28], $0x2800  }
0x37: {  	[sflag:s28] =	ssyncset.done $0x0  }
0x38: {  	[sflag:s28] =	ssyncadd.s32 $0xFFFFD800  }
0x39: {  	[tilespmem:s19], [sflag:$0x2] =	stream.indirect.gather [hbm4b:s4+s16], $0x80, s29, s16, $0xb8;
	[tilespmem:$0x1F400] =	vst v63  }
0x3a: {  	_ =	swait.ge [sflag:s30], $0x2800  }
0x3b: {  	[sflag:s30] =	ssyncset.done $0x0  }
0x3c: {  	[sflag:s30] =	ssyncadd.s32 $0xFFFFD800  }
0x3d: {  	[spmem:s2] =	stream.indirect.scatter.add.f32 [tilespmem:s21], [sflag:$0x6], $0x80, s31, s16, $0xb8;
	[tilespmem:$0x1F400] =	vst v63  }
0x3e: {  	_ =	swait.ge [sflag:s0], $0x2800  }
0x3f: {  	[sflag:s0] =	ssyncset.done $0x0  }
0x40: {  	s18 =	simm.s32 $0x280;
	[sflag:s0] =	ssyncadd.s32 $0xFFFFD800  }
0x41: {  	[tilespmem:s21], [sflag:$0x3] =	stream.indirect.gather [hbm4b:s4+s16], $0x80, s18, s16, $0xb8;
	[tilespmem:$0x1F400] =	vst v63  }
0x42: {  	_ =	swait.ge [sflag:s22], $0x2800  }
0x43: {  	[sflag:s22] =	ssyncset.done $0x0  }
0x44: {  	s12 =	simm.s32 $0x2180;
	[sflag:s22] =	ssyncadd.s32 $0xFFFFD800  }
0x45: {  	[spmem:s2] =	stream.indirect.scatter.add.f32 [tilespmem:s17], [sflag:$0x4], $0x80, s12, s16, $0xb8;
	[tilespmem:$0x1F400] =	vst v63  }
0x46: {  	_ =	swait.ge [sflag:s23], $0x2800  }
0x47: {  	[sflag:s23] =	ssyncset.done $0x0  }
0x48: {  	s18 =	simm.s32 $0x300;
	[sflag:s23] =	ssyncadd.s32 $0xFFFFD800  }
0x49: {  	[tilespmem:s17], [sflag:$0x1] =	stream.indirect.gather [hbm4b:s4+s16], $0x80, s18, s16, $0xb8;
	[tilespmem:$0x1F400] =	vst v63  }
0x4a: {  	_ =	swait.ge [sflag:s25], $0x2800  }
0x4b: {  	[sflag:s25] =	ssyncset.done $0x0  }
0x4c: {  	s12 =	simm.s32 $0x2200;
	[sflag:s25] =	ssyncadd.s32 $0xFFFFD800  }
0x4d: {  	[spmem:s2] =	stream.indirect.scatter.add.f32 [tilespmem:s19], [sflag:$0x5], $0x80, s12, s16, $0xb8;
	[tilespmem:$0x1F400] =	vst v63  }
0x4e: {  	_ =	swait.ge [sflag:s28], $0x2800  }
0x4f: {  	[sflag:s28] =	ssyncset.done $0x0  }
0x50: {  	s18 =	simm.s32 $0x380;
	[sflag:s28] =	ssyncadd.s32 $0xFFFFD800  }
0x51: {  	[tilespmem:s19], [sflag:$0x2] =	stream.indirect.gather [hbm4b:s4+s16], $0x80, s18, s16, $0xb8;
	[tilespmem:$0x1F400] =	vst v63  }
0x52: {  	_ =	swait.ge [sflag:s30], $0x2800  }
0x53: {  	[sflag:s30] =	ssyncset.done $0x0  }
0x54: {  	s11 =	simm.s32 $0x600;
	s12 =	simm.s32 $0x2280;
	[sflag:s30] =	ssyncadd.s32 $0xFFFFD800  }
.LBB2_2:
0x55: {  	[spmem:s2] =	stream.indirect.scatter.add.f32 [tilespmem:s21], [sflag:$0x6], $0x80, s12, s16, $0xb8;
	[tilespmem:$0x1F400] =	vst v63  }
0x56: {  	s12 =	smov.u32 s11  }
0x57: {  	p0 =	sne.s32 s11, $0x6C00;
	s11 =	sadd.s32 $0x600, s11;
	_ =	swait.ge [sflag:s0], $0x2800  }
0x58: {  	s12 =	sshra.s32 s12, $0x2;
	[sflag:s0] =	ssyncset.done $0x0  }
0x59: {  	s18 =	sadd.s32 $0x280, s12;
	[sflag:s0] =	ssyncadd.s32 $0xFFFFD800  }
0x5a: {  	[tilespmem:s21], [sflag:$0x3] =	stream.indirect.gather [hbm4b:s4+s16], $0x80, s18, s16, $0xb8;
	[tilespmem:$0x1F400] =	vst v63  }
0x5b: {  	_ =	swait.ge [sflag:s22], $0x2800  }
0x5c: {  	[sflag:s22] =	ssyncset.done $0x0  }
0x5d: {  	s18 =	sadd.s32 $0x2180, s12;
	[sflag:s22] =	ssyncadd.s32 $0xFFFFD800  }
0x5e: {  	[spmem:s2] =	stream.indirect.scatter.add.f32 [tilespmem:s17], [sflag:$0x4], $0x80, s18, s16, $0xb8;
	[tilespmem:$0x1F400] =	vst v63  }
0x5f: {  	_ =	swait.ge [sflag:s23], $0x2800  }
0x60: {  	[sflag:s23] =	ssyncset.done $0x0  }
0x61: {  	s18 =	sadd.s32 $0x300, s12;
	[sflag:s23] =	ssyncadd.s32 $0xFFFFD800  }
0x62: {  	[tilespmem:s17], [sflag:$0x1] =	stream.indirect.gather [hbm4b:s4+s16], $0x80, s18, s16, $0xb8;
	[tilespmem:$0x1F400] =	vst v63  }
0x63: {  	_ =	swait.ge [sflag:s25], $0x2800  }
0x64: {  	[sflag:s25] =	ssyncset.done $0x0  }
0x65: {  	s18 =	sadd.s32 $0x2200, s12;
	[sflag:s25] =	ssyncadd.s32 $0xFFFFD800  }
0x66: {  	[spmem:s2] =	stream.indirect.scatter.add.f32 [tilespmem:s19], [sflag:$0x5], $0x80, s18, s16, $0xb8;
	[tilespmem:$0x1F400] =	vst v63  }
0x67: {  	_ =	swait.ge [sflag:s28], $0x2800  }
0x68: {  	[sflag:s28] =	ssyncset.done $0x0  }
.Ltmp0:
0x69: {  	s18 =	sadd.s32 $0x380, s12;
	[sflag:s28] =	ssyncadd.s32 $0xFFFFD800;
	(pc) =	sbr.rel @p0 .LBB2_2-.Ltmp0, $4  }
0x6a: {  	[tilespmem:s19], [sflag:$0x2] =	stream.indirect.gather [hbm4b:s4+s16], $0x80, s18, s16, $0xb8;
	[tilespmem:$0x1F400] =	vst v63  }
0x6b: {  	_ =	swait.ge [sflag:s30], $0x2800  }
0x6c: {  	[sflag:s30] =	ssyncset.done $0x0  }
0x6d: {  	s12 =	sadd.s32 $0x2280, s12;
	[sflag:s30] =	ssyncadd.s32 $0xFFFFD800  }
0x6e: {  	[spmem:s2] =	stream.indirect.scatter.add.f32 [tilespmem:s21], [sflag:$0x6], $0x80, s12, s16, $0xb8;
	[tilespmem:$0x1F400] =	vst v63  }
0x6f: {  	_ =	swait.ge [sflag:s0], $0x2800  }
0x70: {  	[sflag:s0] =	ssyncset.done $0x0  }
0x71: {  	[sflag:s0] =	ssyncadd.s32 $0xFFFFD800  }
0x72: {  	[tilespmem:s21], [sflag:$0x3] =	stream.indirect.gather [hbm4b:s4+s16], $0x80, s1, s16, $0xb8;
	[tilespmem:$0x1F400] =	vst v63  }
0x73: {  	_ =	swait.ge [sflag:s22], $0x2800  }
0x74: {  	[sflag:s22] =	ssyncset.done $0x0  }
0x75: {  	[sflag:s22] =	ssyncadd.s32 $0xFFFFD800  }
0x76: {  	[spmem:s2] =	stream.indirect.scatter.add.f32 [tilespmem:s17], [sflag:$0x4], $0x80, s5, s16, $0xb8;
	[tilespmem:$0x1F400] =	vst v63  }
0x77: {  	_ =	swait.ge [sflag:s23], $0x2800  }
0x78: {  	[sflag:s23] =	ssyncset.done $0x0  }
0x79: {  	[sflag:s23] =	ssyncadd.s32 $0xFFFFD800  }
0x7a: {  	_ =	swait.ge [sflag:s25], $0x2800  }
0x7b: {  	[sflag:s25] =	ssyncset.done $0x0  }
0x7c: {  	[sflag:s25] =	ssyncadd.s32 $0xFFFFD800  }
0x7d: {  	[spmem:s2] =	stream.indirect.scatter.add.f32 [tilespmem:s19], [sflag:$0x5], $0x80, s8, s16, $0xb8;
	[tilespmem:$0x1F400] =	vst v63  }
0x7e: {  	_ =	swait.ge [sflag:s28], $0x2800  }
0x7f: {  	[sflag:s28] =	ssyncset.done $0x0  }
0x80: {  	[sflag:s28] =	ssyncadd.s32 $0xFFFFD800  }
0x81: {  	_ =	swait.ge [sflag:s30], $0x2800  }
0x82: {  	[sflag:s30] =	ssyncset.done $0x0  }
0x83: {  	[sflag:s30] =	ssyncadd.s32 $0xFFFFD800  }
0x84: {  	[spmem:s2] =	stream.indirect.scatter.add.f32 [tilespmem:s21], [sflag:$0x6], $0x80, s9, s16, $0xb8;
	[tilespmem:$0x1F400] =	vst v63  }
0x85: {  	_ =	swait.ge [sflag:s0], $0x2800  }
0x86: {  	[sflag:s0] =	ssyncset.done $0x0  }
0x87: {  	s11 =	simm.s32 $0x0;
	s18 =	rddreg [dreg:$0x6];
	[sflag:s0] =	ssyncadd.s32 $0xFFFFD800  }
0x88: {  	[tilespmem:s11], [sflag:$0x7] =	stream.linear.gather [hbm4b:s18+s11], $0x1F80, $0x38;
	[tilespmem:$0x1F400] =	vst v63  }
0x89: {  	_ =	swait.ge [sflag:s14], $0x1F80  }
0x8a: {  	[sflag:s14] =	ssyncset.done $0x0  }
0x8b: {  	s18 =	rddreg [dreg:$0x7];
	[sflag:s14] =	ssyncadd.s32 $0xFFFFE080  }
0x8c: {  	[tilespmem:s15], [sflag:$0x7] =	stream.linear.gather [hbm4b:s18+s11], $0x1F80, $0x38;
	[tilespmem:$0x1F400] =	vst v63  }
0x8d: {  	_ =	swait.ge [sflag:s14], $0x1F80  }
0x8e: {  	[sflag:s14] =	ssyncset.done $0x0  }
0x8f: {  	[sflag:s14] =	ssyncadd.s32 $0xFFFFE080  }
0x90: {  	[tilespmem:s17], [sflag:$0x1] =	stream.indirect.gather [hbm4b:s4+s16], $0x80, s11, s16, $0xb8;
	[tilespmem:$0x1F400] =	vst v63  }
0x91: {  	s12 =	simm.s32 $0x80  }
0x92: {  	[tilespmem:s19], [sflag:$0x2] =	stream.indirect.gather [hbm4b:s4+s16], $0x80, s12, s16, $0xb8;
	[tilespmem:$0x1F400] =	vst v63  }
0x93: {  	_ = 	snop  }
0x94: {  	[tilespmem:s21], [sflag:$0x3] =	stream.indirect.gather [hbm4b:s4+s16], $0x80, s20, s16, $0xb8;
	[tilespmem:$0x1F400] =	vst v63  }
0x95: {  	_ =	swait.ge [sflag:s22], $0x2800  }
0x96: {  	[sflag:s22] =	ssyncset.done $0x0  }
0x97: {  	[sflag:s22] =	ssyncadd.s32 $0xFFFFD800  }
0x98: {  	[spmem:s2] =	stream.indirect.scatter.add.f32 [tilespmem:s17], [sflag:$0x4], $0x80, s15, s16, $0xb8;
	[tilespmem:$0x1F400] =	vst v63  }
0x99: {  	_ =	swait.ge [sflag:s23], $0x2800  }
0x9a: {  	[sflag:s23] =	ssyncset.done $0x0  }
0x9b: {  	[sflag:s23] =	ssyncadd.s32 $0xFFFFD800  }
0x9c: {  	[tilespmem:s17], [sflag:$0x1] =	stream.indirect.gather [hbm4b:s4+s16], $0x80, s24, s16, $0xb8;
	[tilespmem:$0x1F400] =	vst v63  }
0x9d: {  	_ =	swait.ge [sflag:s25], $0x2800  }
0x9e: {  	[sflag:s25] =	ssyncset.done $0x0  }
0x9f: {  	[sflag:s25] =	ssyncadd.s32 $0xFFFFD800  }
0xa0: {  	[spmem:s2] =	stream.indirect.scatter.add.f32 [tilespmem:s19], [sflag:$0x5], $0x80, s26, s16, $0xb8;
	[tilespmem:$0x1F400] =	vst v63  }
0xa1: {  	_ =	swait.ge [sflag:s28], $0x2800  }
0xa2: {  	[sflag:s28] =	ssyncset.done $0x0  }
0xa3: {  	[sflag:s28] =	ssyncadd.s32 $0xFFFFD800  }
0xa4: {  	[tilespmem:s19], [sflag:$0x2] =	stream.indirect.gather [hbm4b:s4+s16], $0x80, s29, s16, $0xb8;
	[tilespmem:$0x1F400] =	vst v63  }
0xa5: {  	_ =	swait.ge [sflag:s30], $0x2800  }
0xa6: {  	[sflag:s30] =	ssyncset.done $0x0  }
0xa7: {  	[sflag:s30] =	ssyncadd.s32 $0xFFFFD800  }
0xa8: {  	[spmem:s2] =	stream.indirect.scatter.add.f32 [tilespmem:s21], [sflag:$0x6], $0x80, s31, s16, $0xb8;
	[tilespmem:$0x1F400] =	vst v63  }
0xa9: {  	_ =	swait.ge [sflag:s0], $0x2800  }
0xaa: {  	[sflag:s0] =	ssyncset.done $0x0  }
0xab: {  	s18 =	simm.s32 $0x280;
	[sflag:s0] =	ssyncadd.s32 $0xFFFFD800  }
0xac: {  	[tilespmem:s21], [sflag:$0x3] =	stream.indirect.gather [hbm4b:s4+s16], $0x80, s18, s16, $0xb8;
	[tilespmem:$0x1F400] =	vst v63  }
0xad: {  	_ =	swait.ge [sflag:s22], $0x2800  }
0xae: {  	[sflag:s22] =	ssyncset.done $0x0  }
0xaf: {  	s12 =	simm.s32 $0x2180;
	[sflag:s22] =	ssyncadd.s32 $0xFFFFD800  }
0xb0: {  	[spmem:s2] =	stream.indirect.scatter.add.f32 [tilespmem:s17], [sflag:$0x4], $0x80, s12, s16, $0xb8;
	[tilespmem:$0x1F400] =	vst v63  }
0xb1: {  	_ =	swait.ge [sflag:s23], $0x2800  }
0xb2: {  	[sflag:s23] =	ssyncset.done $0x0  }
0xb3: {  	s18 =	simm.s32 $0x300;
	[sflag:s23] =	ssyncadd.s32 $0xFFFFD800  }
0xb4: {  	[tilespmem:s17], [sflag:$0x1] =	stream.indirect.gather [hbm4b:s4+s16], $0x80, s18, s16, $0xb8;
	[tilespmem:$0x1F400] =	vst v63  }
0xb5: {  	_ =	swait.ge [sflag:s25], $0x2800  }
0xb6: {  	[sflag:s25] =	ssyncset.done $0x0  }
0xb7: {  	s12 =	simm.s32 $0x2200;
	[sflag:s25] =	ssyncadd.s32 $0xFFFFD800  }
0xb8: {  	[spmem:s2] =	stream.indirect.scatter.add.f32 [tilespmem:s19], [sflag:$0x5], $0x80, s12, s16, $0xb8;
	[tilespmem:$0x1F400] =	vst v63  }
0xb9: {  	_ =	swait.ge [sflag:s28], $0x2800  }
0xba: {  	[sflag:s28] =	ssyncset.done $0x0  }
0xbb: {  	s18 =	simm.s32 $0x380;
	[sflag:s28] =	ssyncadd.s32 $0xFFFFD800  }
0xbc: {  	[tilespmem:s19], [sflag:$0x2] =	stream.indirect.gather [hbm4b:s4+s16], $0x80, s18, s16, $0xb8;
	[tilespmem:$0x1F400] =	vst v63  }
0xbd: {  	_ =	swait.ge [sflag:s30], $0x2800  }
0xbe: {  	[sflag:s30] =	ssyncset.done $0x0  }
0xbf: {  	s11 =	simm.s32 $0x600;
	s12 =	simm.s32 $0x2280;
	[sflag:s30] =	ssyncadd.s32 $0xFFFFD800  }
.LBB2_4:
0xc0: {  	[spmem:s2] =	stream.indirect.scatter.add.f32 [tilespmem:s21], [sflag:$0x6], $0x80, s12, s16, $0xb8;
	[tilespmem:$0x1F400] =	vst v63  }
0xc1: {  	s12 =	smov.u32 s11  }
0xc2: {  	p0 =	sne.s32 s11, $0x6C00;
	s11 =	sadd.s32 $0x600, s11;
	_ =	swait.ge [sflag:s0], $0x2800  }
0xc3: {  	s12 =	sshra.s32 s12, $0x2;
	[sflag:s0] =	ssyncset.done $0x0  }
0xc4: {  	s18 =	sadd.s32 $0x280, s12;
	[sflag:s0] =	ssyncadd.s32 $0xFFFFD800  }
0xc5: {  	[tilespmem:s21], [sflag:$0x3] =	stream.indirect.gather [hbm4b:s4+s16], $0x80, s18, s16, $0xb8;
	[tilespmem:$0x1F400] =	vst v63  }
0xc6: {  	_ =	swait.ge [sflag:s22], $0x2800  }
0xc7: {  	[sflag:s22] =	ssyncset.done $0x0  }
0xc8: {  	s18 =	sadd.s32 $0x2180, s12;
	[sflag:s22] =	ssyncadd.s32 $0xFFFFD800  }
0xc9: {  	[spmem:s2] =	stream.indirect.scatter.add.f32 [tilespmem:s17], [sflag:$0x4], $0x80, s18, s16, $0xb8;
	[tilespmem:$0x1F400] =	vst v63  }
0xca: {  	_ =	swait.ge [sflag:s23], $0x2800  }
0xcb: {  	[sflag:s23] =	ssyncset.done $0x0  }
0xcc: {  	s18 =	sadd.s32 $0x300, s12;
	[sflag:s23] =	ssyncadd.s32 $0xFFFFD800  }
0xcd: {  	[tilespmem:s17], [sflag:$0x1] =	stream.indirect.gather [hbm4b:s4+s16], $0x80, s18, s16, $0xb8;
	[tilespmem:$0x1F400] =	vst v63  }
0xce: {  	_ =	swait.ge [sflag:s25], $0x2800  }
0xcf: {  	[sflag:s25] =	ssyncset.done $0x0  }
0xd0: {  	s18 =	sadd.s32 $0x2200, s12;
	[sflag:s25] =	ssyncadd.s32 $0xFFFFD800  }
0xd1: {  	[spmem:s2] =	stream.indirect.scatter.add.f32 [tilespmem:s19], [sflag:$0x5], $0x80, s18, s16, $0xb8;
	[tilespmem:$0x1F400] =	vst v63  }
0xd2: {  	_ =	swait.ge [sflag:s28], $0x2800  }
0xd3: {  	[sflag:s28] =	ssyncset.done $0x0  }
.Ltmp1:
0xd4: {  	s18 =	sadd.s32 $0x380, s12;
	[sflag:s28] =	ssyncadd.s32 $0xFFFFD800;
	(pc) =	sbr.rel @p0 .LBB2_4-.Ltmp1, $4  }
0xd5: {  	[tilespmem:s19], [sflag:$0x2] =	stream.indirect.gather [hbm4b:s4+s16], $0x80, s18, s16, $0xb8;
	[tilespmem:$0x1F400] =	vst v63  }
0xd6: {  	_ =	swait.ge [sflag:s30], $0x2800  }
0xd7: {  	[sflag:s30] =	ssyncset.done $0x0  }
0xd8: {  	s12 =	sadd.s32 $0x2280, s12;
	[sflag:s30] =	ssyncadd.s32 $0xFFFFD800  }
0xd9: {  	[spmem:s2] =	stream.indirect.scatter.add.f32 [tilespmem:s21], [sflag:$0x6], $0x80, s12, s16, $0xb8;
	[tilespmem:$0x1F400] =	vst v63  }
0xda: {  	_ =	swait.ge [sflag:s0], $0x2800  }
0xdb: {  	[sflag:s0] =	ssyncset.done $0x0  }
0xdc: {  	[sflag:s0] =	ssyncadd.s32 $0xFFFFD800  }
0xdd: {  	[tilespmem:s21], [sflag:$0x3] =	stream.indirect.gather [hbm4b:s4+s16], $0x80, s1, s16, $0xb8;
	[tilespmem:$0x1F400] =	vst v63  }
0xde: {  	_ =	swait.ge [sflag:s22], $0x2800  }
0xdf: {  	[sflag:s22] =	ssyncset.done $0x0  }
0xe0: {  	[sflag:s22] =	ssyncadd.s32 $0xFFFFD800  }
0xe1: {  	[spmem:s2] =	stream.indirect.scatter.add.f32 [tilespmem:s17], [sflag:$0x4], $0x80, s5, s16, $0xb8;
	[tilespmem:$0x1F400] =	vst v63  }
0xe2: {  	_ =	swait.ge [sflag:s23], $0x2800  }
0xe3: {  	[sflag:s23] =	ssyncset.done $0x0  }
0xe4: {  	[sflag:s23] =	ssyncadd.s32 $0xFFFFD800  }
0xe5: {  	_ =	swait.ge [sflag:s25], $0x2800  }
0xe6: {  	[sflag:s25] =	ssyncset.done $0x0  }
0xe7: {  	[sflag:s25] =	ssyncadd.s32 $0xFFFFD800  }
0xe8: {  	[spmem:s2] =	stream.indirect.scatter.add.f32 [tilespmem:s19], [sflag:$0x5], $0x80, s8, s16, $0xb8;
	[tilespmem:$0x1F400] =	vst v63  }
0xe9: {  	_ =	swait.ge [sflag:s28], $0x2800  }
0xea: {  	[sflag:s28] =	ssyncset.done $0x0  }
0xeb: {  	[sflag:s28] =	ssyncadd.s32 $0xFFFFD800  }
0xec: {  	_ =	swait.ge [sflag:s30], $0x2800  }
0xed: {  	[sflag:s30] =	ssyncset.done $0x0  }
0xee: {  	[sflag:s30] =	ssyncadd.s32 $0xFFFFD800  }
0xef: {  	[spmem:s2] =	stream.indirect.scatter.add.f32 [tilespmem:s21], [sflag:$0x6], $0x80, s9, s16, $0xb8;
	[tilespmem:$0x1F400] =	vst v63  }
0xf0: {  	_ =	swait.ge [sflag:s0], $0x2800  }
0xf1: {  	[sflag:s0] =	ssyncset.done $0x0  }
0xf2: {  	[sflag:s0] =	ssyncadd.s32 $0xFFFFD800  }
0xf3: {  	[bflag:$0x0] =	sbarrier.arrive $0xFFFF  }
0xf4: {  	s11 =	rddreg [dreg:$0x8]  }
0xf5: {  	[hbm:s11], [sflag:s7] =	dma.local [spmem:s13], $0x2780  }
0xf6: {  	_ =	swait.ge [sflag:s14], $0x2780  }
0xf7: {  	s10 =	sadd.s32 $0x1, s10;
	s18 =	rddreg [dreg:$0x9]  }
0xf8: {  	p0 =	sne.s32 s10, s18  }
.Ltmp2:
0xf9: {  	_ = 	snop;
	(pc) =	sbr.rel @p0 .LBB2_1-.Ltmp2, $3  }
0xfa: {  	_ =	sdelay $0x1  }
0xfb: {  	[sflag:s14] =	ssyncset.done $0x0  }
0xfc: {  	[sflag:s14] =	ssyncadd.s32 $0xFFFFD880  }
0xfd: {  	_ =	sfence.sel $0x180000  }
0xfe: {  	[bflag:$0x0] =	sbarrier.arrive $0xFFFF  }
0xff: {  	_ =	strace $0x9000004D  }
0x100: {  	s0 =	stileid.u32;
	[bflag:$0x2] =	sbarrier.arrive $0xFFFF  }
0x101: {  	p0 =	sne.s32 s0, $0x0;
	s0 =	rddreg [dreg:$0x3]  }
0x102: {  	s0 =	sadd.s32 @!p0 $0x100000, s0  }
0x103: {  	[sflag:s0] =	ssyncadd.tile.s32 @!p0 $0x1;
	_ =	shalt  }
.Lfunc_end2:
_tile_overlayer_lowered:
.L_overlay_start_2:
0x104: {  	(tag) =	ssettag $0x2  }
0x105: {  	s0 =	rddreg [dreg:$0x0];
	s2 =	stileid.u32  }
0x106: {  	s1 =	rddreg [dreg:$0x1];
	p0 =	sne.s32 s2, $0x0  }
0x107: {  	s3 =	rddreg [dreg:$0x2];
	[bflag:$0x3] =	sbarrier.arrive $0xFFFF;
	s2 =	simm.s32 @!p0 $0x1C07  }
0x108: {  	[timem:s3], [sflag:s2] =	dma.local @!p0 [hbm:s0], s1  }
0x109: {  	s0 =	simm.s32 @!p0 $0x7  }
0x10a: {  	_ =	swait.ge @!p0 [sflag:s0], s1  }
0x10b: {  	s1 =	ssub.s32 @!p0 $0x0, s1;
	[sflag:s0] =	ssyncset.done @!p0 $0x0  }
0x10c: {  	[sflag:s0] =	ssyncadd.s32 @!p0 s1  }
0x10d: {  	[bflag:$0x3] =	sbarrier.arrive $0xFFFF  }
0x10e: {  	_ =	shalt  }

// kernel: kernel.8.cloned.1.call-start
scs
__scs_entry_jumppad:
0x0: {  	(pc) =	sbr.rel $0x88, $3  }
0x1: {  	(tag) =	ssettag $0x0;
	lr =	simm.s32 $0x1  }
0x2: {  	[smem:$0x3F9B] =	sst lr;
	_ =	strace $0xD0000000  }
0x3: {  	_ = 	snop  }
0x4: {  	_ = 	snop  }
0x5: {  	_ = 	snop  }
0x6: {  	_ = 	snop  }
0x7: {  	_ = 	snop  }
__scs_overlays_trampoline_lowered:
0x8: {  	[smem:$0x3FAA] =	sst s0  }
0x9: {  	[smem:$0x3FAB] =	sst s1  }
0xa: {  	[smem:$0x3FAC] =	sst s2  }
0xb: {  	[smem:$0x3FAD] =	sst s3  }
0xc: {  	[smem:$0x3FAE] =	sst s4  }
0xd: {  	[smem:$0x3FAF] =	sst s5  }
0xe: {  	[smem:$0x3FB0] =	sst s6  }
0xf: {  	[smem:$0x3FB1] =	sst s7  }
0x10: {  	[smem:$0x3FB2] =	sst s8  }
0x11: {  	[smem:$0x3FB3] =	sst s9;
	s0 =	simm.s32 @!p0 $0x0  }
0x12: {  	s1 =	sld [smem:$0x3F99];
	s0 =	simm.s32 @p0 $0x1  }
0x13: {  	[smem:$0x3FB4] =	sst s0;
	s0 =	simm.s32 @!p1 $0x0  }
0x14: {  	s2 =	sld [smem:$0x3F98];
	s0 =	simm.s32 @p1 $0x1  }
0x15: {  	[smem:$0x3FB5] =	sst s0;
	s0 =	simm.s32 @!p2 $0x0  }
0x16: {  	s3 =	sld [smem:$0x3FDB];
	s0 =	simm.s32 @p2 $0x1  }
0x17: {  	s4 =	simm.s32 $0x1BF5;
	[smem:$0x3FB7] =	sst s0  }
0x18: {  	s0 =	sld [smem:$0x3F9A];
	_ =	swait.ge [sflag:s4], $0x0  }
0x19: {  	s7 =	sld [smem:$0x3F9B]  }
0x1a: {  	s8 =	sadd.s32 $0xFFFFE003, lr  }
0x1b: {  	s9 =	sadd.s32 $0xFFFFFEF7, lr;
	s5 =	simm.s32 $0xFFFFFFFF;
	p2 =	slt.u32 s8, $0xFFFFF086  }
0x1c: {  	p1 =	slt.u32 s9, $0xF7A;
	s5 =	simm.s32 @!p2 $0x0  }
0x1d: {  	s5 =	simm.s32 @p1 $0x1;
	p0 =	seq.s32 s7, s2  }
0x1e: {  	s7 =	smul.u32 @!p0 $0xF7A, s2;
	p2 =	seq.s32 @!p0 s5, $0x0  }
0x1f: {  	s9 =	smul.u32 $0xF7A, s1;
	s8 =	simm.s32 @!p0 $0x1BF5;
	p2 =	por !p2, p0  }
0x20: {  	[sflag:s8] =	ssyncset.s32 @!p0 $0xFFFFF086;
	s6 =	sadd.s32 @!p0 s3, s7;
	s7 =	simm.s32 @!p0 $0x108  }
0x21: {  	s3 =	sadd.s32 s3, s9;
	s6 =	sadd.s32 @!p0 $0x88, s6;
	s7 =	simm.s32 @p2 $0x1082  }
0x22: {  	[simem:s7], [sflag:s8] =	dma.local @!p0 [hbm:s6], $0xF7A  }
0x23: {  	s9 =	sor.u32 $0xD0000000, s2;
	s6 =	simm.s32 $0x108;
	_ =	swait.ge @!p0 [sflag:s8], $0x0  }
0x24: {  	s3 =	sadd.s32 $0x88, s3;
	s6 =	simm.s32 @!p1 $0x1082;
	[sflag:s4] =	ssyncset.s32 $0xFFFFF086  }
0x25: {  	[simem:s6], [sflag:s4] =	dma.local [hbm:s3], $0xF7A  }
0x26: {  	[smem:$0x3F9B] =	sst s1;
	(tag) =	ssettag s2;
	_ =	strace s9  }
0x27: {  	s1 =	sld [smem:$0x3FAB]  }
0x28: {  	s2 =	sld [smem:$0x3FAC]  }
0x29: {  	s4 =	sld [smem:$0x3FAE]  }
0x2a: {  	p0 =	seq.s32 s5, $0x0;
	s5 =	sld [smem:$0x3FAF]  }
0x2b: {  	s6 =	sld [smem:$0x3FB0]  }
0x2c: {  	s7 =	sld [smem:$0x3FB1]  }
0x2d: {  	s3 =	simm.s32 $0x108;
	s8 =	sld [smem:$0x3FB2]  }
0x2e: {  	s3 =	simm.s32 @!p0 $0x1082;
	s9 =	sld [smem:$0x3FB3]  }
0x2f: {  	lr =	sadd.s32 s0, s3;
	s0 =	sld [smem:$0x3FAA]  }
0x30: {  	s3 =	sld [smem:$0x3FAD]  }
0x31: {  	[smem:$0x3FB6] =	sst s10  }
0x32: {  	s10 =	sld [smem:$0x3FB4];
	_ =	sdelay $0x3  }
0x33: {  	p0 =	seq.s32 s10, $0x1;
	s10 =	sld [smem:$0x3FB6];
	_ =	sdelay $0x3  }
0x34: {  	[smem:$0x3FB6] =	sst s10  }
0x35: {  	s10 =	sld [smem:$0x3FB5];
	_ =	sdelay $0x3  }
0x36: {  	p1 =	seq.s32 s10, $0x1;
	s10 =	sld [smem:$0x3FB6];
	_ =	sdelay $0x3  }
0x37: {  	[smem:$0x3FB6] =	sst s10  }
0x38: {  	s10 =	sld [smem:$0x3FB7]  }
0x39: {  	_ = 	snop;
	(pc) =	sbr.ind lr, $3  }
0x3a: {  	_ = 	snop  }
0x3b: {  	_ = 	snop  }
0x3c: {  	p2 =	seq.s32 s10, $0x1;
	s10 =	sld [smem:$0x3FB6]  }
0x3d: {  	_ =	shalt  }
0x3e: {  	_ =	shalt  }
0x3f: {  	_ =	shalt  }
0x40: {  	_ =	shalt  }
0x41: {  	_ =	shalt  }
0x42: {  	_ =	shalt  }
0x43: {  	_ =	shalt  }
0x44: {  	_ =	shalt  }
0x45: {  	_ =	shalt  }
0x46: {  	_ =	shalt  }
0x47: {  	_ =	shalt  }
0x48: {  	_ =	shalt  }
0x49: {  	_ =	shalt  }
0x4a: {  	_ =	shalt  }
0x4b: {  	_ =	shalt  }
0x4c: {  	_ =	shalt  }
0x4d: {  	_ =	shalt  }
0x4e: {  	_ =	shalt  }
0x4f: {  	_ =	shalt  }
0x50: {  	_ =	shalt  }
0x51: {  	_ =	shalt  }
0x52: {  	_ =	shalt  }
0x53: {  	_ =	shalt  }
0x54: {  	_ =	shalt  }
0x55: {  	_ =	shalt  }
0x56: {  	_ =	shalt  }
0x57: {  	_ =	shalt  }
0x58: {  	_ =	shalt  }
0x59: {  	_ =	shalt  }
0x5a: {  	_ =	shalt  }
0x5b: {  	_ =	shalt  }
0x5c: {  	_ =	shalt  }
0x5d: {  	_ =	shalt  }
0x5e: {  	_ =	shalt  }
0x5f: {  	_ =	shalt  }
0x60: {  	_ =	shalt  }
0x61: {  	_ =	shalt  }
0x62: {  	_ =	shalt  }
0x63: {  	_ =	shalt  }
0x64: {  	_ =	shalt  }
0x65: {  	_ =	shalt  }
0x66: {  	_ =	shalt  }
0x67: {  	_ =	shalt  }
0x68: {  	_ =	shalt  }
0x69: {  	_ =	shalt  }
0x6a: {  	_ =	shalt  }
0x6b: {  	_ =	shalt  }
0x6c: {  	_ =	shalt  }
0x6d: {  	_ =	shalt  }
0x6e: {  	_ =	shalt  }
0x6f: {  	_ =	shalt  }
0x70: {  	_ =	shalt  }
0x71: {  	_ =	shalt  }
0x72: {  	_ =	shalt  }
0x73: {  	_ =	shalt  }
0x74: {  	_ =	shalt  }
0x75: {  	_ =	shalt  }
0x76: {  	_ =	shalt  }
0x77: {  	_ =	shalt  }
0x78: {  	_ =	shalt  }
0x79: {  	_ =	shalt  }
0x7a: {  	_ =	shalt  }
0x7b: {  	_ =	shalt  }
0x7c: {  	_ =	shalt  }
0x7d: {  	_ =	shalt  }
0x7e: {  	_ =	shalt  }
0x7f: {  	_ =	shalt  }
0x80: {  	_ =	shalt  }
0x81: {  	_ =	shalt  }
0x82: {  	_ =	shalt  }
0x83: {  	_ =	shalt  }
0x84: {  	_ =	shalt  }
0x85: {  	_ =	shalt  }
0x86: {  	_ =	shalt  }
0x87: {  	_ =	shalt  }
.Lfunc_end0:
.L_simem_size_0:
called_computation_lowered:
.L_overlay_start_0:
0x88: {  	s2 =	sld [smem:$0x3FD9]  }
0x89: {  	s3 =	sld [smem:$0x3FFE];
	_ =	sdelay $0x1  }
0x8a: {  	s1 =	srdreg.scid  }
0x8b: {  	s0 =	sand.u32 $0x1, s1  }
0x8c: {  	s16 =	sshll.u32 s0, $0xA;
	s2 =	sadd.s32 s3, s2  }
0x8d: {  	s2 =	sadd.s32 s2, s16  }
0x8e: {  	[smem:$0x3FC2] =	sst s2  }
0x8f: {  	_ = 	snop  }
0x90: {  	(tm) =	ssettm $0x1  }
0x91: {  	s17 =	sld [smem:$0x3FFB];
	_ =	sdelay $0x3  }
0x92: {  	_ =	strace s17  }
0x93: {  	s2 =	sld [smem:$0x3FFC];
	_ =	sdelay $0x3  }
0x94: {  	_ =	strace s2  }
0x95: {  	s2 =	sld [smem:$0x3FFD];
	_ =	sdelay $0x3  }
0x96: {  	_ =	strace s2  }
0x97: {  	_ =	strace $0x8FFFFFFF  }
0x98: {  	s18 =	sld [smem:$0x3FDB];
	_ =	sdelay $0x1  }
0x99: {  	s19 =	simm.s32 $_scs_section_size  }
0x9a: {  	s4 =	simm.s32 $_size__tile_overlayer_lowered;
	s5 =	simm.s32 $_tile_overlayer_lowered  }
0x9b: {  	s22 =	simm.s32 $0x1BFF;
	s21 =	sshll.u32 s5, $0x1;
	s2 =	sadd.s32 s19, s18  }
0x9c: {  	s6 =	simm.s32 $0x0;
	s20 =	sshll.u32 s4, $0x1;
	s4 =	sadd.s32 s21, s2  }
0x9d: {  	[timem:s6], [sflag:s22] =	dma.local [hbm:s4], s20  }
0x9e: {  	_ =	swait.ge [sflag:s22], s20  }
0x9f: {  	s3 =	ssub.s32 $0x0, s20;
	[sflag:s22] =	ssyncset.done $0x0  }
0xa0: {  	[sflag:s22] =	ssyncadd.s32 s3;
	_ =	sdelay $0x1  }
0xa1: {  	s23 =	simm.s32 $0x1B8B  }
0xa2: {  	_ =	swait.ge [sflag:s23], $0x1  }
0xa3: {  	[sflag:s23] =	ssyncset.done $0x0  }
0xa4: {  	s25 =	simm.s32 $0x1B8E;
	s24 =	sld [smem:$0x3FFE];
	[sflag:s23] =	ssyncadd.s32 $0xFFFFFFFF  }
0xa5: {  	s26 =	simm.s32 $execute0_lowered;
	[smem:$0x3FD2] =	sst s25  }
0xa6: {  	s4 =	sshll.u32 s26, $0x1;
	_ =	strace $0x80000046;
	[dreg:$0x1] =	wrdreg $0xFFFFFFFF  }
0xa7: {  	s28 =	simm.s32 $_size_execute0_lowered;
	s2 =	sadd.s32 s2, s4;
	[dreg:$0x0] =	wrdreg $0x0  }
0xa8: {  	s4 =	sshll.u32 s28, $0x1;
	[dreg:$0x2] =	wrdreg s2  }
0xa9: {  	[dreg:$0x3] =	wrdreg s4  }
0xaa: {  	[dreg:$0x4] =	wrdreg $0xC0  }
0xab: {  	_ =	task [dreg:s6], $0x5FFFF  }
0xac: {  	[dreg:$0x1] =	wrdreg $0xFFFFFFFF  }
0xad: {  	[dreg:$0x0] =	wrdreg $0x60  }
0xae: {  	[dreg:$0x2] =	wrdreg s24  }
0xaf: {  	[dreg:$0x3] =	wrdreg $0x48000  }
0xb0: {  	[dreg:$0x4] =	wrdreg $0x9  }
0xb1: {  	_ =	task.clear_ibuf [dreg:s6], $0x5FFFF;
	_ =	strace $0x90000046  }
0xb2: {  	s29 =	simm.s32 $0x9;
	_ =	strace $0x80000048  }
0xb3: {  	_ =	swait.ge [sflag:s29], $0x1  }
0xb4: {  	[sflag:s29] =	ssyncadd.s32 $0xFFFFFFFF  }
0xb5: {  	_ =	strace $0x90000048  }
0xb6: {  	_ =	sfence  }
0xb7: {  	s30 =	sld [smem:$0x0];
	_ =	sdelay $0x2  }
0xb8: {  	s31 =	sshll.u32 s1, $0xD;
	s1 =	sshrl.u32 s1, $0x2  }
0xb9: {  	s3 =	sand.u32 $0x4000, s31;
	s1 =	sadd.s32 s1, s30  }
0xba: {  	s0 =	sor.u32 s3, s0;
	s1 =	sshll.u32 s1, $0x11  }
0xbb: {  	s0 =	sor.u32 s1, s0  }
0xbc: {  	s0 =	sadd.s32 $0x8F2B, s0  }
0xbd: {  	[sflag:s0] =	ssyncadd.remote.s32 $0x1  }
0xbe: {  	_ =	sfence.sel $0xFFFF  }
0xbf: {  	[dreg:$0x0] =	wrdreg $0xFFFFFFFF;
	(pc) =	sbr.abs _section_cstart, $3  }
0xc0: {  	[dreg:$0x1] =	wrdreg $0xFFFFFFFF  }
0xc1: {  	_ =	task.clear_ibuf [dreg:s6], $0x2FFFF;
	_ =	strace $0x9FFFFFFF  }
0xc2: {  	(tm) =	ssettm $0x7FFFFFFF  }
0xc3: {  	_ =	shalt  }
tec
execute0_lowered:
.L_overlay_start_1:
0x0: {  	(tag) =	ssettag $0x1  }
0x1: {  	s5 =	rddreg [dreg:$0x0]  }
0x2: {  	s2 =	rddreg [dreg:$0x1]  }
0x3: {  	s0 =	rddreg [dreg:$0x2];
	s4 =	srdreg.scid  }
0x4: {  	s1 =	stileid.u32;
	s3 =	simm.s32 $0x0;
	s12 =	simm.s32 $0x50  }
0x5: {  	s13 =	simm.s32 $0x1;
	s14 =	simm.s32 $0x2;
	s15 =	simm.s32 $0x3  }
0x6: {  	s16 =	simm.s32 $0x0;
	s6 =	sand.u32 $0x1, s4;
	s7 =	smul.u32 $0x2780, s1  }
0x7: {  	[smem:$0x7FF] =	sst s3;
	s4 =	sadd.s32 $0x9E00, s5;
	s26 =	smul.u32 $0x4F000, s1  }
0x8: {  	s29 =	sshll.u32 s1, $0xB;
	s31 =	sshll.u32 s1, $0x6;
	s8 =	smul.u32 $0x27800, s6  }
0x9: {  	_ =	strace $0x80000047;
	s9 =	sshll.u32 s6, $0xA;
	s28 =	ssub.s32 $0x2, s6  }
0xa: {  	s9 =	sadd.s32 s9, s5;
	s10 =	sshrl.u32 s28, $0x1;
	s7 =	sadd.s32 s7, s8  }
0xb: {  	s6 =	sadd.s32 s29, s9;
	s8 =	sshrl.u32 s26, $0x2;
	s30 =	ssub.s32 s28, s10  }
0xc: {  	s9 =	simm.s32 $0x2000;
	s10 =	sor.u32 $0x1C04, s31;
	s7 =	sadd.s32 s7, s5  }
0xd: {  	s5 =	sadd.s32 $0x1E00, s6;
	s11 =	sadd.s32 s8, s2;
	s8 =	simm.s32 $0x4  }
0xe: {  	s6 =	sadd.s32 $0xC600, s7;
	s7 =	smax.u32 s30, $0x1;
	s11 =	sshrl.u32 s11, $0x3  }
.LBB2_1:
0xf: {  	[tilespmem:s3], [sflag:$0x4] =	stream.linear.gather [hbm4b:s5+s3], $0x1F80, $0x38;
	[tilespmem:$0x18400] =	vst v63  }
0x10: {  	_ =	swait.ge [sflag:s8], $0x1F80  }
0x11: {  	[sflag:s8] =	ssyncset.done $0x0  }
0x12: {  	[sflag:s8] =	ssyncadd.s32 $0xFFFFE080  }
0x13: {  	[tilespmem:s9], [sflag:$0x4] =	stream.linear.gather [hbm4b:s4+s3], $0x2800, $0x38;
	[tilespmem:$0x18400] =	vst v63  }
0x14: {  	_ =	swait.ge [sflag:s8], $0x2800  }
0x15: {  	[sflag:s8] =	ssyncset.done $0x0  }
0x16: {  	[sflag:s8] =	ssyncadd.s32 $0xFFFFD800  }
0x17: {  	[spmem:s11], [sflag:s10] =	dma.local [hbm:s4], $0x2780  }
0x18: {  	_ =	swait.ge [sflag:s8], $0x2780  }
0x19: {  	[sflag:s8] =	ssyncset.done $0x0  }
0x1a: {  	[sflag:s8] =	ssyncadd.s32 $0xFFFFD880  }
0x1b: {  	s17 =	simm.s32 $0x0;
	[bflag:$0x0] =	sbarrier.arrive $0xFFFF  }
0x1c: {  	[spmem:s2] =	stream.indirect.scatter.add.f32 [tilespmem:s9], [sflag:$0x1], $0x80, s17, s12, $0xb8;
	[tilespmem:$0x18400] =	vst v63  }
0x1d: {  	s30 =	simm.s32 $0x80  }
0x1e: {  	[spmem:s2] =	stream.indirect.scatter.add.f32 [tilespmem:s9], [sflag:$0x2], $0x80, s30, s12, $0xb8;
	[tilespmem:$0x18400] =	vst v63  }
0x1f: {  	s31 =	simm.s32 $0x100  }
0x20: {  	[spmem:s2] =	stream.indirect.scatter.add.f32 [tilespmem:s9], [sflag:$0x3], $0x80, s31, s12, $0xb8;
	[tilespmem:$0x18400] =	vst v63  }
0x21: {  	_ =	swait.ge [sflag:s13], $0x2800  }
0x22: {  	[sflag:s13] =	ssyncset.done $0x0  }
0x23: {  	[sflag:s13] =	ssyncadd.s32 $0xFFFFD800  }
0x24: {  	_ =	swait.ge [sflag:s14], $0x2800  }
0x25: {  	[sflag:s14] =	ssyncset.done $0x0  }
0x26: {  	[sflag:s14] =	ssyncadd.s32 $0xFFFFD800  }
0x27: {  	_ =	swait.ge [sflag:s15], $0x2800  }
0x28: {  	s18 =	simm.s32 $0xC00;
	s17 =	simm.s32 $0x600;
	[sflag:s15] =	ssyncset.done $0x0  }
.LBB2_2:
0x29: {  	s19 =	sshra.s32 s17, $0x2  }
0x2a: {  	[sflag:s15] =	ssyncadd.s32 $0xFFFFD800;
	s17 =	smov.u32 s18;
	s20 =	sadd.s32 $0x600, s18  }
0x2b: {  	[spmem:s2] =	stream.indirect.scatter.add.f32 [tilespmem:s9], [sflag:$0x1], $0x80, s19, s12, $0xb8;
	[tilespmem:$0x18400] =	vst v63  }
0x2c: {  	p0 =	sne.s32 s18, $0x7800;
	s18 =	sadd.s32 $0x80, s19  }
0x2d: {  	[spmem:s2] =	stream.indirect.scatter.add.f32 [tilespmem:s9], [sflag:$0x2], $0x80, s18, s12, $0xb8;
	[tilespmem:$0x18400] =	vst v63  }
0x2e: {  	s18 =	sadd.s32 $0x100, s19  }
0x2f: {  	[spmem:s2] =	stream.indirect.scatter.add.f32 [tilespmem:s9], [sflag:$0x3], $0x80, s18, s12, $0xb8;
	[tilespmem:$0x18400] =	vst v63  }
0x30: {  	_ =	swait.ge [sflag:s13], $0x2800  }
0x31: {  	[sflag:s13] =	ssyncset.done $0x0  }
0x32: {  	[sflag:s13] =	ssyncadd.s32 $0xFFFFD800  }
.Ltmp0:
0x33: {  	_ =	swait.ge [sflag:s14], $0x2800;
	(pc) =	sbr.rel @p0 .LBB2_2-.Ltmp0, $4  }
0x34: {  	[sflag:s14] =	ssyncset.done $0x0  }
0x35: {  	[sflag:s14] =	ssyncadd.s32 $0xFFFFD800  }
0x36: {  	_ =	swait.ge [sflag:s15], $0x2800  }
0x37: {  	s18 =	smov.u32 s20;
	[sflag:s15] =	ssyncset.done $0x0  }
0x38: {  	s17 =	sshra.s32 s17, $0x2;
	[sflag:s15] =	ssyncadd.s32 $0xFFFFD800  }
0x39: {  	[spmem:s2] =	stream.indirect.scatter.add.f32 [tilespmem:s9], [sflag:$0x1], $0x80, s17, s12, $0xb8;
	[tilespmem:$0x18400] =	vst v63  }
0x3a: {  	s18 =	sadd.s32 $0x80, s17  }
0x3b: {  	[spmem:s2] =	stream.indirect.scatter.add.f32 [tilespmem:s9], [sflag:$0x2], $0x80, s18, s12, $0xb8;
	[tilespmem:$0x18400] =	vst v63  }
0x3c: {  	s17 =	sadd.s32 $0x100, s17  }
0x3d: {  	[spmem:s2] =	stream.indirect.scatter.add.f32 [tilespmem:s9], [sflag:$0x3], $0x80, s17, s12, $0xb8;
	[tilespmem:$0x18400] =	vst v63  }
0x3e: {  	_ =	swait.ge [sflag:s13], $0x2800  }
0x3f: {  	[sflag:s13] =	ssyncset.done $0x0  }
0x40: {  	[sflag:s13] =	ssyncadd.s32 $0xFFFFD800  }
0x41: {  	_ =	swait.ge [sflag:s14], $0x2800  }
0x42: {  	[sflag:s14] =	ssyncset.done $0x0  }
0x43: {  	[sflag:s14] =	ssyncadd.s32 $0xFFFFD800  }
0x44: {  	_ =	swait.ge [sflag:s15], $0x2800  }
0x45: {  	s16 =	sadd.s32 $0x1, s16;
	[sflag:s15] =	ssyncset.done $0x0  }
0x46: {  	p0 =	sne.s32 s16, s7;
	[sflag:s15] =	ssyncadd.s32 $0xFFFFD800  }
.Ltmp1:
0x47: {  	[bflag:$0x0] =	sbarrier.arrive $0xFFFF;
	(pc) =	sbr.rel @p0 .LBB2_1-.Ltmp1, $4  }
0x48: {  	[hbm:s6], [sflag:s10] =	dma.local [spmem:s11], $0x2780  }
0x49: {  	_ =	swait.ge [sflag:s8], $0x2780  }
0x4a: {  	[sflag:s8] =	ssyncset.done $0x0  }
0x4b: {  	[sflag:s8] =	ssyncadd.s32 $0xFFFFD880  }
0x4c: {  	_ =	sfence.sel $0x180000  }
0x4d: {  	[bflag:$0x0] =	sbarrier.arrive $0xFFFF  }
0x4e: {  	p0 =	sne.s32 s1, $0x0;
	_ =	strace $0x90000047  }
0x4f: {  	s0 =	sadd.s32 @!p0 $0x100000, s0;
	[bflag:$0x2] =	sbarrier.arrive $0xFFFF  }
0x50: {  	[sflag:s0] =	ssyncadd.tile.s32 @!p0 $0x1;
	_ =	shalt  }
.Lfunc_end2:
_tile_overlayer_lowered:
.L_overlay_start_2:
0x51: {  	(tag) =	ssettag $0x2  }
0x52: {  	s0 =	rddreg [dreg:$0x0];
	s2 =	stileid.u32  }
0x53: {  	s1 =	rddreg [dreg:$0x1];
	p0 =	sne.s32 s2, $0x0  }
0x54: {  	s3 =	rddreg [dreg:$0x2];
	[bflag:$0x3] =	sbarrier.arrive $0xFFFF;
	s2 =	simm.s32 @!p0 $0x1C04  }
0x55: {  	[timem:s3], [sflag:s2] =	dma.local @!p0 [hbm:s0], s1  }
0x56: {  	s0 =	simm.s32 @!p0 $0x4  }
0x57: {  	_ =	swait.ge @!p0 [sflag:s0], s1  }
0x58: {  	s1 =	ssub.s32 @!p0 $0x0, s1;
	[sflag:s0] =	ssyncset.done @!p0 $0x0  }
0x59: {  	[sflag:s0] =	ssyncadd.s32 @!p0 s1  }
0x5a: {  	[bflag:$0x3] =	sbarrier.arrive $0xFFFF  }
0x5b: {  	_ =	shalt  }

</sc_bundles>
